<compile_context>
chip_gen: v7x
topology: tpu7x:2x2x1
jax: 0.10.2.dev20260603
libtpu: 0.0.44.dev20260713+nightly
codegen_flags: <defaults>
</compile_context>

<pallas_src>
import functools

import jax
import jax.numpy as jnp
from jax import lax
from jax.experimental import pallas as pl
from jax.experimental.pallas import tpu as pltpu
from jax.experimental.pallas import tpu_sc as plsc

N = 10000
E = 320000
D_IN = 128
H1, C1 = 8, 16
OUT = 64

NC, NS = 2, 16
NW = NC * NS
R = 10240
RPT = R // NS
ETOT = E + N
CH = 120
NCHUNK = 88
EPW = NCHUNK * CH
EPAD = EPW * NW

TS = 80
TD = 16
NQ = 4


def _mesh():
    return plsc.VectorSubcoreMesh(
        core_axis_name="c", subcore_axis_name="s", num_cores=NC, num_subcores=NS
    )



def _edge_body(cph, tabs_hbm, tabd_hbm, src_hbm, dst_hbm, zrow_hbm, out_hbm,
               srcall, dstall, rs0, rs1, rd0, rd1, ob0, ob1, acc,
               gs0, gs1, gd0, gd1, ss0, ss1):
    cid = lax.axis_index("c")
    sid = lax.axis_index("s")
    wid = sid * NC + cid

    pltpu.sync_copy(zrow_hbm, acc.at[pl.ds(sid * RPT, RPT)])
    pltpu.sync_copy(src_hbm.at[wid], srcall)
    pltpu.sync_copy(dst_hbm.at[wid], dstall)
    plsc.subcore_barrier()

    rs = (rs0, rs1)
    rd = (rd0, rd1)
    ob = (ob0, ob1)
    gs = (gs0, gs1)
    gd = (gd0, gd1)
    ss = (ss0, ss1)

    def g_start(b, c):
        pltpu.make_async_copy(tabs_hbm.at[srcall.at[c]], rs[b], gs[b]).start()
        pltpu.make_async_copy(tabd_hbm.at[dstall.at[c]], rd[b], gd[b]).start()

    def g_wait(b, c):
        pltpu.make_async_copy(tabs_hbm.at[srcall.at[c]], rs[b], gs[b]).wait()
        pltpu.make_async_copy(tabd_hbm.at[dstall.at[c]], rd[b], gd[b]).wait()

    def s_start(b, c):
        pltpu.make_async_copy(ob[b], acc.at[dstall.at[c]], ss[b]).start(add=True)

    def s_wait(b, c):
        pltpu.make_async_copy(ob[b], acc.at[dstall.at[c]], ss[b]).wait()

    def compute(b):
        rows_s, rows_d, out_rows = rs[b], rd[b], ob[b]

        @pl.loop(0, CH)
        def _edges(i):
            als = rows_s[i, pl.ds(64, 16)]
            ald = rows_d[i, pl.ds(0, 16)]
            t = als + ald
            t = jnp.maximum(t, t * 0.2)
            w = jnp.exp(t)
            out_rows[i, pl.ds(64, 16)] = w
            for q in range(NQ):
                out_rows[i, pl.ds(q * 16, 16)] = (
                    rows_s[i, pl.ds(q * 16, 16)] * w[q // cph]
                )

    def sel(c):
        return jnp.where(c < NCHUNK, c, 0)

    g_start(0, 0)
    g_start(1, 1)

    @pl.loop(0, NCHUNK // 2)
    def _chunks(p):
        c0 = 2 * p
        g_wait(0, c0)

        @pl.when(p > 0)
        def _():
            s_wait(0, c0 - 2)

        compute(0)
        s_start(0, c0)
        g_start(0, sel(c0 + 2))

        g_wait(1, c0 + 1)

        @pl.when(p > 0)
        def _():
            s_wait(1, c0 - 1)

        compute(1)
        s_start(1, c0 + 1)
        g_start(1, sel(c0 + 3))

    g_wait(0, 0)
    g_wait(1, 0)
    s_wait(0, NCHUNK - 2)
    s_wait(1, NCHUNK - 1)
    plsc.subcore_barrier()
    pltpu.sync_copy(acc.at[pl.ds(sid * RPT, RPT)],
                    out_hbm.at[cid, pl.ds(sid * RPT, RPT)])


def _edge_pass(tabs, tabd, src3, dst3, nheads):
    zrow = jnp.zeros((RPT, TS), jnp.float32)
    kern = pl.kernel(
        functools.partial(_edge_body, NQ // nheads),
        out_type=jax.ShapeDtypeStruct((NC, R, TS), jnp.float32),
        mesh=_mesh(),
        compiler_params=pltpu.CompilerParams(use_tc_tiling_on_sc=False),
        scratch_types=[
            pltpu.VMEM((NCHUNK, CH), jnp.int32),
            pltpu.VMEM((NCHUNK, CH), jnp.int32),
            pltpu.VMEM((CH, TS), jnp.float32),
            pltpu.VMEM((CH, TS), jnp.float32),
            pltpu.VMEM((CH, TD), jnp.float32),
            pltpu.VMEM((CH, TD), jnp.float32),
            pltpu.VMEM((CH, TS), jnp.float32),
            pltpu.VMEM((CH, TS), jnp.float32),
            pltpu.VMEM_SHARED((R, TS), jnp.float32),
            pltpu.SemaphoreType.DMA,
            pltpu.SemaphoreType.DMA,
            pltpu.SemaphoreType.DMA,
            pltpu.SemaphoreType.DMA,
            pltpu.SemaphoreType.DMA,
            pltpu.SemaphoreType.DMA,
        ],
    )
    return kern(tabs, tabd, src3, dst3, zrow)



_HI = jax.lax.Precision.HIGHEST


def _prep1_body(x_ref, w_ref, as_ref, ad_ref, tabsa_ref, tabsb_ref,
                tabda_ref, tabdb_ref):
    h = jnp.dot(x_ref[...], w_ref[...], preferred_element_type=jnp.float32,
                precision=_HI)
    als = jnp.dot(h, as_ref[...], preferred_element_type=jnp.float32,
                  precision=_HI)
    ald = jnp.dot(h, ad_ref[...], preferred_element_type=jnp.float32,
                  precision=_HI)
    br = h.shape[0]
    z12 = jnp.zeros((br, 12), jnp.float32)
    tabsa_ref[...] = jnp.concatenate([h[:, :64], als[:, :4], z12], axis=1)
    tabsb_ref[...] = jnp.concatenate([h[:, 64:], als[:, 4:], z12], axis=1)
    tabda_ref[...] = jnp.concatenate([ald[:, :4], z12], axis=1)
    tabdb_ref[...] = jnp.concatenate([ald[:, 4:], z12], axis=1)


def _prep1(x_pad, W1, As1, Ad1):
    br = 1280
    grid = (R // br,)
    return pl.pallas_call(
        _prep1_body,
        grid=grid,
        in_specs=[
            pl.BlockSpec((br, D_IN), lambda i: (i, 0)),
            pl.BlockSpec((D_IN, D_IN), lambda i: (0, 0)),
            pl.BlockSpec((D_IN, H1), lambda i: (0, 0)),
            pl.BlockSpec((D_IN, H1), lambda i: (0, 0)),
        ],
        out_specs=[
            pl.BlockSpec((br, TS), lambda i: (i, 0)),
            pl.BlockSpec((br, TS), lambda i: (i, 0)),
            pl.BlockSpec((br, TD), lambda i: (i, 0)),
            pl.BlockSpec((br, TD), lambda i: (i, 0)),
        ],
        out_shape=[
            jax.ShapeDtypeStruct((R, TS), jnp.float32),
            jax.ShapeDtypeStruct((R, TS), jnp.float32),
            jax.ShapeDtypeStruct((R, TD), jnp.float32),
            jax.ShapeDtypeStruct((R, TD), jnp.float32),
        ],
    )(x_pad, W1, As1, Ad1)


def _mid_body(acca_ref, accb_ref, exp8_ref, b1_ref, w2_ref, as2_ref, ad2_ref,
              tabs_ref, tabd_ref):
    a = acca_ref[0] + acca_ref[1]
    b = accb_ref[0] + accb_ref[1]
    hsum = jnp.concatenate([a[:, :64], b[:, :64]], axis=1)
    den = jnp.concatenate([a[:, 64:64 + 4], b[:, 64:64 + 4]], axis=1)
    rw = jnp.dot(1.0 / (den + 1e-16), exp8_ref[...],
                 preferred_element_type=jnp.float32, precision=_HI)
    p = hsum * rw + b1_ref[...]
    o1 = jnp.where(p > 0, p, jnp.exp(jnp.minimum(p, 0.0)) - 1.0)
    h2 = jnp.dot(o1, w2_ref[...], preferred_element_type=jnp.float32,
                 precision=_HI)
    als = jnp.dot(h2, as2_ref[...], preferred_element_type=jnp.float32,
                  precision=_HI)
    ald = jnp.dot(h2, ad2_ref[...], preferred_element_type=jnp.float32,
                  precision=_HI)
    br = h2.shape[0]
    z15 = jnp.zeros((br, 15), jnp.float32)
    tabs_ref[...] = jnp.concatenate([h2, als, z15], axis=1)
    tabd_ref[...] = jnp.concatenate([ald, z15], axis=1)


def _mid(acca, accb, Exp8, b1row, W2, As2, Ad2):
    br = 1280
    grid = (R // br,)
    return pl.pallas_call(
        _mid_body,
        grid=grid,
        in_specs=[
            pl.BlockSpec((NC, br, TS), lambda i: (0, i, 0)),
            pl.BlockSpec((NC, br, TS), lambda i: (0, i, 0)),
            pl.BlockSpec((H1, D_IN), lambda i: (0, 0)),
            pl.BlockSpec((1, D_IN), lambda i: (0, 0)),
            pl.BlockSpec((D_IN, OUT), lambda i: (0, 0)),
            pl.BlockSpec((OUT, 1), lambda i: (0, 0)),
            pl.BlockSpec((OUT, 1), lambda i: (0, 0)),
        ],
        out_specs=[
            pl.BlockSpec((br, TS), lambda i: (i, 0)),
            pl.BlockSpec((br, TD), lambda i: (i, 0)),
        ],
        out_shape=[
            jax.ShapeDtypeStruct((R, TS), jnp.float32),
            jax.ShapeDtypeStruct((R, TD), jnp.float32),
        ],
    )(acca, accb, Exp8, b1row, W2, As2, Ad2)


def _final_body(acc_ref, b2_ref, out_ref):
    a = acc_ref[0] + acc_ref[1]
    o = a[:, :OUT] / (a[:, OUT:OUT + 1] + 1e-16) + b2_ref[...]
    m = jnp.max(o, axis=1, keepdims=True)
    l = o - m
    out_ref[...] = l - jnp.log(jnp.sum(jnp.exp(l), axis=1, keepdims=True))


def _final(acc2, b2row):
    br = 2000
    grid = (N // br,)
    return pl.pallas_call(
        _final_body,
        grid=grid,
        in_specs=[
            pl.BlockSpec((NC, br, TS), lambda i: (0, i, 0)),
            pl.BlockSpec((1, OUT), lambda i: (0, 0)),
        ],
        out_specs=pl.BlockSpec((br, OUT), lambda i: (i, 0)),
        out_shape=jax.ShapeDtypeStruct((N, OUT), jnp.float32),
    )(acc2, b2row)



def kernel(x, edge_index, W1, a_src1, a_dst1, b1, W2, a_src2, a_dst2, b2):
    loop_idx = jnp.arange(N, dtype=jnp.int32)
    npad = EPAD - ETOT
    padd = N + (jnp.arange(npad, dtype=jnp.int32) % (R - N))
    pads = N + (jnp.arange(npad, dtype=jnp.int32) % (R - N))
    src = jnp.concatenate([edge_index[0].astype(jnp.int32), loop_idx, pads])
    dst = jnp.concatenate([edge_index[1].astype(jnp.int32), loop_idx, padd])
    src3 = src.reshape(NCHUNK, NW, CH).transpose(1, 0, 2)
    dst3 = dst.reshape(NCHUNK, NW, CH).transpose(1, 0, 2)

    x_pad = jnp.zeros((R, D_IN), x.dtype).at[:N].set(x)

    lanes = jnp.arange(D_IN)
    heads = jnp.arange(H1)
    mask = (lanes[:, None] // C1) == heads[None, :]
    As1 = jnp.where(mask, a_src1.reshape(-1)[:, None], 0.0)
    Ad1 = jnp.where(mask, a_dst1.reshape(-1)[:, None], 0.0)
    Exp8 = mask.astype(jnp.float32).T
    As2 = a_src2.reshape(OUT, 1)
    Ad2 = a_dst2.reshape(OUT, 1)

    tabsa, tabsb, tabda, tabdb = _prep1(x_pad, W1, As1, Ad1)
    acca = _edge_pass(tabsa, tabda, src3, dst3, 4)
    accb = _edge_pass(tabsb, tabdb, src3, dst3, 4)
    tabs2, tabd2 = _mid(acca, accb, Exp8, b1.reshape(1, D_IN), W2, As2, Ad2)
    acc2 = _edge_pass(tabs2, tabd2, src3, dst3, 1)
    return _final(acc2, b2.reshape(1, OUT))

# --- scband reference (transcript-rebuilt; emitter-appended) ---
"""Pipeline reference for scband-gat-36498632082158 (READ-ONLY COPY).

The authoritative reference and input builder live on the scoring server;
editing this copy changes nothing except your own understanding.
"""

import jax, jax.numpy as jnp
import numpy as np

N = 10000
E = 320000
D_IN = 128
H1, C1 = 8, 16
OUT = 64


def gat_conv(x, src, dst, W, a_src, a_dst, b, heads, ch, n):
    # PyG-style GATConv: linear proj, per-head additive attention with
    # leaky_relu, softmax over incoming edges (dst neighborhoods), scatter-add.
    h = (x @ W).reshape(n, heads, ch)
    al_s = (h * a_src).sum(-1)  # [n, heads]
    al_d = (h * a_dst).sum(-1)  # [n, heads]
    e = jax.nn.leaky_relu(al_s[src] + al_d[dst], 0.2)  # [e, heads]
    m = jax.ops.segment_max(e, dst, num_segments=n)
    m = jnp.where(jnp.isfinite(m), m, 0.0)
    ex = jnp.exp(e - m[dst])
    den = jax.ops.segment_sum(ex, dst, num_segments=n)
    alpha = ex / (den[dst] + 1e-16)
    out = jax.ops.segment_sum(h[src] * alpha[:, :, None], dst, num_segments=n)
    return out.reshape(n, heads * ch) + b


def setup_inputs(seed: int = 0) -> dict:
    key = jax.random.key(seed)
    ks = jax.random.split(key, 10)
    x = jax.random.normal(ks[0], (N, D_IN), dtype=jnp.float32)
    edge_index = jax.random.randint(ks[1], (2, E), 0, N, dtype=jnp.int32)
    W1 = jax.random.normal(ks[2], (D_IN, H1 * C1), dtype=jnp.float32) * 0.1
    a_src1 = jax.random.normal(ks[3], (H1, C1), dtype=jnp.float32) * 0.1
    a_dst1 = jax.random.normal(ks[4], (H1, C1), dtype=jnp.float32) * 0.1
    b1 = jnp.zeros((H1 * C1,), dtype=jnp.float32)
    W2 = jax.random.normal(ks[5], (H1 * C1, OUT), dtype=jnp.float32) * 0.1
    a_src2 = jax.random.normal(ks[6], (1, OUT), dtype=jnp.float32) * 0.1
    a_dst2 = jax.random.normal(ks[7], (1, OUT), dtype=jnp.float32) * 0.1
    b2 = jnp.zeros((OUT,), dtype=jnp.float32)
    return {"x": x, "edge_index": edge_index, "W1": W1, "a_src1": a_src1,
            "a_dst1": a_dst1, "b1": b1, "W2": W2, "a_src2": a_src2,
            "a_dst2": a_dst2, "b2": b2}


def reference(x, edge_index, W1, a_src1, a_dst1, b1, W2, a_src2, a_dst2, b2):
    # PyG GATConv adds self-loops by default
    loop = jnp.arange(N, dtype=edge_index.dtype)
    src = jnp.concatenate([edge_index[0], loop])
    dst = jnp.concatenate([edge_index[1], loop])
    h = jax.nn.elu(gat_conv(x, src, dst, W1, a_src1, a_dst1, b1, H1, C1, N))
    h = gat_conv(h, src, dst, W2, a_src2, a_dst2, b2, 1, OUT, N)
    return jax.nn.log_softmax(h, axis=1)

if __name__ == "__main__":
    import jax
    _d = setup_inputs()
    print(jax.jit(kernel)(*tuple(_d.values())))

</pallas_src>

<mosaic_0001>
#map = affine_map<(d0, d1) -> (0, 0)>
#map1 = affine_map<(d0, d1) -> (0, 0, 0)>
module attributes {stable_mosaic.version = 14 : i64} {
  func.func @_edge_body(%arg0: i32, %arg1: i32, %arg2: memref<10240x80xf32, #tpu.memory_space<hbm>>, %arg3: memref<10240x16xf32, #tpu.memory_space<hbm>>, %arg4: memref<32x88x120xi32, #tpu.memory_space<hbm>>, %arg5: memref<32x88x120xi32, #tpu.memory_space<hbm>>, %arg6: memref<640x80xf32, #tpu.memory_space<hbm>>, %arg7: memref<2x10240x80xf32, #tpu.memory_space<hbm>>, %arg8: memref<88x120xi32, #tpu.memory_space<vmem>>, %arg9: memref<88x120xi32, #tpu.memory_space<vmem>>, %arg10: memref<120x80xf32, #tpu.memory_space<vmem>>, %arg11: memref<120x80xf32, #tpu.memory_space<vmem>>, %arg12: memref<120x16xf32, #tpu.memory_space<vmem>>, %arg13: memref<120x16xf32, #tpu.memory_space<vmem>>, %arg14: memref<120x80xf32, #tpu.memory_space<vmem>>, %arg15: memref<120x80xf32, #tpu.memory_space<vmem>>, %arg16: memref<10240x80xf32, #tpu.memory_space<vmem_shared>>, %arg17: memref<!tpu.dma_semaphore, #tpu.memory_space<semaphore_mem>>, %arg18: memref<!tpu.dma_semaphore, #tpu.memory_space<semaphore_mem>>, %arg19: memref<!tpu.dma_semaphore, #tpu.memory_space<semaphore_mem>>, %arg20: memref<!tpu.dma_semaphore, #tpu.memory_space<semaphore_mem>>, %arg21: memref<!tpu.dma_semaphore, #tpu.memory_space<semaphore_mem>>, %arg22: memref<!tpu.dma_semaphore, #tpu.memory_space<semaphore_mem>>) attributes {dimension_semantics = [#tpu.dimension_semantics<core_parallel>, #tpu.dimension_semantics<subcore_parallel>], iteration_bounds = array<i64: 2, 16>, scalar_prefetch = 0 : i64, scratch_operands = 15 : i64, tpu.core_type = #tpu.core_type<sc_vector_subcore>, window_params = [{transform_indices = #map}, {transform_indices = #map}, {transform_indices = #map1}, {transform_indices = #map1}, {transform_indices = #map}, {transform_indices = #map1}]} {
    %mul3A = arith.constant 2 : i32
    %mul3A_0 = arith.muli %arg1, %mul3A : i32
    %add3A = arith.addi %mul3A_0, %arg0 : i32
    %mul3A_1 = arith.constant 640 : i32
    %mul3A_2 = arith.muli %arg1, %mul3A_1 : i32
    "tpu.region"() ({
      %run_scoped3A = tpu.sem_alloc : memref<!tpu.dma_semaphore, #tpu.memory_space<semaphore_mem>>
      %dma_start3A_80 = arith.constant 0 : i32
      %dma_start3A_81 = tpu.memref_slice %arg16[%mul3A_2, %dma_start3A_80] : memref<10240x80xf32, #tpu.memory_space<vmem_shared>> -> memref<640x80xf32, #tpu.memory_space<vmem_shared>>
      tpu.enqueue_dma source(%arg6 : memref<640x80xf32, #tpu.memory_space<hbm>>) target(%dma_start3A_81 : memref<640x80xf32, #tpu.memory_space<vmem_shared>>) target_semaphore(%run_scoped3A : memref<!tpu.dma_semaphore, #tpu.memory_space<semaphore_mem>>)
      %dma_wait3A_82 = arith.constant 0 : i32
      %dma_wait3A_83 = tpu.memref_slice %arg16[%mul3A_2, %dma_wait3A_82] : memref<10240x80xf32, #tpu.memory_space<vmem_shared>> -> memref<640x80xf32, #tpu.memory_space<vmem_shared>>
      tpu.wait_dma2 semaphore(%run_scoped3A : memref<!tpu.dma_semaphore, #tpu.memory_space<semaphore_mem>>) src(%arg6 : memref<640x80xf32, #tpu.memory_space<hbm>>) dst(%dma_wait3A_83 : memref<640x80xf32, #tpu.memory_space<vmem_shared>>)
      tpu.yield
    }) : () -> ()
    "tpu.region"() ({
      %run_scoped3A = tpu.sem_alloc : memref<!tpu.dma_semaphore, #tpu.memory_space<semaphore_mem>>
      %dma_start3A_80 = arith.constant 0 : i32
      %dma_start3A_81 = arith.constant 0 : i32
      %dma_start3A_82 = tpu.memref_slice %arg4[%add3A, %dma_start3A_80, %dma_start3A_81] : memref<32x88x120xi32, #tpu.memory_space<hbm>> -> memref<1x88x120xi32, #tpu.memory_space<hbm>>
      %dma_start3A_83 = tpu.memref_squeeze %dma_start3A_82 : memref<1x88x120xi32, #tpu.memory_space<hbm>> -> memref<88x120xi32, #tpu.memory_space<hbm>>
      %dma_start3A_84 = arith.constant 0 : i32
      %dma_start3A_85 = arith.constant 0 : i32
      %dma_start3A_86 = tpu.memref_slice %arg4[%add3A, %dma_start3A_84, %dma_start3A_85] : memref<32x88x120xi32, #tpu.memory_space<hbm>> -> memref<1x88x120xi32, #tpu.memory_space<hbm>>
      %dma_start3A_87 = tpu.memref_squeeze %dma_start3A_86 : memref<1x88x120xi32, #tpu.memory_space<hbm>> -> memref<88x120xi32, #tpu.memory_space<hbm>>
      tpu.enqueue_dma source(%dma_start3A_87 : memref<88x120xi32, #tpu.memory_space<hbm>>) target(%arg8 : memref<88x120xi32, #tpu.memory_space<vmem>>) target_semaphore(%run_scoped3A : memref<!tpu.dma_semaphore, #tpu.memory_space<semaphore_mem>>)
      %dma_wait3A_88 = arith.constant 0 : i32
      %dma_wait3A_89 = arith.constant 0 : i32
      %dma_wait3A_90 = tpu.memref_slice %arg4[%add3A, %dma_wait3A_88, %dma_wait3A_89] : memref<32x88x120xi32, #tpu.memory_space<hbm>> -> memref<1x88x120xi32, #tpu.memory_space<hbm>>
      %dma_wait3A_91 = tpu.memref_squeeze %dma_wait3A_90 : memref<1x88x120xi32, #tpu.memory_space<hbm>> -> memref<88x120xi32, #tpu.memory_space<hbm>>
      %dma_wait3A_92 = arith.constant 0 : i32
      %dma_wait3A_93 = arith.constant 0 : i32
      %dma_wait3A_94 = tpu.memref_slice %arg4[%add3A, %dma_wait3A_92, %dma_wait3A_93] : memref<32x88x120xi32, #tpu.memory_space<hbm>> -> memref<1x88x120xi32, #tpu.memory_space<hbm>>
      %dma_wait3A_95 = tpu.memref_squeeze %dma_wait3A_94 : memref<1x88x120xi32, #tpu.memory_space<hbm>> -> memref<88x120xi32, #tpu.memory_space<hbm>>
      tpu.wait_dma2 semaphore(%run_scoped3A : memref<!tpu.dma_semaphore, #tpu.memory_space<semaphore_mem>>) src(%dma_wait3A_95 : memref<88x120xi32, #tpu.memory_space<hbm>>) dst(%arg8 : memref<88x120xi32, #tpu.memory_space<vmem>>)
      tpu.yield
    }) : () -> ()
    "tpu.region"() ({
      %run_scoped3A = tpu.sem_alloc : memref<!tpu.dma_semaphore, #tpu.memory_space<semaphore_mem>>
      %dma_start3A_80 = arith.constant 0 : i32
      %dma_start3A_81 = arith.constant 0 : i32
      %dma_start3A_82 = tpu.memref_slice %arg5[%add3A, %dma_start3A_80, %dma_start3A_81] : memref<32x88x120xi32, #tpu.memory_space<hbm>> -> memref<1x88x120xi32, #tpu.memory_space<hbm>>
      %dma_start3A_83 = tpu.memref_squeeze %dma_start3A_82 : memref<1x88x120xi32, #tpu.memory_space<hbm>> -> memref<88x120xi32, #tpu.memory_space<hbm>>
      %dma_start3A_84 = arith.constant 0 : i32
      %dma_start3A_85 = arith.constant 0 : i32
      %dma_start3A_86 = tpu.memref_slice %arg5[%add3A, %dma_start3A_84, %dma_start3A_85] : memref<32x88x120xi32, #tpu.memory_space<hbm>> -> memref<1x88x120xi32, #tpu.memory_space<hbm>>
      %dma_start3A_87 = tpu.memref_squeeze %dma_start3A_86 : memref<1x88x120xi32, #tpu.memory_space<hbm>> -> memref<88x120xi32, #tpu.memory_space<hbm>>
      tpu.enqueue_dma source(%dma_start3A_87 : memref<88x120xi32, #tpu.memory_space<hbm>>) target(%arg9 : memref<88x120xi32, #tpu.memory_space<vmem>>) target_semaphore(%run_scoped3A : memref<!tpu.dma_semaphore, #tpu.memory_space<semaphore_mem>>)
      %dma_wait3A_88 = arith.constant 0 : i32
      %dma_wait3A_89 = arith.constant 0 : i32
      %dma_wait3A_90 = tpu.memref_slice %arg5[%add3A, %dma_wait3A_88, %dma_wait3A_89] : memref<32x88x120xi32, #tpu.memory_space<hbm>> -> memref<1x88x120xi32, #tpu.memory_space<hbm>>
      %dma_wait3A_91 = tpu.memref_squeeze %dma_wait3A_90 : memref<1x88x120xi32, #tpu.memory_space<hbm>> -> memref<88x120xi32, #tpu.memory_space<hbm>>
      %dma_wait3A_92 = arith.constant 0 : i32
      %dma_wait3A_93 = arith.constant 0 : i32
      %dma_wait3A_94 = tpu.memref_slice %arg5[%add3A, %dma_wait3A_92, %dma_wait3A_93] : memref<32x88x120xi32, #tpu.memory_space<hbm>> -> memref<1x88x120xi32, #tpu.memory_space<hbm>>
      %dma_wait3A_95 = tpu.memref_squeeze %dma_wait3A_94 : memref<1x88x120xi32, #tpu.memory_space<hbm>> -> memref<88x120xi32, #tpu.memory_space<hbm>>
      tpu.wait_dma2 semaphore(%run_scoped3A : memref<!tpu.dma_semaphore, #tpu.memory_space<semaphore_mem>>) src(%dma_wait3A_95 : memref<88x120xi32, #tpu.memory_space<hbm>>) dst(%arg9 : memref<88x120xi32, #tpu.memory_space<vmem>>)
      tpu.yield
    }) : () -> ()
    %barrier3A = arith.constant 0 : index
    tpu.barrier barrier_id(%barrier3A)
    %dma_start3A = arith.constant 0 : i32
    %dma_start3A_3 = arith.constant 0 : i32
    %dma_start3A_4 = tpu.memref_slice %arg8[%dma_start3A, %dma_start3A_3] : memref<88x120xi32, #tpu.memory_space<vmem>> -> memref<1x120xi32, #tpu.memory_space<vmem>>
    %dma_start3A_5 = tpu.memref_squeeze %dma_start3A_4 : memref<1x120xi32, #tpu.memory_space<vmem>> -> memref<120xi32, #tpu.memory_space<vmem>>
    %dma_start3A_6 = arith.constant 0 : i32
    %dma_start3A_7 = arith.constant 0 : i32
    %dma_start3A_8 = tpu.memref_slice %arg2[%dma_start3A_6, %dma_start3A_7] : memref<10240x80xf32, #tpu.memory_space<hbm>> -> memref<10240x80xf32, #tpu.memory_space<hbm>>
    tpu.enqueue_indirect_dma source(%dma_start3A_8 : memref<10240x80xf32, #tpu.memory_space<hbm>>) target(%arg10 : memref<120x80xf32, #tpu.memory_space<vmem>>) offsets(%dma_start3A_5 : memref<120xi32, #tpu.memory_space<vmem>>) semaphore(%arg17 : memref<!tpu.dma_semaphore, #tpu.memory_space<semaphore_mem>>)
    %dma_start3A_9 = arith.constant 0 : i32
    %dma_start3A_10 = arith.constant 0 : i32
    %dma_start3A_11 = tpu.memref_slice %arg9[%dma_start3A_9, %dma_start3A_10] : memref<88x120xi32, #tpu.memory_space<vmem>> -> memref<1x120xi32, #tpu.memory_space<vmem>>
    %dma_start3A_12 = tpu.memref_squeeze %dma_start3A_11 : memref<1x120xi32, #tpu.memory_space<vmem>> -> memref<120xi32, #tpu.memory_space<vmem>>
    %dma_start3A_13 = arith.constant 0 : i32
    %dma_start3A_14 = arith.constant 0 : i32
    %dma_start3A_15 = tpu.memref_slice %arg3[%dma_start3A_13, %dma_start3A_14] : memref<10240x16xf32, #tpu.memory_space<hbm>> -> memref<10240x16xf32, #tpu.memory_space<hbm>>
    tpu.enqueue_indirect_dma source(%dma_start3A_15 : memref<10240x16xf32, #tpu.memory_space<hbm>>) target(%arg12 : memref<120x16xf32, #tpu.memory_space<vmem>>) offsets(%dma_start3A_12 : memref<120xi32, #tpu.memory_space<vmem>>) semaphore(%arg19 : memref<!tpu.dma_semaphore, #tpu.memory_space<semaphore_mem>>)
    %dma_start3A_16 = arith.constant 1 : i32
    %dma_start3A_17 = arith.constant 0 : i32
    %dma_start3A_18 = tpu.memref_slice %arg8[%dma_start3A_16, %dma_start3A_17] : memref<88x120xi32, #tpu.memory_space<vmem>> -> memref<1x120xi32, #tpu.memory_space<vmem>>
    %dma_start3A_19 = tpu.memref_squeeze %dma_start3A_18 : memref<1x120xi32, #tpu.memory_space<vmem>> -> memref<120xi32, #tpu.memory_space<vmem>>
    %dma_start3A_20 = arith.constant 0 : i32
    %dma_start3A_21 = arith.constant 0 : i32
    %dma_start3A_22 = tpu.memref_slice %arg2[%dma_start3A_20, %dma_start3A_21] : memref<10240x80xf32, #tpu.memory_space<hbm>> -> memref<10240x80xf32, #tpu.memory_space<hbm>>
    tpu.enqueue_indirect_dma source(%dma_start3A_22 : memref<10240x80xf32, #tpu.memory_space<hbm>>) target(%arg11 : memref<120x80xf32, #tpu.memory_space<vmem>>) offsets(%dma_start3A_19 : memref<120xi32, #tpu.memory_space<vmem>>) semaphore(%arg18 : memref<!tpu.dma_semaphore, #tpu.memory_space<semaphore_mem>>)
    %dma_start3A_23 = arith.constant 1 : i32
    %dma_start3A_24 = arith.constant 0 : i32
    %dma_start3A_25 = tpu.memref_slice %arg9[%dma_start3A_23, %dma_start3A_24] : memref<88x120xi32, #tpu.memory_space<vmem>> -> memref<1x120xi32, #tpu.memory_space<vmem>>
    %dma_start3A_26 = tpu.memref_squeeze %dma_start3A_25 : memref<1x120xi32, #tpu.memory_space<vmem>> -> memref<120xi32, #tpu.memory_space<vmem>>
    %dma_start3A_27 = arith.constant 0 : i32
    %dma_start3A_28 = arith.constant 0 : i32
    %dma_start3A_29 = tpu.memref_slice %arg3[%dma_start3A_27, %dma_start3A_28] : memref<10240x16xf32, #tpu.memory_space<hbm>> -> memref<10240x16xf32, #tpu.memory_space<hbm>>
    tpu.enqueue_indirect_dma source(%dma_start3A_29 : memref<10240x16xf32, #tpu.memory_space<hbm>>) target(%arg13 : memref<120x16xf32, #tpu.memory_space<vmem>>) offsets(%dma_start3A_26 : memref<120xi32, #tpu.memory_space<vmem>>) semaphore(%arg20 : memref<!tpu.dma_semaphore, #tpu.memory_space<semaphore_mem>>)
    %scan3A = arith.constant 0 : i32
    %scan3A_30 = arith.constant 44 : i32
    %scan3A_31 = arith.addi %scan3A, %scan3A_30 : i32
    %scan3A_32 = arith.constant 1 : i32
    scf.for %scan3A_80 = %scan3A to %scan3A_31 step %scan3A_32  : i32 {
      %mul3A_81 = arith.constant 1 : i32
      %mul3A_82 = arith.muli %scan3A_80, %mul3A_81 : i32
      %add3A_83 = arith.constant 0 : i32
      %add3A_84 = arith.addi %add3A_83, %mul3A_82 : i32
      %mul3A_85 = arith.constant 2 : i32
      %mul3A_86 = arith.muli %mul3A_85, %add3A_84 : i32
      %dma_wait3A_87 = arith.constant 0 : i32
      %dma_wait3A_88 = tpu.memref_slice %arg8[%mul3A_86, %dma_wait3A_87] : memref<88x120xi32, #tpu.memory_space<vmem>> -> memref<1x120xi32, #tpu.memory_space<vmem>>
      %dma_wait3A_89 = tpu.memref_squeeze %dma_wait3A_88 : memref<1x120xi32, #tpu.memory_space<vmem>> -> memref<120xi32, #tpu.memory_space<vmem>>
      %dma_wait3A_90 = arith.constant 0 : i32
      %dma_wait3A_91 = arith.constant 0 : i32
      %dma_wait3A_92 = tpu.memref_slice %arg2[%dma_wait3A_90, %dma_wait3A_91] : memref<10240x80xf32, #tpu.memory_space<hbm>> -> memref<10240x80xf32, #tpu.memory_space<hbm>>
      tpu.wait_indirect_dma semaphore(%arg17 : memref<!tpu.dma_semaphore, #tpu.memory_space<semaphore_mem>>) src(%dma_wait3A_92 : memref<10240x80xf32, #tpu.memory_space<hbm>>) dst(%arg10 : memref<120x80xf32, #tpu.memory_space<vmem>>)
      %dma_wait3A_93 = arith.constant 0 : i32
      %dma_wait3A_94 = tpu.memref_slice %arg9[%mul3A_86, %dma_wait3A_93] : memref<88x120xi32, #tpu.memory_space<vmem>> -> memref<1x120xi32, #tpu.memory_space<vmem>>
      %dma_wait3A_95 = tpu.memref_squeeze %dma_wait3A_94 : memref<1x120xi32, #tpu.memory_space<vmem>> -> memref<120xi32, #tpu.memory_space<vmem>>
      %dma_wait3A_96 = arith.constant 0 : i32
      %dma_wait3A_97 = arith.constant 0 : i32
      %dma_wait3A_98 = tpu.memref_slice %arg3[%dma_wait3A_96, %dma_wait3A_97] : memref<10240x16xf32, #tpu.memory_space<hbm>> -> memref<10240x16xf32, #tpu.memory_space<hbm>>
      tpu.wait_indirect_dma semaphore(%arg19 : memref<!tpu.dma_semaphore, #tpu.memory_space<semaphore_mem>>) src(%dma_wait3A_98 : memref<10240x16xf32, #tpu.memory_space<hbm>>) dst(%arg12 : memref<120x16xf32, #tpu.memory_space<vmem>>)
      %gt3A = arith.constant 0 : i32
      %gt3A_99 = arith.cmpi sgt, %add3A_84, %gt3A : i32
      %convert_element_type3A = arith.extui %gt3A_99 : i1 to i32
      %cond3A = arith.constant 0 : i32
      %cond3A_100 = arith.cmpi ne, %convert_element_type3A, %cond3A : i32
      scf.if %cond3A_100 {
        %sub3A = arith.constant 2 : i32
        %sub3A_177 = arith.subi %mul3A_86, %sub3A : i32
        %dma_wait3A_178 = arith.constant 0 : i32
        %dma_wait3A_179 = tpu.memref_slice %arg9[%sub3A_177, %dma_wait3A_178] : memref<88x120xi32, #tpu.memory_space<vmem>> -> memref<1x120xi32, #tpu.memory_space<vmem>>
        %dma_wait3A_180 = tpu.memref_squeeze %dma_wait3A_179 : memref<1x120xi32, #tpu.memory_space<vmem>> -> memref<120xi32, #tpu.memory_space<vmem>>
        %dma_wait3A_181 = arith.constant 0 : i32
        %dma_wait3A_182 = arith.constant 0 : i32
        %dma_wait3A_183 = tpu.memref_slice %arg16[%dma_wait3A_181, %dma_wait3A_182] : memref<10240x80xf32, #tpu.memory_space<vmem_shared>> -> memref<10240x80xf32, #tpu.memory_space<vmem_shared>>
        tpu.wait_indirect_dma semaphore(%arg21 : memref<!tpu.dma_semaphore, #tpu.memory_space<semaphore_mem>>) src(%arg14 : memref<120x80xf32, #tpu.memory_space<vmem>>) dst(%dma_wait3A_183 : memref<10240x80xf32, #tpu.memory_space<vmem_shared>>)
      } else {
      }
      %scan3A_101 = arith.constant 0 : i32
      %scan3A_102 = arith.constant 120 : i32
      %scan3A_103 = arith.addi %scan3A_101, %scan3A_102 : i32
      %scan3A_104 = arith.constant 1 : i32
      scf.for %scan3A_177 = %scan3A_101 to %scan3A_103 step %scan3A_104  : i32 {
        %mul3A_178 = arith.constant 1 : i32
        %mul3A_179 = arith.muli %scan3A_177, %mul3A_178 : i32
        %add3A_180 = arith.constant 0 : i32
        %add3A_181 = arith.addi %add3A_180, %mul3A_179 : i32
        %get3A = arith.index_cast %add3A_181 : i32 to index
        %get3A_182 = arith.constant 64 : index
        %get3A_183 = tpu.vector_load %arg10[%get3A, %get3A_182] {strides = array<i32>} : memref<120x80xf32, #tpu.memory_space<vmem>>, vector<1x16xf32>,
        %get3A_184 = vector.shape_cast %get3A_183 : vector<1x16xf32> to vector<16xf32>
        %get3A_185 = arith.index_cast %add3A_181 : i32 to index
        %get3A_186 = arith.constant 0 : index
        %get3A_187 = tpu.vector_load %arg12[%get3A_185, %get3A_186] {strides = array<i32>} : memref<120x16xf32, #tpu.memory_space<vmem>>, vector<1x16xf32>,
        %get3A_188 = vector.shape_cast %get3A_187 : vector<1x16xf32> to vector<16xf32>
        %add3A_189 = arith.addf %get3A_184, %get3A_188 : vector<16xf32>
        %mul3A_190 = arith.constant 2.000000e-01 : f32
        %mul3A_191 = vector.broadcast %mul3A_190 : f32 to vector<16xf32>
        %mul3A_192 = arith.mulf %add3A_189, %mul3A_191 : vector<16xf32>
        %max3A = arith.maximumf %add3A_189, %mul3A_192 : vector<16xf32>
        %exp3A = math.exp %max3A : vector<16xf32>
        %swap3A = arith.index_cast %add3A_181 : i32 to index
        %swap3A_193 = arith.constant 64 : index
        %swap3A_194 = tpu.vector_load %arg14[%swap3A, %swap3A_193] {strides = array<i32>} : memref<120x80xf32, #tpu.memory_space<vmem>>, vector<1x16xf32>,
        %swap3A_195 = vector.shape_cast %swap3A_194 : vector<1x16xf32> to vector<16xf32>
        %swap3A_196 = vector.shape_cast %exp3A : vector<16xf32> to vector<1x16xf32>
        tpu.vector_store %arg14[%swap3A, %swap3A_193], %swap3A_196 {strides = array<i32>} : memref<120x80xf32, #tpu.memory_space<vmem>>, vector<1x16xf32>,
        %get3A_197 = arith.index_cast %add3A_181 : i32 to index
        %get3A_198 = arith.constant 0 : index
        %get3A_199 = tpu.vector_load %arg10[%get3A_197, %get3A_198] {strides = array<i32>} : memref<120x80xf32, #tpu.memory_space<vmem>>, vector<1x16xf32>,
        %get3A_200 = vector.shape_cast %get3A_199 : vector<1x16xf32> to vector<16xf32>
        %slice3A = vector.extract_strided_slice %exp3A {offsets = [0], sizes = [1], strides = [1]} : vector<16xf32> to vector<1xf32>
        %squeeze3A = vector.extract %slice3A[0] : f32 from vector<1xf32>
        %mul3A_201 = vector.broadcast %squeeze3A : f32 to vector<16xf32>
        %mul3A_202 = arith.mulf %get3A_200, %mul3A_201 : vector<16xf32>
        %swap3A_203 = arith.index_cast %add3A_181 : i32 to index
        %swap3A_204 = arith.constant 0 : index
        %swap3A_205 = tpu.vector_load %arg14[%swap3A_203, %swap3A_204] {strides = array<i32>} : memref<120x80xf32, #tpu.memory_space<vmem>>, vector<1x16xf32>,
        %swap3A_206 = vector.shape_cast %swap3A_205 : vector<1x16xf32> to vector<16xf32>
        %swap3A_207 = vector.shape_cast %mul3A_202 : vector<16xf32> to vector<1x16xf32>
        tpu.vector_store %arg14[%swap3A_203, %swap3A_204], %swap3A_207 {strides = array<i32>} : memref<120x80xf32, #tpu.memory_space<vmem>>, vector<1x16xf32>,
        %get3A_208 = arith.index_cast %add3A_181 : i32 to index
        %get3A_209 = arith.constant 16 : index
        %get3A_210 = tpu.vector_load %arg10[%get3A_208, %get3A_209] {strides = array<i32>} : memref<120x80xf32, #tpu.memory_space<vmem>>, vector<1x16xf32>,
        %get3A_211 = vector.shape_cast %get3A_210 : vector<1x16xf32> to vector<16xf32>
        %slice3A_212 = vector.extract_strided_slice %exp3A {offsets = [1], sizes = [1], strides = [1]} : vector<16xf32> to vector<1xf32>
        %squeeze3A_213 = vector.extract %slice3A_212[0] : f32 from vector<1xf32>
        %mul3A_214 = vector.broadcast %squeeze3A_213 : f32 to vector<16xf32>
        %mul3A_215 = arith.mulf %get3A_211, %mul3A_214 : vector<16xf32>
        %swap3A_216 = arith.index_cast %add3A_181 : i32 to index
        %swap3A_217 = arith.constant 16 : index
        %swap3A_218 = tpu.vector_load %arg14[%swap3A_216, %swap3A_217] {strides = array<i32>} : memref<120x80xf32, #tpu.memory_space<vmem>>, vector<1x16xf32>,
        %swap3A_219 = vector.shape_cast %swap3A_218 : vector<1x16xf32> to vector<16xf32>
        %swap3A_220 = vector.shape_cast %mul3A_215 : vector<16xf32> to vector<1x16xf32>
        tpu.vector_store %arg14[%swap3A_216, %swap3A_217], %swap3A_220 {strides = array<i32>} : memref<120x80xf32, #tpu.memory_space<vmem>>, vector<1x16xf32>,
        %get3A_221 = arith.index_cast %add3A_181 : i32 to index
        %get3A_222 = arith.constant 32 : index
        %get3A_223 = tpu.vector_load %arg10[%get3A_221, %get3A_222] {strides = array<i32>} : memref<120x80xf32, #tpu.memory_space<vmem>>, vector<1x16xf32>,
        %get3A_224 = vector.shape_cast %get3A_223 : vector<1x16xf32> to vector<16xf32>
        %slice3A_225 = vector.extract_strided_slice %exp3A {offsets = [2], sizes = [1], strides = [1]} : vector<16xf32> to vector<1xf32>
        %squeeze3A_226 = vector.extract %slice3A_225[0] : f32 from vector<1xf32>
        %mul3A_227 = vector.broadcast %squeeze3A_226 : f32 to vector<16xf32>
        %mul3A_228 = arith.mulf %get3A_224, %mul3A_227 : vector<16xf32>
        %swap3A_229 = arith.index_cast %add3A_181 : i32 to index
        %swap3A_230 = arith.constant 32 : index
        %swap3A_231 = tpu.vector_load %arg14[%swap3A_229, %swap3A_230] {strides = array<i32>} : memref<120x80xf32, #tpu.memory_space<vmem>>, vector<1x16xf32>,
        %swap3A_232 = vector.shape_cast %swap3A_231 : vector<1x16xf32> to vector<16xf32>
        %swap3A_233 = vector.shape_cast %mul3A_228 : vector<16xf32> to vector<1x16xf32>
        tpu.vector_store %arg14[%swap3A_229, %swap3A_230], %swap3A_233 {strides = array<i32>} : memref<120x80xf32, #tpu.memory_space<vmem>>, vector<1x16xf32>,
        %get3A_234 = arith.index_cast %add3A_181 : i32 to index
        %get3A_235 = arith.constant 48 : index
        %get3A_236 = tpu.vector_load %arg10[%get3A_234, %get3A_235] {strides = array<i32>} : memref<120x80xf32, #tpu.memory_space<vmem>>, vector<1x16xf32>,
        %get3A_237 = vector.shape_cast %get3A_236 : vector<1x16xf32> to vector<16xf32>
        %slice3A_238 = vector.extract_strided_slice %exp3A {offsets = [3], sizes = [1], strides = [1]} : vector<16xf32> to vector<1xf32>
        %squeeze3A_239 = vector.extract %slice3A_238[0] : f32 from vector<1xf32>
        %mul3A_240 = vector.broadcast %squeeze3A_239 : f32 to vector<16xf32>
        %mul3A_241 = arith.mulf %get3A_237, %mul3A_240 : vector<16xf32>
        %swap3A_242 = arith.index_cast %add3A_181 : i32 to index
        %swap3A_243 = arith.constant 48 : index
        %swap3A_244 = tpu.vector_load %arg14[%swap3A_242, %swap3A_243] {strides = array<i32>} : memref<120x80xf32, #tpu.memory_space<vmem>>, vector<1x16xf32>,
        %swap3A_245 = vector.shape_cast %swap3A_244 : vector<1x16xf32> to vector<16xf32>
        %swap3A_246 = vector.shape_cast %mul3A_241 : vector<16xf32> to vector<1x16xf32>
        tpu.vector_store %arg14[%swap3A_242, %swap3A_243], %swap3A_246 {strides = array<i32>} : memref<120x80xf32, #tpu.memory_space<vmem>>, vector<1x16xf32>,
      }
      %scan3A_105 = arith.constant 120 : i32
      %dma_start3A_106 = arith.constant 0 : i32
      %dma_start3A_107 = tpu.memref_slice %arg9[%mul3A_86, %dma_start3A_106] : memref<88x120xi32, #tpu.memory_space<vmem>> -> memref<1x120xi32, #tpu.memory_space<vmem>>
      %dma_start3A_108 = tpu.memref_squeeze %dma_start3A_107 : memref<1x120xi32, #tpu.memory_space<vmem>> -> memref<120xi32, #tpu.memory_space<vmem>>
      %dma_start3A_109 = arith.constant 0 : i32
      %dma_start3A_110 = arith.constant 0 : i32
      %dma_start3A_111 = tpu.memref_slice %arg16[%dma_start3A_109, %dma_start3A_110] : memref<10240x80xf32, #tpu.memory_space<vmem_shared>> -> memref<10240x80xf32, #tpu.memory_space<vmem_shared>>
      tpu.enqueue_indirect_dma source(%arg14 : memref<120x80xf32, #tpu.memory_space<vmem>>) target(%dma_start3A_111 : memref<10240x80xf32, #tpu.memory_space<vmem_shared>>) offsets(%dma_start3A_108 : memref<120xi32, #tpu.memory_space<vmem>>) semaphore(%arg21 : memref<!tpu.dma_semaphore, #tpu.memory_space<semaphore_mem>>) {add = true}
      %add3A_112 = arith.constant 2 : i32
      %add3A_113 = arith.addi %mul3A_86, %add3A_112 : i32
      %lt3A = arith.constant 88 : i32
      %lt3A_114 = arith.cmpi slt, %add3A_113, %lt3A : i32
      %jit3A = arith.constant 0 : i32
      %select_n3A = arith.select %lt3A_114, %add3A_113, %jit3A : i32
      %dma_start3A_115 = arith.constant 0 : i32
      %dma_start3A_116 = tpu.memref_slice %arg8[%select_n3A, %dma_start3A_115] : memref<88x120xi32, #tpu.memory_space<vmem>> -> memref<1x120xi32, #tpu.memory_space<vmem>>
      %dma_start3A_117 = tpu.memref_squeeze %dma_start3A_116 : memref<1x120xi32, #tpu.memory_space<vmem>> -> memref<120xi32, #tpu.memory_space<vmem>>
      %dma_start3A_118 = arith.constant 0 : i32
      %dma_start3A_119 = arith.constant 0 : i32
      %dma_start3A_120 = tpu.memref_slice %arg2[%dma_start3A_118, %dma_start3A_119] : memref<10240x80xf32, #tpu.memory_space<hbm>> -> memref<10240x80xf32, #tpu.memory_space<hbm>>
      tpu.enqueue_indirect_dma source(%dma_start3A_120 : memref<10240x80xf32, #tpu.memory_space<hbm>>) target(%arg10 : memref<120x80xf32, #tpu.memory_space<vmem>>) offsets(%dma_start3A_117 : memref<120xi32, #tpu.memory_space<vmem>>) semaphore(%arg17 : memref<!tpu.dma_semaphore, #tpu.memory_space<semaphore_mem>>)
      %dma_start3A_121 = arith.constant 0 : i32
      %dma_start3A_122 = tpu.memref_slice %arg9[%select_n3A, %dma_start3A_121] : memref<88x120xi32, #tpu.memory_space<vmem>> -> memref<1x120xi32, #tpu.memory_space<vmem>>
      %dma_start3A_123 = tpu.memref_squeeze %dma_start3A_122 : memref<1x120xi32, #tpu.memory_space<vmem>> -> memref<120xi32, #tpu.memory_space<vmem>>
      %dma_start3A_124 = arith.constant 0 : i32
      %dma_start3A_125 = arith.constant 0 : i32
      %dma_start3A_126 = tpu.memref_slice %arg3[%dma_start3A_124, %dma_start3A_125] : memref<10240x16xf32, #tpu.memory_space<hbm>> -> memref<10240x16xf32, #tpu.memory_space<hbm>>
      tpu.enqueue_indirect_dma source(%dma_start3A_126 : memref<10240x16xf32, #tpu.memory_space<hbm>>) target(%arg12 : memref<120x16xf32, #tpu.memory_space<vmem>>) offsets(%dma_start3A_123 : memref<120xi32, #tpu.memory_space<vmem>>) semaphore(%arg19 : memref<!tpu.dma_semaphore, #tpu.memory_space<semaphore_mem>>)
      %add3A_127 = arith.constant 1 : i32
      %add3A_128 = arith.addi %mul3A_86, %add3A_127 : i32
      %dma_wait3A_129 = arith.constant 0 : i32
      %dma_wait3A_130 = tpu.memref_slice %arg8[%add3A_128, %dma_wait3A_129] : memref<88x120xi32, #tpu.memory_space<vmem>> -> memref<1x120xi32, #tpu.memory_space<vmem>>
      %dma_wait3A_131 = tpu.memref_squeeze %dma_wait3A_130 : memref<1x120xi32, #tpu.memory_space<vmem>> -> memref<120xi32, #tpu.memory_space<vmem>>
      %dma_wait3A_132 = arith.constant 0 : i32
      %dma_wait3A_133 = arith.constant 0 : i32
      %dma_wait3A_134 = tpu.memref_slice %arg2[%dma_wait3A_132, %dma_wait3A_133] : memref<10240x80xf32, #tpu.memory_space<hbm>> -> memref<10240x80xf32, #tpu.memory_space<hbm>>
      tpu.wait_indirect_dma semaphore(%arg18 : memref<!tpu.dma_semaphore, #tpu.memory_space<semaphore_mem>>) src(%dma_wait3A_134 : memref<10240x80xf32, #tpu.memory_space<hbm>>) dst(%arg11 : memref<120x80xf32, #tpu.memory_space<vmem>>)
      %dma_wait3A_135 = arith.constant 0 : i32
      %dma_wait3A_136 = tpu.memref_slice %arg9[%add3A_128, %dma_wait3A_135] : memref<88x120xi32, #tpu.memory_space<vmem>> -> memref<1x120xi32, #tpu.memory_space<vmem>>
      %dma_wait3A_137 = tpu.memref_squeeze %dma_wait3A_136 : memref<1x120xi32, #tpu.memory_space<vmem>> -> memref<120xi32, #tpu.memory_space<vmem>>
      %dma_wait3A_138 = arith.constant 0 : i32
      %dma_wait3A_139 = arith.constant 0 : i32
      %dma_wait3A_140 = tpu.memref_slice %arg3[%dma_wait3A_138, %dma_wait3A_139] : memref<10240x16xf32, #tpu.memory_space<hbm>> -> memref<10240x16xf32, #tpu.memory_space<hbm>>
      tpu.wait_indirect_dma semaphore(%arg20 : memref<!tpu.dma_semaphore, #tpu.memory_space<semaphore_mem>>) src(%dma_wait3A_140 : memref<10240x16xf32, #tpu.memory_space<hbm>>) dst(%arg13 : memref<120x16xf32, #tpu.memory_space<vmem>>)
      %gt3A_141 = arith.constant 0 : i32
      %gt3A_142 = arith.cmpi sgt, %add3A_84, %gt3A_141 : i32
      %convert_element_type3A_143 = arith.extui %gt3A_142 : i1 to i32
      %cond3A_144 = arith.constant 0 : i32
      %cond3A_145 = arith.cmpi ne, %convert_element_type3A_143, %cond3A_144 : i32
      scf.if %cond3A_145 {
        %sub3A = arith.constant 1 : i32
        %sub3A_177 = arith.subi %mul3A_86, %sub3A : i32
        %dma_wait3A_178 = arith.constant 0 : i32
        %dma_wait3A_179 = tpu.memref_slice %arg9[%sub3A_177, %dma_wait3A_178] : memref<88x120xi32, #tpu.memory_space<vmem>> -> memref<1x120xi32, #tpu.memory_space<vmem>>
        %dma_wait3A_180 = tpu.memref_squeeze %dma_wait3A_179 : memref<1x120xi32, #tpu.memory_space<vmem>> -> memref<120xi32, #tpu.memory_space<vmem>>
        %dma_wait3A_181 = arith.constant 0 : i32
        %dma_wait3A_182 = arith.constant 0 : i32
        %dma_wait3A_183 = tpu.memref_slice %arg16[%dma_wait3A_181, %dma_wait3A_182] : memref<10240x80xf32, #tpu.memory_space<vmem_shared>> -> memref<10240x80xf32, #tpu.memory_space<vmem_shared>>
        tpu.wait_indirect_dma semaphore(%arg22 : memref<!tpu.dma_semaphore, #tpu.memory_space<semaphore_mem>>) src(%arg15 : memref<120x80xf32, #tpu.memory_space<vmem>>) dst(%dma_wait3A_183 : memref<10240x80xf32, #tpu.memory_space<vmem_shared>>)
      } else {
      }
      %scan3A_146 = arith.constant 0 : i32
      %scan3A_147 = arith.constant 120 : i32
      %scan3A_148 = arith.addi %scan3A_146, %scan3A_147 : i32
      %scan3A_149 = arith.constant 1 : i32
      scf.for %scan3A_177 = %scan3A_146 to %scan3A_148 step %scan3A_149  : i32 {
        %mul3A_178 = arith.constant 1 : i32
        %mul3A_179 = arith.muli %scan3A_177, %mul3A_178 : i32
        %add3A_180 = arith.constant 0 : i32
        %add3A_181 = arith.addi %add3A_180, %mul3A_179 : i32
        %get3A = arith.index_cast %add3A_181 : i32 to index
        %get3A_182 = arith.constant 64 : index
        %get3A_183 = tpu.vector_load %arg11[%get3A, %get3A_182] {strides = array<i32>} : memref<120x80xf32, #tpu.memory_space<vmem>>, vector<1x16xf32>,
        %get3A_184 = vector.shape_cast %get3A_183 : vector<1x16xf32> to vector<16xf32>
        %get3A_185 = arith.index_cast %add3A_181 : i32 to index
        %get3A_186 = arith.constant 0 : index
        %get3A_187 = tpu.vector_load %arg13[%get3A_185, %get3A_186] {strides = array<i32>} : memref<120x16xf32, #tpu.memory_space<vmem>>, vector<1x16xf32>,
        %get3A_188 = vector.shape_cast %get3A_187 : vector<1x16xf32> to vector<16xf32>
        %add3A_189 = arith.addf %get3A_184, %get3A_188 : vector<16xf32>
        %mul3A_190 = arith.constant 2.000000e-01 : f32
        %mul3A_191 = vector.broadcast %mul3A_190 : f32 to vector<16xf32>
        %mul3A_192 = arith.mulf %add3A_189, %mul3A_191 : vector<16xf32>
        %max3A = arith.maximumf %add3A_189, %mul3A_192 : vector<16xf32>
        %exp3A = math.exp %max3A : vector<16xf32>
        %swap3A = arith.index_cast %add3A_181 : i32 to index
        %swap3A_193 = arith.constant 64 : index
        %swap3A_194 = tpu.vector_load %arg15[%swap3A, %swap3A_193] {strides = array<i32>} : memref<120x80xf32, #tpu.memory_space<vmem>>, vector<1x16xf32>,
        %swap3A_195 = vector.shape_cast %swap3A_194 : vector<1x16xf32> to vector<16xf32>
        %swap3A_196 = vector.shape_cast %exp3A : vector<16xf32> to vector<1x16xf32>
        tpu.vector_store %arg15[%swap3A, %swap3A_193], %swap3A_196 {strides = array<i32>} : memref<120x80xf32, #tpu.memory_space<vmem>>, vector<1x16xf32>,
        %get3A_197 = arith.index_cast %add3A_181 : i32 to index
        %get3A_198 = arith.constant 0 : index
        %get3A_199 = tpu.vector_load %arg11[%get3A_197, %get3A_198] {strides = array<i32>} : memref<120x80xf32, #tpu.memory_space<vmem>>, vector<1x16xf32>,
        %get3A_200 = vector.shape_cast %get3A_199 : vector<1x16xf32> to vector<16xf32>
        %slice3A = vector.extract_strided_slice %exp3A {offsets = [0], sizes = [1], strides = [1]} : vector<16xf32> to vector<1xf32>
        %squeeze3A = vector.extract %slice3A[0] : f32 from vector<1xf32>
        %mul3A_201 = vector.broadcast %squeeze3A : f32 to vector<16xf32>
        %mul3A_202 = arith.mulf %get3A_200, %mul3A_201 : vector<16xf32>
        %swap3A_203 = arith.index_cast %add3A_181 : i32 to index
        %swap3A_204 = arith.constant 0 : index
        %swap3A_205 = tpu.vector_load %arg15[%swap3A_203, %swap3A_204] {strides = array<i32>} : memref<120x80xf32, #tpu.memory_space<vmem>>, vector<1x16xf32>,
        %swap3A_206 = vector.shape_cast %swap3A_205 : vector<1x16xf32> to vector<16xf32>
        %swap3A_207 = vector.shape_cast %mul3A_202 : vector<16xf32> to vector<1x16xf32>
        tpu.vector_store %arg15[%swap3A_203, %swap3A_204], %swap3A_207 {strides = array<i32>} : memref<120x80xf32, #tpu.memory_space<vmem>>, vector<1x16xf32>,
        %get3A_208 = arith.index_cast %add3A_181 : i32 to index
        %get3A_209 = arith.constant 16 : index
        %get3A_210 = tpu.vector_load %arg11[%get3A_208, %get3A_209] {strides = array<i32>} : memref<120x80xf32, #tpu.memory_space<vmem>>, vector<1x16xf32>,
        %get3A_211 = vector.shape_cast %get3A_210 : vector<1x16xf32> to vector<16xf32>
        %slice3A_212 = vector.extract_strided_slice %exp3A {offsets = [1], sizes = [1], strides = [1]} : vector<16xf32> to vector<1xf32>
        %squeeze3A_213 = vector.extract %slice3A_212[0] : f32 from vector<1xf32>
        %mul3A_214 = vector.broadcast %squeeze3A_213 : f32 to vector<16xf32>
        %mul3A_215 = arith.mulf %get3A_211, %mul3A_214 : vector<16xf32>
        %swap3A_216 = arith.index_cast %add3A_181 : i32 to index
        %swap3A_217 = arith.constant 16 : index
        %swap3A_218 = tpu.vector_load %arg15[%swap3A_216, %swap3A_217] {strides = array<i32>} : memref<120x80xf32, #tpu.memory_space<vmem>>, vector<1x16xf32>,
        %swap3A_219 = vector.shape_cast %swap3A_218 : vector<1x16xf32> to vector<16xf32>
        %swap3A_220 = vector.shape_cast %mul3A_215 : vector<16xf32> to vector<1x16xf32>
        tpu.vector_store %arg15[%swap3A_216, %swap3A_217], %swap3A_220 {strides = array<i32>} : memref<120x80xf32, #tpu.memory_space<vmem>>, vector<1x16xf32>,
        %get3A_221 = arith.index_cast %add3A_181 : i32 to index
        %get3A_222 = arith.constant 32 : index
        %get3A_223 = tpu.vector_load %arg11[%get3A_221, %get3A_222] {strides = array<i32>} : memref<120x80xf32, #tpu.memory_space<vmem>>, vector<1x16xf32>,
        %get3A_224 = vector.shape_cast %get3A_223 : vector<1x16xf32> to vector<16xf32>
        %slice3A_225 = vector.extract_strided_slice %exp3A {offsets = [2], sizes = [1], strides = [1]} : vector<16xf32> to vector<1xf32>
        %squeeze3A_226 = vector.extract %slice3A_225[0] : f32 from vector<1xf32>
        %mul3A_227 = vector.broadcast %squeeze3A_226 : f32 to vector<16xf32>
        %mul3A_228 = arith.mulf %get3A_224, %mul3A_227 : vector<16xf32>
        %swap3A_229 = arith.index_cast %add3A_181 : i32 to index
        %swap3A_230 = arith.constant 32 : index
        %swap3A_231 = tpu.vector_load %arg15[%swap3A_229, %swap3A_230] {strides = array<i32>} : memref<120x80xf32, #tpu.memory_space<vmem>>, vector<1x16xf32>,
        %swap3A_232 = vector.shape_cast %swap3A_231 : vector<1x16xf32> to vector<16xf32>
        %swap3A_233 = vector.shape_cast %mul3A_228 : vector<16xf32> to vector<1x16xf32>
        tpu.vector_store %arg15[%swap3A_229, %swap3A_230], %swap3A_233 {strides = array<i32>} : memref<120x80xf32, #tpu.memory_space<vmem>>, vector<1x16xf32>,
        %get3A_234 = arith.index_cast %add3A_181 : i32 to index
        %get3A_235 = arith.constant 48 : index
        %get3A_236 = tpu.vector_load %arg11[%get3A_234, %get3A_235] {strides = array<i32>} : memref<120x80xf32, #tpu.memory_space<vmem>>, vector<1x16xf32>,
        %get3A_237 = vector.shape_cast %get3A_236 : vector<1x16xf32> to vector<16xf32>
        %slice3A_238 = vector.extract_strided_slice %exp3A {offsets = [3], sizes = [1], strides = [1]} : vector<16xf32> to vector<1xf32>
        %squeeze3A_239 = vector.extract %slice3A_238[0] : f32 from vector<1xf32>
        %mul3A_240 = vector.broadcast %squeeze3A_239 : f32 to vector<16xf32>
        %mul3A_241 = arith.mulf %get3A_237, %mul3A_240 : vector<16xf32>
        %swap3A_242 = arith.index_cast %add3A_181 : i32 to index
        %swap3A_243 = arith.constant 48 : index
        %swap3A_244 = tpu.vector_load %arg15[%swap3A_242, %swap3A_243] {strides = array<i32>} : memref<120x80xf32, #tpu.memory_space<vmem>>, vector<1x16xf32>,
        %swap3A_245 = vector.shape_cast %swap3A_244 : vector<1x16xf32> to vector<16xf32>
        %swap3A_246 = vector.shape_cast %mul3A_241 : vector<16xf32> to vector<1x16xf32>
        tpu.vector_store %arg15[%swap3A_242, %swap3A_243], %swap3A_246 {strides = array<i32>} : memref<120x80xf32, #tpu.memory_space<vmem>>, vector<1x16xf32>,
      }
      %scan3A_150 = arith.constant 120 : i32
      %add3A_151 = arith.constant 1 : i32
      %add3A_152 = arith.addi %mul3A_86, %add3A_151 : i32
      %dma_start3A_153 = arith.constant 0 : i32
      %dma_start3A_154 = tpu.memref_slice %arg9[%add3A_152, %dma_start3A_153] : memref<88x120xi32, #tpu.memory_space<vmem>> -> memref<1x120xi32, #tpu.memory_space<vmem>>
      %dma_start3A_155 = tpu.memref_squeeze %dma_start3A_154 : memref<1x120xi32, #tpu.memory_space<vmem>> -> memref<120xi32, #tpu.memory_space<vmem>>
      %dma_start3A_156 = arith.constant 0 : i32
      %dma_start3A_157 = arith.constant 0 : i32
      %dma_start3A_158 = tpu.memref_slice %arg16[%dma_start3A_156, %dma_start3A_157] : memref<10240x80xf32, #tpu.memory_space<vmem_shared>> -> memref<10240x80xf32, #tpu.memory_space<vmem_shared>>
      tpu.enqueue_indirect_dma source(%arg15 : memref<120x80xf32, #tpu.memory_space<vmem>>) target(%dma_start3A_158 : memref<10240x80xf32, #tpu.memory_space<vmem_shared>>) offsets(%dma_start3A_155 : memref<120xi32, #tpu.memory_space<vmem>>) semaphore(%arg22 : memref<!tpu.dma_semaphore, #tpu.memory_space<semaphore_mem>>) {add = true}
      %add3A_159 = arith.constant 3 : i32
      %add3A_160 = arith.addi %mul3A_86, %add3A_159 : i32
      %lt3A_161 = arith.constant 88 : i32
      %lt3A_162 = arith.cmpi slt, %add3A_160, %lt3A_161 : i32
      %jit3A_163 = arith.constant 0 : i32
      %select_n3A_164 = arith.select %lt3A_162, %add3A_160, %jit3A_163 : i32
      %dma_start3A_165 = arith.constant 0 : i32
      %dma_start3A_166 = tpu.memref_slice %arg8[%select_n3A_164, %dma_start3A_165] : memref<88x120xi32, #tpu.memory_space<vmem>> -> memref<1x120xi32, #tpu.memory_space<vmem>>
      %dma_start3A_167 = tpu.memref_squeeze %dma_start3A_166 : memref<1x120xi32, #tpu.memory_space<vmem>> -> memref<120xi32, #tpu.memory_space<vmem>>
      %dma_start3A_168 = arith.constant 0 : i32
      %dma_start3A_169 = arith.constant 0 : i32
      %dma_start3A_170 = tpu.memref_slice %arg2[%dma_start3A_168, %dma_start3A_169] : memref<10240x80xf32, #tpu.memory_space<hbm>> -> memref<10240x80xf32, #tpu.memory_space<hbm>>
      tpu.enqueue_indirect_dma source(%dma_start3A_170 : memref<10240x80xf32, #tpu.memory_space<hbm>>) target(%arg11 : memref<120x80xf32, #tpu.memory_space<vmem>>) offsets(%dma_start3A_167 : memref<120xi32, #tpu.memory_space<vmem>>) semaphore(%arg18 : memref<!tpu.dma_semaphore, #tpu.memory_space<semaphore_mem>>)
      %dma_start3A_171 = arith.constant 0 : i32
      %dma_start3A_172 = tpu.memref_slice %arg9[%select_n3A_164, %dma_start3A_171] : memref<88x120xi32, #tpu.memory_space<vmem>> -> memref<1x120xi32, #tpu.memory_space<vmem>>
      %dma_start3A_173 = tpu.memref_squeeze %dma_start3A_172 : memref<1x120xi32, #tpu.memory_space<vmem>> -> memref<120xi32, #tpu.memory_space<vmem>>
      %dma_start3A_174 = arith.constant 0 : i32
      %dma_start3A_175 = arith.constant 0 : i32
      %dma_start3A_176 = tpu.memref_slice %arg3[%dma_start3A_174, %dma_start3A_175] : memref<10240x16xf32, #tpu.memory_space<hbm>> -> memref<10240x16xf32, #tpu.memory_space<hbm>>
      tpu.enqueue_indirect_dma source(%dma_start3A_176 : memref<10240x16xf32, #tpu.memory_space<hbm>>) target(%arg13 : memref<120x16xf32, #tpu.memory_space<vmem>>) offsets(%dma_start3A_173 : memref<120xi32, #tpu.memory_space<vmem>>) semaphore(%arg20 : memref<!tpu.dma_semaphore, #tpu.memory_space<semaphore_mem>>)
    }
    %scan3A_33 = arith.constant 44 : i32
    %dma_wait3A = arith.constant 0 : i32
    %dma_wait3A_34 = arith.constant 0 : i32
    %dma_wait3A_35 = tpu.memref_slice %arg8[%dma_wait3A, %dma_wait3A_34] : memref<88x120xi32, #tpu.memory_space<vmem>> -> memref<1x120xi32, #tpu.memory_space<vmem>>
    %dma_wait3A_36 = tpu.memref_squeeze %dma_wait3A_35 : memref<1x120xi32, #tpu.memory_space<vmem>> -> memref<120xi32, #tpu.memory_space<vmem>>
    %dma_wait3A_37 = arith.constant 0 : i32
    %dma_wait3A_38 = arith.constant 0 : i32
    %dma_wait3A_39 = tpu.memref_slice %arg2[%dma_wait3A_37, %dma_wait3A_38] : memref<10240x80xf32, #tpu.memory_space<hbm>> -> memref<10240x80xf32, #tpu.memory_space<hbm>>
    tpu.wait_indirect_dma semaphore(%arg17 : memref<!tpu.dma_semaphore, #tpu.memory_space<semaphore_mem>>) src(%dma_wait3A_39 : memref<10240x80xf32, #tpu.memory_space<hbm>>) dst(%arg10 : memref<120x80xf32, #tpu.memory_space<vmem>>)
    %dma_wait3A_40 = arith.constant 0 : i32
    %dma_wait3A_41 = arith.constant 0 : i32
    %dma_wait3A_42 = tpu.memref_slice %arg9[%dma_wait3A_40, %dma_wait3A_41] : memref<88x120xi32, #tpu.memory_space<vmem>> -> memref<1x120xi32, #tpu.memory_space<vmem>>
    %dma_wait3A_43 = tpu.memref_squeeze %dma_wait3A_42 : memref<1x120xi32, #tpu.memory_space<vmem>> -> memref<120xi32, #tpu.memory_space<vmem>>
    %dma_wait3A_44 = arith.constant 0 : i32
    %dma_wait3A_45 = arith.constant 0 : i32
    %dma_wait3A_46 = tpu.memref_slice %arg3[%dma_wait3A_44, %dma_wait3A_45] : memref<10240x16xf32, #tpu.memory_space<hbm>> -> memref<10240x16xf32, #tpu.memory_space<hbm>>
    tpu.wait_indirect_dma semaphore(%arg19 : memref<!tpu.dma_semaphore, #tpu.memory_space<semaphore_mem>>) src(%dma_wait3A_46 : memref<10240x16xf32, #tpu.memory_space<hbm>>) dst(%arg12 : memref<120x16xf32, #tpu.memory_space<vmem>>)
    %dma_wait3A_47 = arith.constant 0 : i32
    %dma_wait3A_48 = arith.constant 0 : i32
    %dma_wait3A_49 = tpu.memref_slice %arg8[%dma_wait3A_47, %dma_wait3A_48] : memref<88x120xi32, #tpu.memory_space<vmem>> -> memref<1x120xi32, #tpu.memory_space<vmem>>
    %dma_wait3A_50 = tpu.memref_squeeze %dma_wait3A_49 : memref<1x120xi32, #tpu.memory_space<vmem>> -> memref<120xi32, #tpu.memory_space<vmem>>
    %dma_wait3A_51 = arith.constant 0 : i32
    %dma_wait3A_52 = arith.constant 0 : i32
    %dma_wait3A_53 = tpu.memref_slice %arg2[%dma_wait3A_51, %dma_wait3A_52] : memref<10240x80xf32, #tpu.memory_space<hbm>> -> memref<10240x80xf32, #tpu.memory_space<hbm>>
    tpu.wait_indirect_dma semaphore(%arg18 : memref<!tpu.dma_semaphore, #tpu.memory_space<semaphore_mem>>) src(%dma_wait3A_53 : memref<10240x80xf32, #tpu.memory_space<hbm>>) dst(%arg11 : memref<120x80xf32, #tpu.memory_space<vmem>>)
    %dma_wait3A_54 = arith.constant 0 : i32
    %dma_wait3A_55 = arith.constant 0 : i32
    %dma_wait3A_56 = tpu.memref_slice %arg9[%dma_wait3A_54, %dma_wait3A_55] : memref<88x120xi32, #tpu.memory_space<vmem>> -> memref<1x120xi32, #tpu.memory_space<vmem>>
    %dma_wait3A_57 = tpu.memref_squeeze %dma_wait3A_56 : memref<1x120xi32, #tpu.memory_space<vmem>> -> memref<120xi32, #tpu.memory_space<vmem>>
    %dma_wait3A_58 = arith.constant 0 : i32
    %dma_wait3A_59 = arith.constant 0 : i32
    %dma_wait3A_60 = tpu.memref_slice %arg3[%dma_wait3A_58, %dma_wait3A_59] : memref<10240x16xf32, #tpu.memory_space<hbm>> -> memref<10240x16xf32, #tpu.memory_space<hbm>>
    tpu.wait_indirect_dma semaphore(%arg20 : memref<!tpu.dma_semaphore, #tpu.memory_space<semaphore_mem>>) src(%dma_wait3A_60 : memref<10240x16xf32, #tpu.memory_space<hbm>>) dst(%arg13 : memref<120x16xf32, #tpu.memory_space<vmem>>)
    %dma_wait3A_61 = arith.constant 86 : i32
    %dma_wait3A_62 = arith.constant 0 : i32
    %dma_wait3A_63 = tpu.memref_slice %arg9[%dma_wait3A_61, %dma_wait3A_62] : memref<88x120xi32, #tpu.memory_space<vmem>> -> memref<1x120xi32, #tpu.memory_space<vmem>>
    %dma_wait3A_64 = tpu.memref_squeeze %dma_wait3A_63 : memref<1x120xi32, #tpu.memory_space<vmem>> -> memref<120xi32, #tpu.memory_space<vmem>>
    %dma_wait3A_65 = arith.constant 0 : i32
    %dma_wait3A_66 = arith.constant 0 : i32
    %dma_wait3A_67 = tpu.memref_slice %arg16[%dma_wait3A_65, %dma_wait3A_66] : memref<10240x80xf32, #tpu.memory_space<vmem_shared>> -> memref<10240x80xf32, #tpu.memory_space<vmem_shared>>
    tpu.wait_indirect_dma semaphore(%arg21 : memref<!tpu.dma_semaphore, #tpu.memory_space<semaphore_mem>>) src(%arg14 : memref<120x80xf32, #tpu.memory_space<vmem>>) dst(%dma_wait3A_67 : memref<10240x80xf32, #tpu.memory_space<vmem_shared>>)
    %dma_wait3A_68 = arith.constant 87 : i32
    %dma_wait3A_69 = arith.constant 0 : i32
    %dma_wait3A_70 = tpu.memref_slice %arg9[%dma_wait3A_68, %dma_wait3A_69] : memref<88x120xi32, #tpu.memory_space<vmem>> -> memref<1x120xi32, #tpu.memory_space<vmem>>
    %dma_wait3A_71 = tpu.memref_squeeze %dma_wait3A_70 : memref<1x120xi32, #tpu.memory_space<vmem>> -> memref<120xi32, #tpu.memory_space<vmem>>
    %dma_wait3A_72 = arith.constant 0 : i32
    %dma_wait3A_73 = arith.constant 0 : i32
    %dma_wait3A_74 = tpu.memref_slice %arg16[%dma_wait3A_72, %dma_wait3A_73] : memref<10240x80xf32, #tpu.memory_space<vmem_shared>> -> memref<10240x80xf32, #tpu.memory_space<vmem_shared>>
    tpu.wait_indirect_dma semaphore(%arg22 : memref<!tpu.dma_semaphore, #tpu.memory_space<semaphore_mem>>) src(%arg15 : memref<120x80xf32, #tpu.memory_space<vmem>>) dst(%dma_wait3A_74 : memref<10240x80xf32, #tpu.memory_space<vmem_shared>>)
    %barrier3A_75 = arith.constant 0 : index
    tpu.barrier barrier_id(%barrier3A_75)
    %mul3A_76 = arith.constant 640 : i32
    %mul3A_77 = arith.muli %arg1, %mul3A_76 : i32
    %mul3A_78 = arith.constant 640 : i32
    %mul3A_79 = arith.muli %arg1, %mul3A_78 : i32
    "tpu.region"() ({
      %run_scoped3A = tpu.sem_alloc : memref<!tpu.dma_semaphore, #tpu.memory_space<semaphore_mem>>
      %dma_start3A_80 = arith.constant 0 : i32
      %dma_start3A_81 = tpu.memref_slice %arg7[%arg0, %mul3A_79, %dma_start3A_80] : memref<2x10240x80xf32, #tpu.memory_space<hbm>> -> memref<1x640x80xf32, #tpu.memory_space<hbm>>
      %dma_start3A_82 = tpu.memref_squeeze %dma_start3A_81 : memref<1x640x80xf32, #tpu.memory_space<hbm>> -> memref<640x80xf32, #tpu.memory_space<hbm>>
      %dma_start3A_83 = arith.constant 0 : i32
      %dma_start3A_84 = tpu.memref_slice %arg16[%mul3A_77, %dma_start3A_83] : memref<10240x80xf32, #tpu.memory_space<vmem_shared>> -> memref<640x80xf32, #tpu.memory_space<vmem_shared>>
      tpu.enqueue_dma source(%dma_start3A_84 : memref<640x80xf32, #tpu.memory_space<vmem_shared>>) target(%dma_start3A_82 : memref<640x80xf32, #tpu.memory_space<hbm>>) target_semaphore(%run_scoped3A : memref<!tpu.dma_semaphore, #tpu.memory_space<semaphore_mem>>)
      %dma_wait3A_85 = arith.constant 0 : i32
      %dma_wait3A_86 = tpu.memref_slice %arg7[%arg0, %mul3A_79, %dma_wait3A_85] : memref<2x10240x80xf32, #tpu.memory_space<hbm>> -> memref<1x640x80xf32, #tpu.memory_space<hbm>>
      %dma_wait3A_87 = tpu.memref_squeeze %dma_wait3A_86 : memref<1x640x80xf32, #tpu.memory_space<hbm>> -> memref<640x80xf32, #tpu.memory_space<hbm>>
      %dma_wait3A_88 = arith.constant 0 : i32
      %dma_wait3A_89 = tpu.memref_slice %arg16[%mul3A_77, %dma_wait3A_88] : memref<10240x80xf32, #tpu.memory_space<vmem_shared>> -> memref<640x80xf32, #tpu.memory_space<vmem_shared>>
      tpu.wait_dma2 semaphore(%run_scoped3A : memref<!tpu.dma_semaphore, #tpu.memory_space<semaphore_mem>>) src(%dma_wait3A_89 : memref<640x80xf32, #tpu.memory_space<vmem_shared>>) dst(%dma_wait3A_87 : memref<640x80xf32, #tpu.memory_space<hbm>>)
      tpu.yield
    }) : () -> ()
    return
  }
}

#map = affine_map<(d0, d1) -> (0, 0)>
#map1 = affine_map<(d0, d1) -> (0, 0, 0)>
module attributes {stable_mosaic.version = 14 : i64} {
  func.func @_edge_body(%arg0: i32, %arg1: i32, %arg2: memref<10240x80xf32, #tpu.memory_space<hbm>>, %arg3: memref<10240x16xf32, #tpu.memory_space<hbm>>, %arg4: memref<32x88x120xi32, #tpu.memory_space<hbm>>, %arg5: memref<32x88x120xi32, #tpu.memory_space<hbm>>, %arg6: memref<640x80xf32, #tpu.memory_space<hbm>>, %arg7: memref<2x10240x80xf32, #tpu.memory_space<hbm>>, %arg8: memref<88x120xi32, #tpu.memory_space<vmem>>, %arg9: memref<88x120xi32, #tpu.memory_space<vmem>>, %arg10: memref<120x80xf32, #tpu.memory_space<vmem>>, %arg11: memref<120x80xf32, #tpu.memory_space<vmem>>, %arg12: memref<120x16xf32, #tpu.memory_space<vmem>>, %arg13: memref<120x16xf32, #tpu.memory_space<vmem>>, %arg14: memref<120x80xf32, #tpu.memory_space<vmem>>, %arg15: memref<120x80xf32, #tpu.memory_space<vmem>>, %arg16: memref<10240x80xf32, #tpu.memory_space<vmem_shared>>, %arg17: memref<!tpu.dma_semaphore, #tpu.memory_space<semaphore_mem>>, %arg18: memref<!tpu.dma_semaphore, #tpu.memory_space<semaphore_mem>>, %arg19: memref<!tpu.dma_semaphore, #tpu.memory_space<semaphore_mem>>, %arg20: memref<!tpu.dma_semaphore, #tpu.memory_space<semaphore_mem>>, %arg21: memref<!tpu.dma_semaphore, #tpu.memory_space<semaphore_mem>>, %arg22: memref<!tpu.dma_semaphore, #tpu.memory_space<semaphore_mem>>) attributes {dimension_semantics = [#tpu.dimension_semantics<core_parallel>, #tpu.dimension_semantics<subcore_parallel>], iteration_bounds = array<i64: 2, 16>, scalar_prefetch = 0 : i64, scratch_operands = 15 : i64, tpu.core_type = #tpu.core_type<sc_vector_subcore>, window_params = [{transform_indices = #map}, {transform_indices = #map}, {transform_indices = #map1}, {transform_indices = #map1}, {transform_indices = #map}, {transform_indices = #map1}]} {
    %mul3A = arith.constant 2 : i32
    %mul3A_0 = arith.muli %arg1, %mul3A : i32
    %add3A = arith.addi %mul3A_0, %arg0 : i32
    %mul3A_1 = arith.constant 640 : i32
    %mul3A_2 = arith.muli %arg1, %mul3A_1 : i32
    "tpu.region"() ({
      %run_scoped3A = tpu.sem_alloc : memref<!tpu.dma_semaphore, #tpu.memory_space<semaphore_mem>>
      %dma_start3A_80 = arith.constant 0 : i32
      %dma_start3A_81 = tpu.memref_slice %arg16[%mul3A_2, %dma_start3A_80] : memref<10240x80xf32, #tpu.memory_space<vmem_shared>> -> memref<640x80xf32, #tpu.memory_space<vmem_shared>>
      tpu.enqueue_dma source(%arg6 : memref<640x80xf32, #tpu.memory_space<hbm>>) target(%dma_start3A_81 : memref<640x80xf32, #tpu.memory_space<vmem_shared>>) target_semaphore(%run_scoped3A : memref<!tpu.dma_semaphore, #tpu.memory_space<semaphore_mem>>)
      %dma_wait3A_82 = arith.constant 0 : i32
      %dma_wait3A_83 = tpu.memref_slice %arg16[%mul3A_2, %dma_wait3A_82] : memref<10240x80xf32, #tpu.memory_space<vmem_shared>> -> memref<640x80xf32, #tpu.memory_space<vmem_shared>>
      tpu.wait_dma2 semaphore(%run_scoped3A : memref<!tpu.dma_semaphore, #tpu.memory_space<semaphore_mem>>) src(%arg6 : memref<640x80xf32, #tpu.memory_space<hbm>>) dst(%dma_wait3A_83 : memref<640x80xf32, #tpu.memory_space<vmem_shared>>)
      tpu.yield
    }) : () -> ()
    "tpu.region"() ({
      %run_scoped3A = tpu.sem_alloc : memref<!tpu.dma_semaphore, #tpu.memory_space<semaphore_mem>>
      %dma_start3A_80 = arith.constant 0 : i32
      %dma_start3A_81 = arith.constant 0 : i32
      %dma_start3A_82 = tpu.memref_slice %arg4[%add3A, %dma_start3A_80, %dma_start3A_81] : memref<32x88x120xi32, #tpu.memory_space<hbm>> -> memref<1x88x120xi32, #tpu.memory_space<hbm>>
      %dma_start3A_83 = tpu.memref_squeeze %dma_start3A_82 : memref<1x88x120xi32, #tpu.memory_space<hbm>> -> memref<88x120xi32, #tpu.memory_space<hbm>>
      %dma_start3A_84 = arith.constant 0 : i32
      %dma_start3A_85 = arith.constant 0 : i32
      %dma_start3A_86 = tpu.memref_slice %arg4[%add3A, %dma_start3A_84, %dma_start3A_85] : memref<32x88x120xi32, #tpu.memory_space<hbm>> -> memref<1x88x120xi32, #tpu.memory_space<hbm>>
      %dma_start3A_87 = tpu.memref_squeeze %dma_start3A_86 : memref<1x88x120xi32, #tpu.memory_space<hbm>> -> memref<88x120xi32, #tpu.memory_space<hbm>>
      tpu.enqueue_dma source(%dma_start3A_87 : memref<88x120xi32, #tpu.memory_space<hbm>>) target(%arg8 : memref<88x120xi32, #tpu.memory_space<vmem>>) target_semaphore(%run_scoped3A : memref<!tpu.dma_semaphore, #tpu.memory_space<semaphore_mem>>)
      %dma_wait3A_88 = arith.constant 0 : i32
      %dma_wait3A_89 = arith.constant 0 : i32
      %dma_wait3A_90 = tpu.memref_slice %arg4[%add3A, %dma_wait3A_88, %dma_wait3A_89] : memref<32x88x120xi32, #tpu.memory_space<hbm>> -> memref<1x88x120xi32, #tpu.memory_space<hbm>>
      %dma_wait3A_91 = tpu.memref_squeeze %dma_wait3A_90 : memref<1x88x120xi32, #tpu.memory_space<hbm>> -> memref<88x120xi32, #tpu.memory_space<hbm>>
      %dma_wait3A_92 = arith.constant 0 : i32
      %dma_wait3A_93 = arith.constant 0 : i32
      %dma_wait3A_94 = tpu.memref_slice %arg4[%add3A, %dma_wait3A_92, %dma_wait3A_93] : memref<32x88x120xi32, #tpu.memory_space<hbm>> -> memref<1x88x120xi32, #tpu.memory_space<hbm>>
      %dma_wait3A_95 = tpu.memref_squeeze %dma_wait3A_94 : memref<1x88x120xi32, #tpu.memory_space<hbm>> -> memref<88x120xi32, #tpu.memory_space<hbm>>
      tpu.wait_dma2 semaphore(%run_scoped3A : memref<!tpu.dma_semaphore, #tpu.memory_space<semaphore_mem>>) src(%dma_wait3A_95 : memref<88x120xi32, #tpu.memory_space<hbm>>) dst(%arg8 : memref<88x120xi32, #tpu.memory_space<vmem>>)
      tpu.yield
    }) : () -> ()
    "tpu.region"() ({
      %run_scoped3A = tpu.sem_alloc : memref<!tpu.dma_semaphore, #tpu.memory_space<semaphore_mem>>
      %dma_start3A_80 = arith.constant 0 : i32
      %dma_start3A_81 = arith.constant 0 : i32
      %dma_start3A_82 = tpu.memref_slice %arg5[%add3A, %dma_start3A_80, %dma_start3A_81] : memref<32x88x120xi32, #tpu.memory_space<hbm>> -> memref<1x88x120xi32, #tpu.memory_space<hbm>>
      %dma_start3A_83 = tpu.memref_squeeze %dma_start3A_82 : memref<1x88x120xi32, #tpu.memory_space<hbm>> -> memref<88x120xi32, #tpu.memory_space<hbm>>
      %dma_start3A_84 = arith.constant 0 : i32
      %dma_start3A_85 = arith.constant 0 : i32
      %dma_start3A_86 = tpu.memref_slice %arg5[%add3A, %dma_start3A_84, %dma_start3A_85] : memref<32x88x120xi32, #tpu.memory_space<hbm>> -> memref<1x88x120xi32, #tpu.memory_space<hbm>>
      %dma_start3A_87 = tpu.memref_squeeze %dma_start3A_86 : memref<1x88x120xi32, #tpu.memory_space<hbm>> -> memref<88x120xi32, #tpu.memory_space<hbm>>
      tpu.enqueue_dma source(%dma_start3A_87 : memref<88x120xi32, #tpu.memory_space<hbm>>) target(%arg9 : memref<88x120xi32, #tpu.memory_space<vmem>>) target_semaphore(%run_scoped3A : memref<!tpu.dma_semaphore, #tpu.memory_space<semaphore_mem>>)
      %dma_wait3A_88 = arith.constant 0 : i32
      %dma_wait3A_89 = arith.constant 0 : i32
      %dma_wait3A_90 = tpu.memref_slice %arg5[%add3A, %dma_wait3A_88, %dma_wait3A_89] : memref<32x88x120xi32, #tpu.memory_space<hbm>> -> memref<1x88x120xi32, #tpu.memory_space<hbm>>
      %dma_wait3A_91 = tpu.memref_squeeze %dma_wait3A_90 : memref<1x88x120xi32, #tpu.memory_space<hbm>> -> memref<88x120xi32, #tpu.memory_space<hbm>>
      %dma_wait3A_92 = arith.constant 0 : i32
      %dma_wait3A_93 = arith.constant 0 : i32
      %dma_wait3A_94 = tpu.memref_slice %arg5[%add3A, %dma_wait3A_92, %dma_wait3A_93] : memref<32x88x120xi32, #tpu.memory_space<hbm>> -> memref<1x88x120xi32, #tpu.memory_space<hbm>>
      %dma_wait3A_95 = tpu.memref_squeeze %dma_wait3A_94 : memref<1x88x120xi32, #tpu.memory_space<hbm>> -> memref<88x120xi32, #tpu.memory_space<hbm>>
      tpu.wait_dma2 semaphore(%run_scoped3A : memref<!tpu.dma_semaphore, #tpu.memory_space<semaphore_mem>>) src(%dma_wait3A_95 : memref<88x120xi32, #tpu.memory_space<hbm>>) dst(%arg9 : memref<88x120xi32, #tpu.memory_space<vmem>>)
      tpu.yield
    }) : () -> ()
    %barrier3A = arith.constant 0 : index
    tpu.barrier barrier_id(%barrier3A)
    %dma_start3A = arith.constant 0 : i32
    %dma_start3A_3 = arith.constant 0 : i32
    %dma_start3A_4 = tpu.memref_slice %arg8[%dma_start3A, %dma_start3A_3] : memref<88x120xi32, #tpu.memory_space<vmem>> -> memref<1x120xi32, #tpu.memory_space<vmem>>
    %dma_start3A_5 = tpu.memref_squeeze %dma_start3A_4 : memref<1x120xi32, #tpu.memory_space<vmem>> -> memref<120xi32, #tpu.memory_space<vmem>>
    %dma_start3A_6 = arith.constant 0 : i32
    %dma_start3A_7 = arith.constant 0 : i32
    %dma_start3A_8 = tpu.memref_slice %arg2[%dma_start3A_6, %dma_start3A_7] : memref<10240x80xf32, #tpu.memory_space<hbm>> -> memref<10240x80xf32, #tpu.memory_space<hbm>>
    tpu.enqueue_indirect_dma source(%dma_start3A_8 : memref<10240x80xf32, #tpu.memory_space<hbm>>) target(%arg10 : memref<120x80xf32, #tpu.memory_space<vmem>>) offsets(%dma_start3A_5 : memref<120xi32, #tpu.memory_space<vmem>>) semaphore(%arg17 : memref<!tpu.dma_semaphore, #tpu.memory_space<semaphore_mem>>)
    %dma_start3A_9 = arith.constant 0 : i32
    %dma_start3A_10 = arith.constant 0 : i32
    %dma_start3A_11 = tpu.memref_slice %arg9[%dma_start3A_9, %dma_start3A_10] : memref<88x120xi32, #tpu.memory_space<vmem>> -> memref<1x120xi32, #tpu.memory_space<vmem>>
    %dma_start3A_12 = tpu.memref_squeeze %dma_start3A_11 : memref<1x120xi32, #tpu.memory_space<vmem>> -> memref<120xi32, #tpu.memory_space<vmem>>
    %dma_start3A_13 = arith.constant 0 : i32
    %dma_start3A_14 = arith.constant 0 : i32
    %dma_start3A_15 = tpu.memref_slice %arg3[%dma_start3A_13, %dma_start3A_14] : memref<10240x16xf32, #tpu.memory_space<hbm>> -> memref<10240x16xf32, #tpu.memory_space<hbm>>
    tpu.enqueue_indirect_dma source(%dma_start3A_15 : memref<10240x16xf32, #tpu.memory_space<hbm>>) target(%arg12 : memref<120x16xf32, #tpu.memory_space<vmem>>) offsets(%dma_start3A_12 : memref<120xi32, #tpu.memory_space<vmem>>) semaphore(%arg19 : memref<!tpu.dma_semaphore, #tpu.memory_space<semaphore_mem>>)
    %dma_start3A_16 = arith.constant 1 : i32
    %dma_start3A_17 = arith.constant 0 : i32
    %dma_start3A_18 = tpu.memref_slice %arg8[%dma_start3A_16, %dma_start3A_17] : memref<88x120xi32, #tpu.memory_space<vmem>> -> memref<1x120xi32, #tpu.memory_space<vmem>>
    %dma_start3A_19 = tpu.memref_squeeze %dma_start3A_18 : memref<1x120xi32, #tpu.memory_space<vmem>> -> memref<120xi32, #tpu.memory_space<vmem>>
    %dma_start3A_20 = arith.constant 0 : i32
    %dma_start3A_21 = arith.constant 0 : i32
    %dma_start3A_22 = tpu.memref_slice %arg2[%dma_start3A_20, %dma_start3A_21] : memref<10240x80xf32, #tpu.memory_space<hbm>> -> memref<10240x80xf32, #tpu.memory_space<hbm>>
    tpu.enqueue_indirect_dma source(%dma_start3A_22 : memref<10240x80xf32, #tpu.memory_space<hbm>>) target(%arg11 : memref<120x80xf32, #tpu.memory_space<vmem>>) offsets(%dma_start3A_19 : memref<120xi32, #tpu.memory_space<vmem>>) semaphore(%arg18 : memref<!tpu.dma_semaphore, #tpu.memory_space<semaphore_mem>>)
    %dma_start3A_23 = arith.constant 1 : i32
    %dma_start3A_24 = arith.constant 0 : i32
    %dma_start3A_25 = tpu.memref_slice %arg9[%dma_start3A_23, %dma_start3A_24] : memref<88x120xi32, #tpu.memory_space<vmem>> -> memref<1x120xi32, #tpu.memory_space<vmem>>
    %dma_start3A_26 = tpu.memref_squeeze %dma_start3A_25 : memref<1x120xi32, #tpu.memory_space<vmem>> -> memref<120xi32, #tpu.memory_space<vmem>>
    %dma_start3A_27 = arith.constant 0 : i32
    %dma_start3A_28 = arith.constant 0 : i32
    %dma_start3A_29 = tpu.memref_slice %arg3[%dma_start3A_27, %dma_start3A_28] : memref<10240x16xf32, #tpu.memory_space<hbm>> -> memref<10240x16xf32, #tpu.memory_space<hbm>>
    tpu.enqueue_indirect_dma source(%dma_start3A_29 : memref<10240x16xf32, #tpu.memory_space<hbm>>) target(%arg13 : memref<120x16xf32, #tpu.memory_space<vmem>>) offsets(%dma_start3A_26 : memref<120xi32, #tpu.memory_space<vmem>>) semaphore(%arg20 : memref<!tpu.dma_semaphore, #tpu.memory_space<semaphore_mem>>)
    %scan3A = arith.constant 0 : i32
    %scan3A_30 = arith.constant 44 : i32
    %scan3A_31 = arith.addi %scan3A, %scan3A_30 : i32
    %scan3A_32 = arith.constant 1 : i32
    scf.for %scan3A_80 = %scan3A to %scan3A_31 step %scan3A_32  : i32 {
      %mul3A_81 = arith.constant 1 : i32
      %mul3A_82 = arith.muli %scan3A_80, %mul3A_81 : i32
      %add3A_83 = arith.constant 0 : i32
      %add3A_84 = arith.addi %add3A_83, %mul3A_82 : i32
      %mul3A_85 = arith.constant 2 : i32
      %mul3A_86 = arith.muli %mul3A_85, %add3A_84 : i32
      %dma_wait3A_87 = arith.constant 0 : i32
      %dma_wait3A_88 = tpu.memref_slice %arg8[%mul3A_86, %dma_wait3A_87] : memref<88x120xi32, #tpu.memory_space<vmem>> -> memref<1x120xi32, #tpu.memory_space<vmem>>
      %dma_wait3A_89 = tpu.memref_squeeze %dma_wait3A_88 : memref<1x120xi32, #tpu.memory_space<vmem>> -> memref<120xi32, #tpu.memory_space<vmem>>
      %dma_wait3A_90 = arith.constant 0 : i32
      %dma_wait3A_91 = arith.constant 0 : i32
      %dma_wait3A_92 = tpu.memref_slice %arg2[%dma_wait3A_90, %dma_wait3A_91] : memref<10240x80xf32, #tpu.memory_space<hbm>> -> memref<10240x80xf32, #tpu.memory_space<hbm>>
      tpu.wait_indirect_dma semaphore(%arg17 : memref<!tpu.dma_semaphore, #tpu.memory_space<semaphore_mem>>) src(%dma_wait3A_92 : memref<10240x80xf32, #tpu.memory_space<hbm>>) dst(%arg10 : memref<120x80xf32, #tpu.memory_space<vmem>>)
      %dma_wait3A_93 = arith.constant 0 : i32
      %dma_wait3A_94 = tpu.memref_slice %arg9[%mul3A_86, %dma_wait3A_93] : memref<88x120xi32, #tpu.memory_space<vmem>> -> memref<1x120xi32, #tpu.memory_space<vmem>>
      %dma_wait3A_95 = tpu.memref_squeeze %dma_wait3A_94 : memref<1x120xi32, #tpu.memory_space<vmem>> -> memref<120xi32, #tpu.memory_space<vmem>>
      %dma_wait3A_96 = arith.constant 0 : i32
      %dma_wait3A_97 = arith.constant 0 : i32
      %dma_wait3A_98 = tpu.memref_slice %arg3[%dma_wait3A_96, %dma_wait3A_97] : memref<10240x16xf32, #tpu.memory_space<hbm>> -> memref<10240x16xf32, #tpu.memory_space<hbm>>
      tpu.wait_indirect_dma semaphore(%arg19 : memref<!tpu.dma_semaphore, #tpu.memory_space<semaphore_mem>>) src(%dma_wait3A_98 : memref<10240x16xf32, #tpu.memory_space<hbm>>) dst(%arg12 : memref<120x16xf32, #tpu.memory_space<vmem>>)
      %gt3A = arith.constant 0 : i32
      %gt3A_99 = arith.cmpi sgt, %add3A_84, %gt3A : i32
      %convert_element_type3A = arith.extui %gt3A_99 : i1 to i32
      %cond3A = arith.constant 0 : i32
      %cond3A_100 = arith.cmpi ne, %convert_element_type3A, %cond3A : i32
      scf.if %cond3A_100 {
        %sub3A = arith.constant 2 : i32
        %sub3A_177 = arith.subi %mul3A_86, %sub3A : i32
        %dma_wait3A_178 = arith.constant 0 : i32
        %dma_wait3A_179 = tpu.memref_slice %arg9[%sub3A_177, %dma_wait3A_178] : memref<88x120xi32, #tpu.memory_space<vmem>> -> memref<1x120xi32, #tpu.memory_space<vmem>>
        %dma_wait3A_180 = tpu.memref_squeeze %dma_wait3A_179 : memref<1x120xi32, #tpu.memory_space<vmem>> -> memref<120xi32, #tpu.memory_space<vmem>>
        %dma_wait3A_181 = arith.constant 0 : i32
        %dma_wait3A_182 = arith.constant 0 : i32
        %dma_wait3A_183 = tpu.memref_slice %arg16[%dma_wait3A_181, %dma_wait3A_182] : memref<10240x80xf32, #tpu.memory_space<vmem_shared>> -> memref<10240x80xf32, #tpu.memory_space<vmem_shared>>
        tpu.wait_indirect_dma semaphore(%arg21 : memref<!tpu.dma_semaphore, #tpu.memory_space<semaphore_mem>>) src(%arg14 : memref<120x80xf32, #tpu.memory_space<vmem>>) dst(%dma_wait3A_183 : memref<10240x80xf32, #tpu.memory_space<vmem_shared>>)
      } else {
      }
      %scan3A_101 = arith.constant 0 : i32
      %scan3A_102 = arith.constant 120 : i32
      %scan3A_103 = arith.addi %scan3A_101, %scan3A_102 : i32
      %scan3A_104 = arith.constant 1 : i32
      scf.for %scan3A_177 = %scan3A_101 to %scan3A_103 step %scan3A_104  : i32 {
        %mul3A_178 = arith.constant 1 : i32
        %mul3A_179 = arith.muli %scan3A_177, %mul3A_178 : i32
        %add3A_180 = arith.constant 0 : i32
        %add3A_181 = arith.addi %add3A_180, %mul3A_179 : i32
        %get3A = arith.index_cast %add3A_181 : i32 to index
        %get3A_182 = arith.constant 64 : index
        %get3A_183 = tpu.vector_load %arg10[%get3A, %get3A_182] {strides = array<i32>} : memref<120x80xf32, #tpu.memory_space<vmem>>, vector<1x16xf32>,
        %get3A_184 = vector.shape_cast %get3A_183 : vector<1x16xf32> to vector<16xf32>
        %get3A_185 = arith.index_cast %add3A_181 : i32 to index
        %get3A_186 = arith.constant 0 : index
        %get3A_187 = tpu.vector_load %arg12[%get3A_185, %get3A_186] {strides = array<i32>} : memref<120x16xf32, #tpu.memory_space<vmem>>, vector<1x16xf32>,
        %get3A_188 = vector.shape_cast %get3A_187 : vector<1x16xf32> to vector<16xf32>
        %add3A_189 = arith.addf %get3A_184, %get3A_188 : vector<16xf32>
        %mul3A_190 = arith.constant 2.000000e-01 : f32
        %mul3A_191 = vector.broadcast %mul3A_190 : f32 to vector<16xf32>
        %mul3A_192 = arith.mulf %add3A_189, %mul3A_191 : vector<16xf32>
        %max3A = arith.maximumf %add3A_189, %mul3A_192 : vector<16xf32>
        %exp3A = math.exp %max3A : vector<16xf32>
        %swap3A = arith.index_cast %add3A_181 : i32 to index
        %swap3A_193 = arith.constant 64 : index
        %swap3A_194 = tpu.vector_load %arg14[%swap3A, %swap3A_193] {strides = array<i32>} : memref<120x80xf32, #tpu.memory_space<vmem>>, vector<1x16xf32>,
        %swap3A_195 = vector.shape_cast %swap3A_194 : vector<1x16xf32> to vector<16xf32>
        %swap3A_196 = vector.shape_cast %exp3A : vector<16xf32> to vector<1x16xf32>
        tpu.vector_store %arg14[%swap3A, %swap3A_193], %swap3A_196 {strides = array<i32>} : memref<120x80xf32, #tpu.memory_space<vmem>>, vector<1x16xf32>,
        %get3A_197 = arith.index_cast %add3A_181 : i32 to index
        %get3A_198 = arith.constant 0 : index
        %get3A_199 = tpu.vector_load %arg10[%get3A_197, %get3A_198] {strides = array<i32>} : memref<120x80xf32, #tpu.memory_space<vmem>>, vector<1x16xf32>,
        %get3A_200 = vector.shape_cast %get3A_199 : vector<1x16xf32> to vector<16xf32>
        %slice3A = vector.extract_strided_slice %exp3A {offsets = [0], sizes = [1], strides = [1]} : vector<16xf32> to vector<1xf32>
        %squeeze3A = vector.extract %slice3A[0] : f32 from vector<1xf32>
        %mul3A_201 = vector.broadcast %squeeze3A : f32 to vector<16xf32>
        %mul3A_202 = arith.mulf %get3A_200, %mul3A_201 : vector<16xf32>
        %swap3A_203 = arith.index_cast %add3A_181 : i32 to index
        %swap3A_204 = arith.constant 0 : index
        %swap3A_205 = tpu.vector_load %arg14[%swap3A_203, %swap3A_204] {strides = array<i32>} : memref<120x80xf32, #tpu.memory_space<vmem>>, vector<1x16xf32>,
        %swap3A_206 = vector.shape_cast %swap3A_205 : vector<1x16xf32> to vector<16xf32>
        %swap3A_207 = vector.shape_cast %mul3A_202 : vector<16xf32> to vector<1x16xf32>
        tpu.vector_store %arg14[%swap3A_203, %swap3A_204], %swap3A_207 {strides = array<i32>} : memref<120x80xf32, #tpu.memory_space<vmem>>, vector<1x16xf32>,
        %get3A_208 = arith.index_cast %add3A_181 : i32 to index
        %get3A_209 = arith.constant 16 : index
        %get3A_210 = tpu.vector_load %arg10[%get3A_208, %get3A_209] {strides = array<i32>} : memref<120x80xf32, #tpu.memory_space<vmem>>, vector<1x16xf32>,
        %get3A_211 = vector.shape_cast %get3A_210 : vector<1x16xf32> to vector<16xf32>
        %slice3A_212 = vector.extract_strided_slice %exp3A {offsets = [1], sizes = [1], strides = [1]} : vector<16xf32> to vector<1xf32>
        %squeeze3A_213 = vector.extract %slice3A_212[0] : f32 from vector<1xf32>
        %mul3A_214 = vector.broadcast %squeeze3A_213 : f32 to vector<16xf32>
        %mul3A_215 = arith.mulf %get3A_211, %mul3A_214 : vector<16xf32>
        %swap3A_216 = arith.index_cast %add3A_181 : i32 to index
        %swap3A_217 = arith.constant 16 : index
        %swap3A_218 = tpu.vector_load %arg14[%swap3A_216, %swap3A_217] {strides = array<i32>} : memref<120x80xf32, #tpu.memory_space<vmem>>, vector<1x16xf32>,
        %swap3A_219 = vector.shape_cast %swap3A_218 : vector<1x16xf32> to vector<16xf32>
        %swap3A_220 = vector.shape_cast %mul3A_215 : vector<16xf32> to vector<1x16xf32>
        tpu.vector_store %arg14[%swap3A_216, %swap3A_217], %swap3A_220 {strides = array<i32>} : memref<120x80xf32, #tpu.memory_space<vmem>>, vector<1x16xf32>,
        %get3A_221 = arith.index_cast %add3A_181 : i32 to index
        %get3A_222 = arith.constant 32 : index
        %get3A_223 = tpu.vector_load %arg10[%get3A_221, %get3A_222] {strides = array<i32>} : memref<120x80xf32, #tpu.memory_space<vmem>>, vector<1x16xf32>,
        %get3A_224 = vector.shape_cast %get3A_223 : vector<1x16xf32> to vector<16xf32>
        %slice3A_225 = vector.extract_strided_slice %exp3A {offsets = [2], sizes = [1], strides = [1]} : vector<16xf32> to vector<1xf32>
        %squeeze3A_226 = vector.extract %slice3A_225[0] : f32 from vector<1xf32>
        %mul3A_227 = vector.broadcast %squeeze3A_226 : f32 to vector<16xf32>
        %mul3A_228 = arith.mulf %get3A_224, %mul3A_227 : vector<16xf32>
        %swap3A_229 = arith.index_cast %add3A_181 : i32 to index
        %swap3A_230 = arith.constant 32 : index
        %swap3A_231 = tpu.vector_load %arg14[%swap3A_229, %swap3A_230] {strides = array<i32>} : memref<120x80xf32, #tpu.memory_space<vmem>>, vector<1x16xf32>,
        %swap3A_232 = vector.shape_cast %swap3A_231 : vector<1x16xf32> to vector<16xf32>
        %swap3A_233 = vector.shape_cast %mul3A_228 : vector<16xf32> to vector<1x16xf32>
        tpu.vector_store %arg14[%swap3A_229, %swap3A_230], %swap3A_233 {strides = array<i32>} : memref<120x80xf32, #tpu.memory_space<vmem>>, vector<1x16xf32>,
        %get3A_234 = arith.index_cast %add3A_181 : i32 to index
        %get3A_235 = arith.constant 48 : index
        %get3A_236 = tpu.vector_load %arg10[%get3A_234, %get3A_235] {strides = array<i32>} : memref<120x80xf32, #tpu.memory_space<vmem>>, vector<1x16xf32>,
        %get3A_237 = vector.shape_cast %get3A_236 : vector<1x16xf32> to vector<16xf32>
        %slice3A_238 = vector.extract_strided_slice %exp3A {offsets = [3], sizes = [1], strides = [1]} : vector<16xf32> to vector<1xf32>
        %squeeze3A_239 = vector.extract %slice3A_238[0] : f32 from vector<1xf32>
        %mul3A_240 = vector.broadcast %squeeze3A_239 : f32 to vector<16xf32>
        %mul3A_241 = arith.mulf %get3A_237, %mul3A_240 : vector<16xf32>
        %swap3A_242 = arith.index_cast %add3A_181 : i32 to index
        %swap3A_243 = arith.constant 48 : index
        %swap3A_244 = tpu.vector_load %arg14[%swap3A_242, %swap3A_243] {strides = array<i32>} : memref<120x80xf32, #tpu.memory_space<vmem>>, vector<1x16xf32>,
        %swap3A_245 = vector.shape_cast %swap3A_244 : vector<1x16xf32> to vector<16xf32>
        %swap3A_246 = vector.shape_cast %mul3A_241 : vector<16xf32> to vector<1x16xf32>
        tpu.vector_store %arg14[%swap3A_242, %swap3A_243], %swap3A_246 {strides = array<i32>} : memref<120x80xf32, #tpu.memory_space<vmem>>, vector<1x16xf32>,
      }
      %scan3A_105 = arith.constant 120 : i32
      %dma_start3A_106 = arith.constant 0 : i32
      %dma_start3A_107 = tpu.memref_slice %arg9[%mul3A_86, %dma_start3A_106] : memref<88x120xi32, #tpu.memory_space<vmem>> -> memref<1x120xi32, #tpu.memory_space<vmem>>
      %dma_start3A_108 = tpu.memref_squeeze %dma_start3A_107 : memref<1x120xi32, #tpu.memory_space<vmem>> -> memref<120xi32, #tpu.memory_space<vmem>>
      %dma_start3A_109 = arith.constant 0 : i32
      %dma_start3A_110 = arith.constant 0 : i32
      %dma_start3A_111 = tpu.memref_slice %arg16[%dma_start3A_109, %dma_start3A_110] : memref<10240x80xf32, #tpu.memory_space<vmem_shared>> -> memref<10240x80xf32, #tpu.memory_space<vmem_shared>>
      tpu.enqueue_indirect_dma source(%arg14 : memref<120x80xf32, #tpu.memory_space<vmem>>) target(%dma_start3A_111 : memref<10240x80xf32, #tpu.memory_space<vmem_shared>>) offsets(%dma_start3A_108 : memref<120xi32, #tpu.memory_space<vmem>>) semaphore(%arg21 : memref<!tpu.dma_semaphore, #tpu.memory_space<semaphore_mem>>) {add = true}
      %add3A_112 = arith.constant 2 : i32
      %add3A_113 = arith.addi %mul3A_86, %add3A_112 : i32
      %lt3A = arith.constant 88 : i32
      %lt3A_114 = arith.cmpi slt, %add3A_113, %lt3A : i32
      %jit3A = arith.constant 0 : i32
      %select_n3A = arith.select %lt3A_114, %add3A_113, %jit3A : i32
      %dma_start3A_115 = arith.constant 0 : i32
      %dma_start3A_116 = tpu.memref_slice %arg8[%select_n3A, %dma_start3A_115] : memref<88x120xi32, #tpu.memory_space<vmem>> -> memref<1x120xi32, #tpu.memory_space<vmem>>
      %dma_start3A_117 = tpu.memref_squeeze %dma_start3A_116 : memref<1x120xi32, #tpu.memory_space<vmem>> -> memref<120xi32, #tpu.memory_space<vmem>>
      %dma_start3A_118 = arith.constant 0 : i32
      %dma_start3A_119 = arith.constant 0 : i32
      %dma_start3A_120 = tpu.memref_slice %arg2[%dma_start3A_118, %dma_start3A_119] : memref<10240x80xf32, #tpu.memory_space<hbm>> -> memref<10240x80xf32, #tpu.memory_space<hbm>>
      tpu.enqueue_indirect_dma source(%dma_start3A_120 : memref<10240x80xf32, #tpu.memory_space<hbm>>) target(%arg10 : memref<120x80xf32, #tpu.memory_space<vmem>>) offsets(%dma_start3A_117 : memref<120xi32, #tpu.memory_space<vmem>>) semaphore(%arg17 : memref<!tpu.dma_semaphore, #tpu.memory_space<semaphore_mem>>)
      %dma_start3A_121 = arith.constant 0 : i32
      %dma_start3A_122 = tpu.memref_slice %arg9[%select_n3A, %dma_start3A_121] : memref<88x120xi32, #tpu.memory_space<vmem>> -> memref<1x120xi32, #tpu.memory_space<vmem>>
      %dma_start3A_123 = tpu.memref_squeeze %dma_start3A_122 : memref<1x120xi32, #tpu.memory_space<vmem>> -> memref<120xi32, #tpu.memory_space<vmem>>
      %dma_start3A_124 = arith.constant 0 : i32
      %dma_start3A_125 = arith.constant 0 : i32
      %dma_start3A_126 = tpu.memref_slice %arg3[%dma_start3A_124, %dma_start3A_125] : memref<10240x16xf32, #tpu.memory_space<hbm>> -> memref<10240x16xf32, #tpu.memory_space<hbm>>
      tpu.enqueue_indirect_dma source(%dma_start3A_126 : memref<10240x16xf32, #tpu.memory_space<hbm>>) target(%arg12 : memref<120x16xf32, #tpu.memory_space<vmem>>) offsets(%dma_start3A_123 : memref<120xi32, #tpu.memory_space<vmem>>) semaphore(%arg19 : memref<!tpu.dma_semaphore, #tpu.memory_space<semaphore_mem>>)
      %add3A_127 = arith.constant 1 : i32
      %add3A_128 = arith.addi %mul3A_86, %add3A_127 : i32
      %dma_wait3A_129 = arith.constant 0 : i32
      %dma_wait3A_130 = tpu.memref_slice %arg8[%add3A_128, %dma_wait3A_129] : memref<88x120xi32, #tpu.memory_space<vmem>> -> memref<1x120xi32, #tpu.memory_space<vmem>>
      %dma_wait3A_131 = tpu.memref_squeeze %dma_wait3A_130 : memref<1x120xi32, #tpu.memory_space<vmem>> -> memref<120xi32, #tpu.memory_space<vmem>>
      %dma_wait3A_132 = arith.constant 0 : i32
      %dma_wait3A_133 = arith.constant 0 : i32
      %dma_wait3A_134 = tpu.memref_slice %arg2[%dma_wait3A_132, %dma_wait3A_133] : memref<10240x80xf32, #tpu.memory_space<hbm>> -> memref<10240x80xf32, #tpu.memory_space<hbm>>
      tpu.wait_indirect_dma semaphore(%arg18 : memref<!tpu.dma_semaphore, #tpu.memory_space<semaphore_mem>>) src(%dma_wait3A_134 : memref<10240x80xf32, #tpu.memory_space<hbm>>) dst(%arg11 : memref<120x80xf32, #tpu.memory_space<vmem>>)
      %dma_wait3A_135 = arith.constant 0 : i32
      %dma_wait3A_136 = tpu.memref_slice %arg9[%add3A_128, %dma_wait3A_135] : memref<88x120xi32, #tpu.memory_space<vmem>> -> memref<1x120xi32, #tpu.memory_space<vmem>>
      %dma_wait3A_137 = tpu.memref_squeeze %dma_wait3A_136 : memref<1x120xi32, #tpu.memory_space<vmem>> -> memref<120xi32, #tpu.memory_space<vmem>>
      %dma_wait3A_138 = arith.constant 0 : i32
      %dma_wait3A_139 = arith.constant 0 : i32
      %dma_wait3A_140 = tpu.memref_slice %arg3[%dma_wait3A_138, %dma_wait3A_139] : memref<10240x16xf32, #tpu.memory_space<hbm>> -> memref<10240x16xf32, #tpu.memory_space<hbm>>
      tpu.wait_indirect_dma semaphore(%arg20 : memref<!tpu.dma_semaphore, #tpu.memory_space<semaphore_mem>>) src(%dma_wait3A_140 : memref<10240x16xf32, #tpu.memory_space<hbm>>) dst(%arg13 : memref<120x16xf32, #tpu.memory_space<vmem>>)
      %gt3A_141 = arith.constant 0 : i32
      %gt3A_142 = arith.cmpi sgt, %add3A_84, %gt3A_141 : i32
      %convert_element_type3A_143 = arith.extui %gt3A_142 : i1 to i32
      %cond3A_144 = arith.constant 0 : i32
      %cond3A_145 = arith.cmpi ne, %convert_element_type3A_143, %cond3A_144 : i32
      scf.if %cond3A_145 {
        %sub3A = arith.constant 1 : i32
        %sub3A_177 = arith.subi %mul3A_86, %sub3A : i32
        %dma_wait3A_178 = arith.constant 0 : i32
        %dma_wait3A_179 = tpu.memref_slice %arg9[%sub3A_177, %dma_wait3A_178] : memref<88x120xi32, #tpu.memory_space<vmem>> -> memref<1x120xi32, #tpu.memory_space<vmem>>
        %dma_wait3A_180 = tpu.memref_squeeze %dma_wait3A_179 : memref<1x120xi32, #tpu.memory_space<vmem>> -> memref<120xi32, #tpu.memory_space<vmem>>
        %dma_wait3A_181 = arith.constant 0 : i32
        %dma_wait3A_182 = arith.constant 0 : i32
        %dma_wait3A_183 = tpu.memref_slice %arg16[%dma_wait3A_181, %dma_wait3A_182] : memref<10240x80xf32, #tpu.memory_space<vmem_shared>> -> memref<10240x80xf32, #tpu.memory_space<vmem_shared>>
        tpu.wait_indirect_dma semaphore(%arg22 : memref<!tpu.dma_semaphore, #tpu.memory_space<semaphore_mem>>) src(%arg15 : memref<120x80xf32, #tpu.memory_space<vmem>>) dst(%dma_wait3A_183 : memref<10240x80xf32, #tpu.memory_space<vmem_shared>>)
      } else {
      }
      %scan3A_146 = arith.constant 0 : i32
      %scan3A_147 = arith.constant 120 : i32
      %scan3A_148 = arith.addi %scan3A_146, %scan3A_147 : i32
      %scan3A_149 = arith.constant 1 : i32
      scf.for %scan3A_177 = %scan3A_146 to %scan3A_148 step %scan3A_149  : i32 {
        %mul3A_178 = arith.constant 1 : i32
        %mul3A_179 = arith.muli %scan3A_177, %mul3A_178 : i32
        %add3A_180 = arith.constant 0 : i32
        %add3A_181 = arith.addi %add3A_180, %mul3A_179 : i32
        %get3A = arith.index_cast %add3A_181 : i32 to index
        %get3A_182 = arith.constant 64 : index
        %get3A_183 = tpu.vector_load %arg11[%get3A, %get3A_182] {strides = array<i32>} : memref<120x80xf32, #tpu.memory_space<vmem>>, vector<1x16xf32>,
        %get3A_184 = vector.shape_cast %get3A_183 : vector<1x16xf32> to vector<16xf32>
        %get3A_185 = arith.index_cast %add3A_181 : i32 to index
        %get3A_186 = arith.constant 0 : index
        %get3A_187 = tpu.vector_load %arg13[%get3A_185, %get3A_186] {strides = array<i32>} : memref<120x16xf32, #tpu.memory_space<vmem>>, vector<1x16xf32>,
        %get3A_188 = vector.shape_cast %get3A_187 : vector<1x16xf32> to vector<16xf32>
        %add3A_189 = arith.addf %get3A_184, %get3A_188 : vector<16xf32>
        %mul3A_190 = arith.constant 2.000000e-01 : f32
        %mul3A_191 = vector.broadcast %mul3A_190 : f32 to vector<16xf32>
        %mul3A_192 = arith.mulf %add3A_189, %mul3A_191 : vector<16xf32>
        %max3A = arith.maximumf %add3A_189, %mul3A_192 : vector<16xf32>
        %exp3A = math.exp %max3A : vector<16xf32>
        %swap3A = arith.index_cast %add3A_181 : i32 to index
        %swap3A_193 = arith.constant 64 : index
        %swap3A_194 = tpu.vector_load %arg15[%swap3A, %swap3A_193] {strides = array<i32>} : memref<120x80xf32, #tpu.memory_space<vmem>>, vector<1x16xf32>,
        %swap3A_195 = vector.shape_cast %swap3A_194 : vector<1x16xf32> to vector<16xf32>
        %swap3A_196 = vector.shape_cast %exp3A : vector<16xf32> to vector<1x16xf32>
        tpu.vector_store %arg15[%swap3A, %swap3A_193], %swap3A_196 {strides = array<i32>} : memref<120x80xf32, #tpu.memory_space<vmem>>, vector<1x16xf32>,
        %get3A_197 = arith.index_cast %add3A_181 : i32 to index
        %get3A_198 = arith.constant 0 : index
        %get3A_199 = tpu.vector_load %arg11[%get3A_197, %get3A_198] {strides = array<i32>} : memref<120x80xf32, #tpu.memory_space<vmem>>, vector<1x16xf32>,
        %get3A_200 = vector.shape_cast %get3A_199 : vector<1x16xf32> to vector<16xf32>
        %slice3A = vector.extract_strided_slice %exp3A {offsets = [0], sizes = [1], strides = [1]} : vector<16xf32> to vector<1xf32>
        %squeeze3A = vector.extract %slice3A[0] : f32 from vector<1xf32>
        %mul3A_201 = vector.broadcast %squeeze3A : f32 to vector<16xf32>
        %mul3A_202 = arith.mulf %get3A_200, %mul3A_201 : vector<16xf32>
        %swap3A_203 = arith.index_cast %add3A_181 : i32 to index
        %swap3A_204 = arith.constant 0 : index
        %swap3A_205 = tpu.vector_load %arg15[%swap3A_203, %swap3A_204] {strides = array<i32>} : memref<120x80xf32, #tpu.memory_space<vmem>>, vector<1x16xf32>,
        %swap3A_206 = vector.shape_cast %swap3A_205 : vector<1x16xf32> to vector<16xf32>
        %swap3A_207 = vector.shape_cast %mul3A_202 : vector<16xf32> to vector<1x16xf32>
        tpu.vector_store %arg15[%swap3A_203, %swap3A_204], %swap3A_207 {strides = array<i32>} : memref<120x80xf32, #tpu.memory_space<vmem>>, vector<1x16xf32>,
        %get3A_208 = arith.index_cast %add3A_181 : i32 to index
        %get3A_209 = arith.constant 16 : index
        %get3A_210 = tpu.vector_load %arg11[%get3A_208, %get3A_209] {strides = array<i32>} : memref<120x80xf32, #tpu.memory_space<vmem>>, vector<1x16xf32>,
        %get3A_211 = vector.shape_cast %get3A_210 : vector<1x16xf32> to vector<16xf32>
        %slice3A_212 = vector.extract_strided_slice %exp3A {offsets = [1], sizes = [1], strides = [1]} : vector<16xf32> to vector<1xf32>
        %squeeze3A_213 = vector.extract %slice3A_212[0] : f32 from vector<1xf32>
        %mul3A_214 = vector.broadcast %squeeze3A_213 : f32 to vector<16xf32>
        %mul3A_215 = arith.mulf %get3A_211, %mul3A_214 : vector<16xf32>
        %swap3A_216 = arith.index_cast %add3A_181 : i32 to index
        %swap3A_217 = arith.constant 16 : index
        %swap3A_218 = tpu.vector_load %arg15[%swap3A_216, %swap3A_217] {strides = array<i32>} : memref<120x80xf32, #tpu.memory_space<vmem>>, vector<1x16xf32>,
        %swap3A_219 = vector.shape_cast %swap3A_218 : vector<1x16xf32> to vector<16xf32>
        %swap3A_220 = vector.shape_cast %mul3A_215 : vector<16xf32> to vector<1x16xf32>
        tpu.vector_store %arg15[%swap3A_216, %swap3A_217], %swap3A_220 {strides = array<i32>} : memref<120x80xf32, #tpu.memory_space<vmem>>, vector<1x16xf32>,
        %get3A_221 = arith.index_cast %add3A_181 : i32 to index
        %get3A_222 = arith.constant 32 : index
        %get3A_223 = tpu.vector_load %arg11[%get3A_221, %get3A_222] {strides = array<i32>} : memref<120x80xf32, #tpu.memory_space<vmem>>, vector<1x16xf32>,
        %get3A_224 = vector.shape_cast %get3A_223 : vector<1x16xf32> to vector<16xf32>
        %slice3A_225 = vector.extract_strided_slice %exp3A {offsets = [2], sizes = [1], strides = [1]} : vector<16xf32> to vector<1xf32>
        %squeeze3A_226 = vector.extract %slice3A_225[0] : f32 from vector<1xf32>
        %mul3A_227 = vector.broadcast %squeeze3A_226 : f32 to vector<16xf32>
        %mul3A_228 = arith.mulf %get3A_224, %mul3A_227 : vector<16xf32>
        %swap3A_229 = arith.index_cast %add3A_181 : i32 to index
        %swap3A_230 = arith.constant 32 : index
        %swap3A_231 = tpu.vector_load %arg15[%swap3A_229, %swap3A_230] {strides = array<i32>} : memref<120x80xf32, #tpu.memory_space<vmem>>, vector<1x16xf32>,
        %swap3A_232 = vector.shape_cast %swap3A_231 : vector<1x16xf32> to vector<16xf32>
        %swap3A_233 = vector.shape_cast %mul3A_228 : vector<16xf32> to vector<1x16xf32>
        tpu.vector_store %arg15[%swap3A_229, %swap3A_230], %swap3A_233 {strides = array<i32>} : memref<120x80xf32, #tpu.memory_space<vmem>>, vector<1x16xf32>,
        %get3A_234 = arith.index_cast %add3A_181 : i32 to index
        %get3A_235 = arith.constant 48 : index
        %get3A_236 = tpu.vector_load %arg11[%get3A_234, %get3A_235] {strides = array<i32>} : memref<120x80xf32, #tpu.memory_space<vmem>>, vector<1x16xf32>,
        %get3A_237 = vector.shape_cast %get3A_236 : vector<1x16xf32> to vector<16xf32>
        %slice3A_238 = vector.extract_strided_slice %exp3A {offsets = [3], sizes = [1], strides = [1]} : vector<16xf32> to vector<1xf32>
        %squeeze3A_239 = vector.extract %slice3A_238[0] : f32 from vector<1xf32>
        %mul3A_240 = vector.broadcast %squeeze3A_239 : f32 to vector<16xf32>
        %mul3A_241 = arith.mulf %get3A_237, %mul3A_240 : vector<16xf32>
        %swap3A_242 = arith.index_cast %add3A_181 : i32 to index
        %swap3A_243 = arith.constant 48 : index
        %swap3A_244 = tpu.vector_load %arg15[%swap3A_242, %swap3A_243] {strides = array<i32>} : memref<120x80xf32, #tpu.memory_space<vmem>>, vector<1x16xf32>,
        %swap3A_245 = vector.shape_cast %swap3A_244 : vector<1x16xf32> to vector<16xf32>
        %swap3A_246 = vector.shape_cast %mul3A_241 : vector<16xf32> to vector<1x16xf32>
        tpu.vector_store %arg15[%swap3A_242, %swap3A_243], %swap3A_246 {strides = array<i32>} : memref<120x80xf32, #tpu.memory_space<vmem>>, vector<1x16xf32>,
      }
      %scan3A_150 = arith.constant 120 : i32
      %add3A_151 = arith.constant 1 : i32
      %add3A_152 = arith.addi %mul3A_86, %add3A_151 : i32
      %dma_start3A_153 = arith.constant 0 : i32
      %dma_start3A_154 = tpu.memref_slice %arg9[%add3A_152, %dma_start3A_153] : memref<88x120xi32, #tpu.memory_space<vmem>> -> memref<1x120xi32, #tpu.memory_space<vmem>>
      %dma_start3A_155 = tpu.memref_squeeze %dma_start3A_154 : memref<1x120xi32, #tpu.memory_space<vmem>> -> memref<120xi32, #tpu.memory_space<vmem>>
      %dma_start3A_156 = arith.constant 0 : i32
      %dma_start3A_157 = arith.constant 0 : i32
      %dma_start3A_158 = tpu.memref_slice %arg16[%dma_start3A_156, %dma_start3A_157] : memref<10240x80xf32, #tpu.memory_space<vmem_shared>> -> memref<10240x80xf32, #tpu.memory_space<vmem_shared>>
      tpu.enqueue_indirect_dma source(%arg15 : memref<120x80xf32, #tpu.memory_space<vmem>>) target(%dma_start3A_158 : memref<10240x80xf32, #tpu.memory_space<vmem_shared>>) offsets(%dma_start3A_155 : memref<120xi32, #tpu.memory_space<vmem>>) semaphore(%arg22 : memref<!tpu.dma_semaphore, #tpu.memory_space<semaphore_mem>>) {add = true}
      %add3A_159 = arith.constant 3 : i32
      %add3A_160 = arith.addi %mul3A_86, %add3A_159 : i32
      %lt3A_161 = arith.constant 88 : i32
      %lt3A_162 = arith.cmpi slt, %add3A_160, %lt3A_161 : i32
      %jit3A_163 = arith.constant 0 : i32
      %select_n3A_164 = arith.select %lt3A_162, %add3A_160, %jit3A_163 : i32
      %dma_start3A_165 = arith.constant 0 : i32
      %dma_start3A_166 = tpu.memref_slice %arg8[%select_n3A_164, %dma_start3A_165] : memref<88x120xi32, #tpu.memory_space<vmem>> -> memref<1x120xi32, #tpu.memory_space<vmem>>
      %dma_start3A_167 = tpu.memref_squeeze %dma_start3A_166 : memref<1x120xi32, #tpu.memory_space<vmem>> -> memref<120xi32, #tpu.memory_space<vmem>>
      %dma_start3A_168 = arith.constant 0 : i32
      %dma_start3A_169 = arith.constant 0 : i32
      %dma_start3A_170 = tpu.memref_slice %arg2[%dma_start3A_168, %dma_start3A_169] : memref<10240x80xf32, #tpu.memory_space<hbm>> -> memref<10240x80xf32, #tpu.memory_space<hbm>>
      tpu.enqueue_indirect_dma source(%dma_start3A_170 : memref<10240x80xf32, #tpu.memory_space<hbm>>) target(%arg11 : memref<120x80xf32, #tpu.memory_space<vmem>>) offsets(%dma_start3A_167 : memref<120xi32, #tpu.memory_space<vmem>>) semaphore(%arg18 : memref<!tpu.dma_semaphore, #tpu.memory_space<semaphore_mem>>)
      %dma_start3A_171 = arith.constant 0 : i32
      %dma_start3A_172 = tpu.memref_slice %arg9[%select_n3A_164, %dma_start3A_171] : memref<88x120xi32, #tpu.memory_space<vmem>> -> memref<1x120xi32, #tpu.memory_space<vmem>>
      %dma_start3A_173 = tpu.memref_squeeze %dma_start3A_172 : memref<1x120xi32, #tpu.memory_space<vmem>> -> memref<120xi32, #tpu.memory_space<vmem>>
      %dma_start3A_174 = arith.constant 0 : i32
      %dma_start3A_175 = arith.constant 0 : i32
      %dma_start3A_176 = tpu.memref_slice %arg3[%dma_start3A_174, %dma_start3A_175] : memref<10240x16xf32, #tpu.memory_space<hbm>> -> memref<10240x16xf32, #tpu.memory_space<hbm>>
      tpu.enqueue_indirect_dma source(%dma_start3A_176 : memref<10240x16xf32, #tpu.memory_space<hbm>>) target(%arg13 : memref<120x16xf32, #tpu.memory_space<vmem>>) offsets(%dma_start3A_173 : memref<120xi32, #tpu.memory_space<vmem>>) semaphore(%arg20 : memref<!tpu.dma_semaphore, #tpu.memory_space<semaphore_mem>>)
    }
    %scan3A_33 = arith.constant 44 : i32
    %dma_wait3A = arith.constant 0 : i32
    %dma_wait3A_34 = arith.constant 0 : i32
    %dma_wait3A_35 = tpu.memref_slice %arg8[%dma_wait3A, %dma_wait3A_34] : memref<88x120xi32, #tpu.memory_space<vmem>> -> memref<1x120xi32, #tpu.memory_space<vmem>>
    %dma_wait3A_36 = tpu.memref_squeeze %dma_wait3A_35 : memref<1x120xi32, #tpu.memory_space<vmem>> -> memref<120xi32, #tpu.memory_space<vmem>>
    %dma_wait3A_37 = arith.constant 0 : i32
    %dma_wait3A_38 = arith.constant 0 : i32
    %dma_wait3A_39 = tpu.memref_slice %arg2[%dma_wait3A_37, %dma_wait3A_38] : memref<10240x80xf32, #tpu.memory_space<hbm>> -> memref<10240x80xf32, #tpu.memory_space<hbm>>
    tpu.wait_indirect_dma semaphore(%arg17 : memref<!tpu.dma_semaphore, #tpu.memory_space<semaphore_mem>>) src(%dma_wait3A_39 : memref<10240x80xf32, #tpu.memory_space<hbm>>) dst(%arg10 : memref<120x80xf32, #tpu.memory_space<vmem>>)
    %dma_wait3A_40 = arith.constant 0 : i32
    %dma_wait3A_41 = arith.constant 0 : i32
    %dma_wait3A_42 = tpu.memref_slice %arg9[%dma_wait3A_40, %dma_wait3A_41] : memref<88x120xi32, #tpu.memory_space<vmem>> -> memref<1x120xi32, #tpu.memory_space<vmem>>
    %dma_wait3A_43 = tpu.memref_squeeze %dma_wait3A_42 : memref<1x120xi32, #tpu.memory_space<vmem>> -> memref<120xi32, #tpu.memory_space<vmem>>
    %dma_wait3A_44 = arith.constant 0 : i32
    %dma_wait3A_45 = arith.constant 0 : i32
    %dma_wait3A_46 = tpu.memref_slice %arg3[%dma_wait3A_44, %dma_wait3A_45] : memref<10240x16xf32, #tpu.memory_space<hbm>> -> memref<10240x16xf32, #tpu.memory_space<hbm>>
    tpu.wait_indirect_dma semaphore(%arg19 : memref<!tpu.dma_semaphore, #tpu.memory_space<semaphore_mem>>) src(%dma_wait3A_46 : memref<10240x16xf32, #tpu.memory_space<hbm>>) dst(%arg12 : memref<120x16xf32, #tpu.memory_space<vmem>>)
    %dma_wait3A_47 = arith.constant 0 : i32
    %dma_wait3A_48 = arith.constant 0 : i32
    %dma_wait3A_49 = tpu.memref_slice %arg8[%dma_wait3A_47, %dma_wait3A_48] : memref<88x120xi32, #tpu.memory_space<vmem>> -> memref<1x120xi32, #tpu.memory_space<vmem>>
    %dma_wait3A_50 = tpu.memref_squeeze %dma_wait3A_49 : memref<1x120xi32, #tpu.memory_space<vmem>> -> memref<120xi32, #tpu.memory_space<vmem>>
    %dma_wait3A_51 = arith.constant 0 : i32
    %dma_wait3A_52 = arith.constant 0 : i32
    %dma_wait3A_53 = tpu.memref_slice %arg2[%dma_wait3A_51, %dma_wait3A_52] : memref<10240x80xf32, #tpu.memory_space<hbm>> -> memref<10240x80xf32, #tpu.memory_space<hbm>>
    tpu.wait_indirect_dma semaphore(%arg18 : memref<!tpu.dma_semaphore, #tpu.memory_space<semaphore_mem>>) src(%dma_wait3A_53 : memref<10240x80xf32, #tpu.memory_space<hbm>>) dst(%arg11 : memref<120x80xf32, #tpu.memory_space<vmem>>)
    %dma_wait3A_54 = arith.constant 0 : i32
    %dma_wait3A_55 = arith.constant 0 : i32
    %dma_wait3A_56 = tpu.memref_slice %arg9[%dma_wait3A_54, %dma_wait3A_55] : memref<88x120xi32, #tpu.memory_space<vmem>> -> memref<1x120xi32, #tpu.memory_space<vmem>>
    %dma_wait3A_57 = tpu.memref_squeeze %dma_wait3A_56 : memref<1x120xi32, #tpu.memory_space<vmem>> -> memref<120xi32, #tpu.memory_space<vmem>>
    %dma_wait3A_58 = arith.constant 0 : i32
    %dma_wait3A_59 = arith.constant 0 : i32
    %dma_wait3A_60 = tpu.memref_slice %arg3[%dma_wait3A_58, %dma_wait3A_59] : memref<10240x16xf32, #tpu.memory_space<hbm>> -> memref<10240x16xf32, #tpu.memory_space<hbm>>
    tpu.wait_indirect_dma semaphore(%arg20 : memref<!tpu.dma_semaphore, #tpu.memory_space<semaphore_mem>>) src(%dma_wait3A_60 : memref<10240x16xf32, #tpu.memory_space<hbm>>) dst(%arg13 : memref<120x16xf32, #tpu.memory_space<vmem>>)
    %dma_wait3A_61 = arith.constant 86 : i32
    %dma_wait3A_62 = arith.constant 0 : i32
    %dma_wait3A_63 = tpu.memref_slice %arg9[%dma_wait3A_61, %dma_wait3A_62] : memref<88x120xi32, #tpu.memory_space<vmem>> -> memref<1x120xi32, #tpu.memory_space<vmem>>
    %dma_wait3A_64 = tpu.memref_squeeze %dma_wait3A_63 : memref<1x120xi32, #tpu.memory_space<vmem>> -> memref<120xi32, #tpu.memory_space<vmem>>
    %dma_wait3A_65 = arith.constant 0 : i32
    %dma_wait3A_66 = arith.constant 0 : i32
    %dma_wait3A_67 = tpu.memref_slice %arg16[%dma_wait3A_65, %dma_wait3A_66] : memref<10240x80xf32, #tpu.memory_space<vmem_shared>> -> memref<10240x80xf32, #tpu.memory_space<vmem_shared>>
    tpu.wait_indirect_dma semaphore(%arg21 : memref<!tpu.dma_semaphore, #tpu.memory_space<semaphore_mem>>) src(%arg14 : memref<120x80xf32, #tpu.memory_space<vmem>>) dst(%dma_wait3A_67 : memref<10240x80xf32, #tpu.memory_space<vmem_shared>>)
    %dma_wait3A_68 = arith.constant 87 : i32
    %dma_wait3A_69 = arith.constant 0 : i32
    %dma_wait3A_70 = tpu.memref_slice %arg9[%dma_wait3A_68, %dma_wait3A_69] : memref<88x120xi32, #tpu.memory_space<vmem>> -> memref<1x120xi32, #tpu.memory_space<vmem>>
    %dma_wait3A_71 = tpu.memref_squeeze %dma_wait3A_70 : memref<1x120xi32, #tpu.memory_space<vmem>> -> memref<120xi32, #tpu.memory_space<vmem>>
    %dma_wait3A_72 = arith.constant 0 : i32
    %dma_wait3A_73 = arith.constant 0 : i32
    %dma_wait3A_74 = tpu.memref_slice %arg16[%dma_wait3A_72, %dma_wait3A_73] : memref<10240x80xf32, #tpu.memory_space<vmem_shared>> -> memref<10240x80xf32, #tpu.memory_space<vmem_shared>>
    tpu.wait_indirect_dma semaphore(%arg22 : memref<!tpu.dma_semaphore, #tpu.memory_space<semaphore_mem>>) src(%arg15 : memref<120x80xf32, #tpu.memory_space<vmem>>) dst(%dma_wait3A_74 : memref<10240x80xf32, #tpu.memory_space<vmem_shared>>)
    %barrier3A_75 = arith.constant 0 : index
    tpu.barrier barrier_id(%barrier3A_75)
    %mul3A_76 = arith.constant 640 : i32
    %mul3A_77 = arith.muli %arg1, %mul3A_76 : i32
    %mul3A_78 = arith.constant 640 : i32
    %mul3A_79 = arith.muli %arg1, %mul3A_78 : i32
    "tpu.region"() ({
      %run_scoped3A = tpu.sem_alloc : memref<!tpu.dma_semaphore, #tpu.memory_space<semaphore_mem>>
      %dma_start3A_80 = arith.constant 0 : i32
      %dma_start3A_81 = tpu.memref_slice %arg7[%arg0, %mul3A_79, %dma_start3A_80] : memref<2x10240x80xf32, #tpu.memory_space<hbm>> -> memref<1x640x80xf32, #tpu.memory_space<hbm>>
      %dma_start3A_82 = tpu.memref_squeeze %dma_start3A_81 : memref<1x640x80xf32, #tpu.memory_space<hbm>> -> memref<640x80xf32, #tpu.memory_space<hbm>>
      %dma_start3A_83 = arith.constant 0 : i32
      %dma_start3A_84 = tpu.memref_slice %arg16[%mul3A_77, %dma_start3A_83] : memref<10240x80xf32, #tpu.memory_space<vmem_shared>> -> memref<640x80xf32, #tpu.memory_space<vmem_shared>>
      tpu.enqueue_dma source(%dma_start3A_84 : memref<640x80xf32, #tpu.memory_space<vmem_shared>>) target(%dma_start3A_82 : memref<640x80xf32, #tpu.memory_space<hbm>>) target_semaphore(%run_scoped3A : memref<!tpu.dma_semaphore, #tpu.memory_space<semaphore_mem>>)
      %dma_wait3A_85 = arith.constant 0 : i32
      %dma_wait3A_86 = tpu.memref_slice %arg7[%arg0, %mul3A_79, %dma_wait3A_85] : memref<2x10240x80xf32, #tpu.memory_space<hbm>> -> memref<1x640x80xf32, #tpu.memory_space<hbm>>
      %dma_wait3A_87 = tpu.memref_squeeze %dma_wait3A_86 : memref<1x640x80xf32, #tpu.memory_space<hbm>> -> memref<640x80xf32, #tpu.memory_space<hbm>>
      %dma_wait3A_88 = arith.constant 0 : i32
      %dma_wait3A_89 = tpu.memref_slice %arg16[%mul3A_77, %dma_wait3A_88] : memref<10240x80xf32, #tpu.memory_space<vmem_shared>> -> memref<640x80xf32, #tpu.memory_space<vmem_shared>>
      tpu.wait_dma2 semaphore(%run_scoped3A : memref<!tpu.dma_semaphore, #tpu.memory_space<semaphore_mem>>) src(%dma_wait3A_89 : memref<640x80xf32, #tpu.memory_space<vmem_shared>>) dst(%dma_wait3A_87 : memref<640x80xf32, #tpu.memory_space<hbm>>)
      tpu.yield
    }) : () -> ()
    return
  }
}

#map = affine_map<(d0, d1) -> (0, 0)>
#map1 = affine_map<(d0, d1) -> (0, 0, 0)>
module attributes {stable_mosaic.version = 14 : i64} {
  func.func @_edge_body(%arg0: i32, %arg1: i32, %arg2: memref<10240x80xf32, #tpu.memory_space<hbm>>, %arg3: memref<10240x16xf32, #tpu.memory_space<hbm>>, %arg4: memref<32x88x120xi32, #tpu.memory_space<hbm>>, %arg5: memref<32x88x120xi32, #tpu.memory_space<hbm>>, %arg6: memref<640x80xf32, #tpu.memory_space<hbm>>, %arg7: memref<2x10240x80xf32, #tpu.memory_space<hbm>>, %arg8: memref<88x120xi32, #tpu.memory_space<vmem>>, %arg9: memref<88x120xi32, #tpu.memory_space<vmem>>, %arg10: memref<120x80xf32, #tpu.memory_space<vmem>>, %arg11: memref<120x80xf32, #tpu.memory_space<vmem>>, %arg12: memref<120x16xf32, #tpu.memory_space<vmem>>, %arg13: memref<120x16xf32, #tpu.memory_space<vmem>>, %arg14: memref<120x80xf32, #tpu.memory_space<vmem>>, %arg15: memref<120x80xf32, #tpu.memory_space<vmem>>, %arg16: memref<10240x80xf32, #tpu.memory_space<vmem_shared>>, %arg17: memref<!tpu.dma_semaphore, #tpu.memory_space<semaphore_mem>>, %arg18: memref<!tpu.dma_semaphore, #tpu.memory_space<semaphore_mem>>, %arg19: memref<!tpu.dma_semaphore, #tpu.memory_space<semaphore_mem>>, %arg20: memref<!tpu.dma_semaphore, #tpu.memory_space<semaphore_mem>>, %arg21: memref<!tpu.dma_semaphore, #tpu.memory_space<semaphore_mem>>, %arg22: memref<!tpu.dma_semaphore, #tpu.memory_space<semaphore_mem>>) attributes {dimension_semantics = [#tpu.dimension_semantics<core_parallel>, #tpu.dimension_semantics<subcore_parallel>], iteration_bounds = array<i64: 2, 16>, scalar_prefetch = 0 : i64, scratch_operands = 15 : i64, tpu.core_type = #tpu.core_type<sc_vector_subcore>, window_params = [{transform_indices = #map}, {transform_indices = #map}, {transform_indices = #map1}, {transform_indices = #map1}, {transform_indices = #map}, {transform_indices = #map1}]} {
    %mul3A = arith.constant 2 : i32
    %mul3A_0 = arith.muli %arg1, %mul3A : i32
    %add3A = arith.addi %mul3A_0, %arg0 : i32
    %mul3A_1 = arith.constant 640 : i32
    %mul3A_2 = arith.muli %arg1, %mul3A_1 : i32
    "tpu.region"() ({
      %run_scoped3A = tpu.sem_alloc : memref<!tpu.dma_semaphore, #tpu.memory_space<semaphore_mem>>
      %dma_start3A_80 = arith.constant 0 : i32
      %dma_start3A_81 = tpu.memref_slice %arg16[%mul3A_2, %dma_start3A_80] : memref<10240x80xf32, #tpu.memory_space<vmem_shared>> -> memref<640x80xf32, #tpu.memory_space<vmem_shared>>
      tpu.enqueue_dma source(%arg6 : memref<640x80xf32, #tpu.memory_space<hbm>>) target(%dma_start3A_81 : memref<640x80xf32, #tpu.memory_space<vmem_shared>>) target_semaphore(%run_scoped3A : memref<!tpu.dma_semaphore, #tpu.memory_space<semaphore_mem>>)
      %dma_wait3A_82 = arith.constant 0 : i32
      %dma_wait3A_83 = tpu.memref_slice %arg16[%mul3A_2, %dma_wait3A_82] : memref<10240x80xf32, #tpu.memory_space<vmem_shared>> -> memref<640x80xf32, #tpu.memory_space<vmem_shared>>
      tpu.wait_dma2 semaphore(%run_scoped3A : memref<!tpu.dma_semaphore, #tpu.memory_space<semaphore_mem>>) src(%arg6 : memref<640x80xf32, #tpu.memory_space<hbm>>) dst(%dma_wait3A_83 : memref<640x80xf32, #tpu.memory_space<vmem_shared>>)
      tpu.yield
    }) : () -> ()
    "tpu.region"() ({
      %run_scoped3A = tpu.sem_alloc : memref<!tpu.dma_semaphore, #tpu.memory_space<semaphore_mem>>
      %dma_start3A_80 = arith.constant 0 : i32
      %dma_start3A_81 = arith.constant 0 : i32
      %dma_start3A_82 = tpu.memref_slice %arg4[%add3A, %dma_start3A_80, %dma_start3A_81] : memref<32x88x120xi32, #tpu.memory_space<hbm>> -> memref<1x88x120xi32, #tpu.memory_space<hbm>>
      %dma_start3A_83 = tpu.memref_squeeze %dma_start3A_82 : memref<1x88x120xi32, #tpu.memory_space<hbm>> -> memref<88x120xi32, #tpu.memory_space<hbm>>
      %dma_start3A_84 = arith.constant 0 : i32
      %dma_start3A_85 = arith.constant 0 : i32
      %dma_start3A_86 = tpu.memref_slice %arg4[%add3A, %dma_start3A_84, %dma_start3A_85] : memref<32x88x120xi32, #tpu.memory_space<hbm>> -> memref<1x88x120xi32, #tpu.memory_space<hbm>>
      %dma_start3A_87 = tpu.memref_squeeze %dma_start3A_86 : memref<1x88x120xi32, #tpu.memory_space<hbm>> -> memref<88x120xi32, #tpu.memory_space<hbm>>
      tpu.enqueue_dma source(%dma_start3A_87 : memref<88x120xi32, #tpu.memory_space<hbm>>) target(%arg8 : memref<88x120xi32, #tpu.memory_space<vmem>>) target_semaphore(%run_scoped3A : memref<!tpu.dma_semaphore, #tpu.memory_space<semaphore_mem>>)
      %dma_wait3A_88 = arith.constant 0 : i32
      %dma_wait3A_89 = arith.constant 0 : i32
      %dma_wait3A_90 = tpu.memref_slice %arg4[%add3A, %dma_wait3A_88, %dma_wait3A_89] : memref<32x88x120xi32, #tpu.memory_space<hbm>> -> memref<1x88x120xi32, #tpu.memory_space<hbm>>
      %dma_wait3A_91 = tpu.memref_squeeze %dma_wait3A_90 : memref<1x88x120xi32, #tpu.memory_space<hbm>> -> memref<88x120xi32, #tpu.memory_space<hbm>>
      %dma_wait3A_92 = arith.constant 0 : i32
      %dma_wait3A_93 = arith.constant 0 : i32
      %dma_wait3A_94 = tpu.memref_slice %arg4[%add3A, %dma_wait3A_92, %dma_wait3A_93] : memref<32x88x120xi32, #tpu.memory_space<hbm>> -> memref<1x88x120xi32, #tpu.memory_space<hbm>>
      %dma_wait3A_95 = tpu.memref_squeeze %dma_wait3A_94 : memref<1x88x120xi32, #tpu.memory_space<hbm>> -> memref<88x120xi32, #tpu.memory_space<hbm>>
      tpu.wait_dma2 semaphore(%run_scoped3A : memref<!tpu.dma_semaphore, #tpu.memory_space<semaphore_mem>>) src(%dma_wait3A_95 : memref<88x120xi32, #tpu.memory_space<hbm>>) dst(%arg8 : memref<88x120xi32, #tpu.memory_space<vmem>>)
      tpu.yield
    }) : () -> ()
    "tpu.region"() ({
      %run_scoped3A = tpu.sem_alloc : memref<!tpu.dma_semaphore, #tpu.memory_space<semaphore_mem>>
      %dma_start3A_80 = arith.constant 0 : i32
      %dma_start3A_81 = arith.constant 0 : i32
      %dma_start3A_82 = tpu.memref_slice %arg5[%add3A, %dma_start3A_80, %dma_start3A_81] : memref<32x88x120xi32, #tpu.memory_space<hbm>> -> memref<1x88x120xi32, #tpu.memory_space<hbm>>
      %dma_start3A_83 = tpu.memref_squeeze %dma_start3A_82 : memref<1x88x120xi32, #tpu.memory_space<hbm>> -> memref<88x120xi32, #tpu.memory_space<hbm>>
      %dma_start3A_84 = arith.constant 0 : i32
      %dma_start3A_85 = arith.constant 0 : i32
      %dma_start3A_86 = tpu.memref_slice %arg5[%add3A, %dma_start3A_84, %dma_start3A_85] : memref<32x88x120xi32, #tpu.memory_space<hbm>> -> memref<1x88x120xi32, #tpu.memory_space<hbm>>
      %dma_start3A_87 = tpu.memref_squeeze %dma_start3A_86 : memref<1x88x120xi32, #tpu.memory_space<hbm>> -> memref<88x120xi32, #tpu.memory_space<hbm>>
      tpu.enqueue_dma source(%dma_start3A_87 : memref<88x120xi32, #tpu.memory_space<hbm>>) target(%arg9 : memref<88x120xi32, #tpu.memory_space<vmem>>) target_semaphore(%run_scoped3A : memref<!tpu.dma_semaphore, #tpu.memory_space<semaphore_mem>>)
      %dma_wait3A_88 = arith.constant 0 : i32
      %dma_wait3A_89 = arith.constant 0 : i32
      %dma_wait3A_90 = tpu.memref_slice %arg5[%add3A, %dma_wait3A_88, %dma_wait3A_89] : memref<32x88x120xi32, #tpu.memory_space<hbm>> -> memref<1x88x120xi32, #tpu.memory_space<hbm>>
      %dma_wait3A_91 = tpu.memref_squeeze %dma_wait3A_90 : memref<1x88x120xi32, #tpu.memory_space<hbm>> -> memref<88x120xi32, #tpu.memory_space<hbm>>
      %dma_wait3A_92 = arith.constant 0 : i32
      %dma_wait3A_93 = arith.constant 0 : i32
      %dma_wait3A_94 = tpu.memref_slice %arg5[%add3A, %dma_wait3A_92, %dma_wait3A_93] : memref<32x88x120xi32, #tpu.memory_space<hbm>> -> memref<1x88x120xi32, #tpu.memory_space<hbm>>
      %dma_wait3A_95 = tpu.memref_squeeze %dma_wait3A_94 : memref<1x88x120xi32, #tpu.memory_space<hbm>> -> memref<88x120xi32, #tpu.memory_space<hbm>>
      tpu.wait_dma2 semaphore(%run_scoped3A : memref<!tpu.dma_semaphore, #tpu.memory_space<semaphore_mem>>) src(%dma_wait3A_95 : memref<88x120xi32, #tpu.memory_space<hbm>>) dst(%arg9 : memref<88x120xi32, #tpu.memory_space<vmem>>)
      tpu.yield
    }) : () -> ()
    %barrier3A = arith.constant 0 : index
    tpu.barrier barrier_id(%barrier3A)
    %dma_start3A = arith.constant 0 : i32
    %dma_start3A_3 = arith.constant 0 : i32
    %dma_start3A_4 = tpu.memref_slice %arg8[%dma_start3A, %dma_start3A_3] : memref<88x120xi32, #tpu.memory_space<vmem>> -> memref<1x120xi32, #tpu.memory_space<vmem>>
    %dma_start3A_5 = tpu.memref_squeeze %dma_start3A_4 : memref<1x120xi32, #tpu.memory_space<vmem>> -> memref<120xi32, #tpu.memory_space<vmem>>
    %dma_start3A_6 = arith.constant 0 : i32
    %dma_start3A_7 = arith.constant 0 : i32
    %dma_start3A_8 = tpu.memref_slice %arg2[%dma_start3A_6, %dma_start3A_7] : memref<10240x80xf32, #tpu.memory_space<hbm>> -> memref<10240x80xf32, #tpu.memory_space<hbm>>
    tpu.enqueue_indirect_dma source(%dma_start3A_8 : memref<10240x80xf32, #tpu.memory_space<hbm>>) target(%arg10 : memref<120x80xf32, #tpu.memory_space<vmem>>) offsets(%dma_start3A_5 : memref<120xi32, #tpu.memory_space<vmem>>) semaphore(%arg17 : memref<!tpu.dma_semaphore, #tpu.memory_space<semaphore_mem>>)
    %dma_start3A_9 = arith.constant 0 : i32
    %dma_start3A_10 = arith.constant 0 : i32
    %dma_start3A_11 = tpu.memref_slice %arg9[%dma_start3A_9, %dma_start3A_10] : memref<88x120xi32, #tpu.memory_space<vmem>> -> memref<1x120xi32, #tpu.memory_space<vmem>>
    %dma_start3A_12 = tpu.memref_squeeze %dma_start3A_11 : memref<1x120xi32, #tpu.memory_space<vmem>> -> memref<120xi32, #tpu.memory_space<vmem>>
    %dma_start3A_13 = arith.constant 0 : i32
    %dma_start3A_14 = arith.constant 0 : i32
    %dma_start3A_15 = tpu.memref_slice %arg3[%dma_start3A_13, %dma_start3A_14] : memref<10240x16xf32, #tpu.memory_space<hbm>> -> memref<10240x16xf32, #tpu.memory_space<hbm>>
    tpu.enqueue_indirect_dma source(%dma_start3A_15 : memref<10240x16xf32, #tpu.memory_space<hbm>>) target(%arg12 : memref<120x16xf32, #tpu.memory_space<vmem>>) offsets(%dma_start3A_12 : memref<120xi32, #tpu.memory_space<vmem>>) semaphore(%arg19 : memref<!tpu.dma_semaphore, #tpu.memory_space<semaphore_mem>>)
    %dma_start3A_16 = arith.constant 1 : i32
    %dma_start3A_17 = arith.constant 0 : i32
    %dma_start3A_18 = tpu.memref_slice %arg8[%dma_start3A_16, %dma_start3A_17] : memref<88x120xi32, #tpu.memory_space<vmem>> -> memref<1x120xi32, #tpu.memory_space<vmem>>
    %dma_start3A_19 = tpu.memref_squeeze %dma_start3A_18 : memref<1x120xi32, #tpu.memory_space<vmem>> -> memref<120xi32, #tpu.memory_space<vmem>>
    %dma_start3A_20 = arith.constant 0 : i32
    %dma_start3A_21 = arith.constant 0 : i32
    %dma_start3A_22 = tpu.memref_slice %arg2[%dma_start3A_20, %dma_start3A_21] : memref<10240x80xf32, #tpu.memory_space<hbm>> -> memref<10240x80xf32, #tpu.memory_space<hbm>>
    tpu.enqueue_indirect_dma source(%dma_start3A_22 : memref<10240x80xf32, #tpu.memory_space<hbm>>) target(%arg11 : memref<120x80xf32, #tpu.memory_space<vmem>>) offsets(%dma_start3A_19 : memref<120xi32, #tpu.memory_space<vmem>>) semaphore(%arg18 : memref<!tpu.dma_semaphore, #tpu.memory_space<semaphore_mem>>)
    %dma_start3A_23 = arith.constant 1 : i32
    %dma_start3A_24 = arith.constant 0 : i32
    %dma_start3A_25 = tpu.memref_slice %arg9[%dma_start3A_23, %dma_start3A_24] : memref<88x120xi32, #tpu.memory_space<vmem>> -> memref<1x120xi32, #tpu.memory_space<vmem>>
    %dma_start3A_26 = tpu.memref_squeeze %dma_start3A_25 : memref<1x120xi32, #tpu.memory_space<vmem>> -> memref<120xi32, #tpu.memory_space<vmem>>
    %dma_start3A_27 = arith.constant 0 : i32
    %dma_start3A_28 = arith.constant 0 : i32
    %dma_start3A_29 = tpu.memref_slice %arg3[%dma_start3A_27, %dma_start3A_28] : memref<10240x16xf32, #tpu.memory_space<hbm>> -> memref<10240x16xf32, #tpu.memory_space<hbm>>
    tpu.enqueue_indirect_dma source(%dma_start3A_29 : memref<10240x16xf32, #tpu.memory_space<hbm>>) target(%arg13 : memref<120x16xf32, #tpu.memory_space<vmem>>) offsets(%dma_start3A_26 : memref<120xi32, #tpu.memory_space<vmem>>) semaphore(%arg20 : memref<!tpu.dma_semaphore, #tpu.memory_space<semaphore_mem>>)
    %scan3A = arith.constant 0 : i32
    %scan3A_30 = arith.constant 44 : i32
    %scan3A_31 = arith.addi %scan3A, %scan3A_30 : i32
    %scan3A_32 = arith.constant 1 : i32
    scf.for %scan3A_80 = %scan3A to %scan3A_31 step %scan3A_32  : i32 {
      %mul3A_81 = arith.constant 1 : i32
      %mul3A_82 = arith.muli %scan3A_80, %mul3A_81 : i32
      %add3A_83 = arith.constant 0 : i32
      %add3A_84 = arith.addi %add3A_83, %mul3A_82 : i32
      %mul3A_85 = arith.constant 2 : i32
      %mul3A_86 = arith.muli %mul3A_85, %add3A_84 : i32
      %dma_wait3A_87 = arith.constant 0 : i32
      %dma_wait3A_88 = tpu.memref_slice %arg8[%mul3A_86, %dma_wait3A_87] : memref<88x120xi32, #tpu.memory_space<vmem>> -> memref<1x120xi32, #tpu.memory_space<vmem>>
      %dma_wait3A_89 = tpu.memref_squeeze %dma_wait3A_88 : memref<1x120xi32, #tpu.memory_space<vmem>> -> memref<120xi32, #tpu.memory_space<vmem>>
      %dma_wait3A_90 = arith.constant 0 : i32
      %dma_wait3A_91 = arith.constant 0 : i32
      %dma_wait3A_92 = tpu.memref_slice %arg2[%dma_wait3A_90, %dma_wait3A_91] : memref<10240x80xf32, #tpu.memory_space<hbm>> -> memref<10240x80xf32, #tpu.memory_space<hbm>>
      tpu.wait_indirect_dma semaphore(%arg17 : memref<!tpu.dma_semaphore, #tpu.memory_space<semaphore_mem>>) src(%dma_wait3A_92 : memref<10240x80xf32, #tpu.memory_space<hbm>>) dst(%arg10 : memref<120x80xf32, #tpu.memory_space<vmem>>)
      %dma_wait3A_93 = arith.constant 0 : i32
      %dma_wait3A_94 = tpu.memref_slice %arg9[%mul3A_86, %dma_wait3A_93] : memref<88x120xi32, #tpu.memory_space<vmem>> -> memref<1x120xi32, #tpu.memory_space<vmem>>
      %dma_wait3A_95 = tpu.memref_squeeze %dma_wait3A_94 : memref<1x120xi32, #tpu.memory_space<vmem>> -> memref<120xi32, #tpu.memory_space<vmem>>
      %dma_wait3A_96 = arith.constant 0 : i32
      %dma_wait3A_97 = arith.constant 0 : i32
      %dma_wait3A_98 = tpu.memref_slice %arg3[%dma_wait3A_96, %dma_wait3A_97] : memref<10240x16xf32, #tpu.memory_space<hbm>> -> memref<10240x16xf32, #tpu.memory_space<hbm>>
      tpu.wait_indirect_dma semaphore(%arg19 : memref<!tpu.dma_semaphore, #tpu.memory_space<semaphore_mem>>) src(%dma_wait3A_98 : memref<10240x16xf32, #tpu.memory_space<hbm>>) dst(%arg12 : memref<120x16xf32, #tpu.memory_space<vmem>>)
      %gt3A = arith.constant 0 : i32
      %gt3A_99 = arith.cmpi sgt, %add3A_84, %gt3A : i32
      %convert_element_type3A = arith.extui %gt3A_99 : i1 to i32
      %cond3A = arith.constant 0 : i32
      %cond3A_100 = arith.cmpi ne, %convert_element_type3A, %cond3A : i32
      scf.if %cond3A_100 {
        %sub3A = arith.constant 2 : i32
        %sub3A_177 = arith.subi %mul3A_86, %sub3A : i32
        %dma_wait3A_178 = arith.constant 0 : i32
        %dma_wait3A_179 = tpu.memref_slice %arg9[%sub3A_177, %dma_wait3A_178] : memref<88x120xi32, #tpu.memory_space<vmem>> -> memref<1x120xi32, #tpu.memory_space<vmem>>
        %dma_wait3A_180 = tpu.memref_squeeze %dma_wait3A_179 : memref<1x120xi32, #tpu.memory_space<vmem>> -> memref<120xi32, #tpu.memory_space<vmem>>
        %dma_wait3A_181 = arith.constant 0 : i32
        %dma_wait3A_182 = arith.constant 0 : i32
        %dma_wait3A_183 = tpu.memref_slice %arg16[%dma_wait3A_181, %dma_wait3A_182] : memref<10240x80xf32, #tpu.memory_space<vmem_shared>> -> memref<10240x80xf32, #tpu.memory_space<vmem_shared>>
        tpu.wait_indirect_dma semaphore(%arg21 : memref<!tpu.dma_semaphore, #tpu.memory_space<semaphore_mem>>) src(%arg14 : memref<120x80xf32, #tpu.memory_space<vmem>>) dst(%dma_wait3A_183 : memref<10240x80xf32, #tpu.memory_space<vmem_shared>>)
      } else {
      }
      %scan3A_101 = arith.constant 0 : i32
      %scan3A_102 = arith.constant 120 : i32
      %scan3A_103 = arith.addi %scan3A_101, %scan3A_102 : i32
      %scan3A_104 = arith.constant 1 : i32
      scf.for %scan3A_177 = %scan3A_101 to %scan3A_103 step %scan3A_104  : i32 {
        %mul3A_178 = arith.constant 1 : i32
        %mul3A_179 = arith.muli %scan3A_177, %mul3A_178 : i32
        %add3A_180 = arith.constant 0 : i32
        %add3A_181 = arith.addi %add3A_180, %mul3A_179 : i32
        %get3A = arith.index_cast %add3A_181 : i32 to index
        %get3A_182 = arith.constant 64 : index
        %get3A_183 = tpu.vector_load %arg10[%get3A, %get3A_182] {strides = array<i32>} : memref<120x80xf32, #tpu.memory_space<vmem>>, vector<1x16xf32>,
        %get3A_184 = vector.shape_cast %get3A_183 : vector<1x16xf32> to vector<16xf32>
        %get3A_185 = arith.index_cast %add3A_181 : i32 to index
        %get3A_186 = arith.constant 0 : index
        %get3A_187 = tpu.vector_load %arg12[%get3A_185, %get3A_186] {strides = array<i32>} : memref<120x16xf32, #tpu.memory_space<vmem>>, vector<1x16xf32>,
        %get3A_188 = vector.shape_cast %get3A_187 : vector<1x16xf32> to vector<16xf32>
        %add3A_189 = arith.addf %get3A_184, %get3A_188 : vector<16xf32>
        %mul3A_190 = arith.constant 2.000000e-01 : f32
        %mul3A_191 = vector.broadcast %mul3A_190 : f32 to vector<16xf32>
        %mul3A_192 = arith.mulf %add3A_189, %mul3A_191 : vector<16xf32>
        %max3A = arith.maximumf %add3A_189, %mul3A_192 : vector<16xf32>
        %exp3A = math.exp %max3A : vector<16xf32>
        %swap3A = arith.index_cast %add3A_181 : i32 to index
        %swap3A_193 = arith.constant 64 : index
        %swap3A_194 = tpu.vector_load %arg14[%swap3A, %swap3A_193] {strides = array<i32>} : memref<120x80xf32, #tpu.memory_space<vmem>>, vector<1x16xf32>,
        %swap3A_195 = vector.shape_cast %swap3A_194 : vector<1x16xf32> to vector<16xf32>
        %swap3A_196 = vector.shape_cast %exp3A : vector<16xf32> to vector<1x16xf32>
        tpu.vector_store %arg14[%swap3A, %swap3A_193], %swap3A_196 {strides = array<i32>} : memref<120x80xf32, #tpu.memory_space<vmem>>, vector<1x16xf32>,
        %get3A_197 = arith.index_cast %add3A_181 : i32 to index
        %get3A_198 = arith.constant 0 : index
        %get3A_199 = tpu.vector_load %arg10[%get3A_197, %get3A_198] {strides = array<i32>} : memref<120x80xf32, #tpu.memory_space<vmem>>, vector<1x16xf32>,
        %get3A_200 = vector.shape_cast %get3A_199 : vector<1x16xf32> to vector<16xf32>
        %slice3A = vector.extract_strided_slice %exp3A {offsets = [0], sizes = [1], strides = [1]} : vector<16xf32> to vector<1xf32>
        %squeeze3A = vector.extract %slice3A[0] : f32 from vector<1xf32>
        %mul3A_201 = vector.broadcast %squeeze3A : f32 to vector<16xf32>
        %mul3A_202 = arith.mulf %get3A_200, %mul3A_201 : vector<16xf32>
        %swap3A_203 = arith.index_cast %add3A_181 : i32 to index
        %swap3A_204 = arith.constant 0 : index
        %swap3A_205 = tpu.vector_load %arg14[%swap3A_203, %swap3A_204] {strides = array<i32>} : memref<120x80xf32, #tpu.memory_space<vmem>>, vector<1x16xf32>,
        %swap3A_206 = vector.shape_cast %swap3A_205 : vector<1x16xf32> to vector<16xf32>
        %swap3A_207 = vector.shape_cast %mul3A_202 : vector<16xf32> to vector<1x16xf32>
        tpu.vector_store %arg14[%swap3A_203, %swap3A_204], %swap3A_207 {strides = array<i32>} : memref<120x80xf32, #tpu.memory_space<vmem>>, vector<1x16xf32>,
        %get3A_208 = arith.index_cast %add3A_181 : i32 to index
        %get3A_209 = arith.constant 16 : index
        %get3A_210 = tpu.vector_load %arg10[%get3A_208, %get3A_209] {strides = array<i32>} : memref<120x80xf32, #tpu.memory_space<vmem>>, vector<1x16xf32>,
        %get3A_211 = vector.shape_cast %get3A_210 : vector<1x16xf32> to vector<16xf32>
        %slice3A_212 = vector.extract_strided_slice %exp3A {offsets = [0], sizes = [1], strides = [1]} : vector<16xf32> to vector<1xf32>
        %squeeze3A_213 = vector.extract %slice3A_212[0] : f32 from vector<1xf32>
        %mul3A_214 = vector.broadcast %squeeze3A_213 : f32 to vector<16xf32>
        %mul3A_215 = arith.mulf %get3A_211, %mul3A_214 : vector<16xf32>
        %swap3A_216 = arith.index_cast %add3A_181 : i32 to index
        %swap3A_217 = arith.constant 16 : index
        %swap3A_218 = tpu.vector_load %arg14[%swap3A_216, %swap3A_217] {strides = array<i32>} : memref<120x80xf32, #tpu.memory_space<vmem>>, vector<1x16xf32>,
        %swap3A_219 = vector.shape_cast %swap3A_218 : vector<1x16xf32> to vector<16xf32>
        %swap3A_220 = vector.shape_cast %mul3A_215 : vector<16xf32> to vector<1x16xf32>
        tpu.vector_store %arg14[%swap3A_216, %swap3A_217], %swap3A_220 {strides = array<i32>} : memref<120x80xf32, #tpu.memory_space<vmem>>, vector<1x16xf32>,
        %get3A_221 = arith.index_cast %add3A_181 : i32 to index
        %get3A_222 = arith.constant 32 : index
        %get3A_223 = tpu.vector_load %arg10[%get3A_221, %get3A_222] {strides = array<i32>} : memref<120x80xf32, #tpu.memory_space<vmem>>, vector<1x16xf32>,
        %get3A_224 = vector.shape_cast %get3A_223 : vector<1x16xf32> to vector<16xf32>
        %slice3A_225 = vector.extract_strided_slice %exp3A {offsets = [0], sizes = [1], strides = [1]} : vector<16xf32> to vector<1xf32>
        %squeeze3A_226 = vector.extract %slice3A_225[0] : f32 from vector<1xf32>
        %mul3A_227 = vector.broadcast %squeeze3A_226 : f32 to vector<16xf32>
        %mul3A_228 = arith.mulf %get3A_224, %mul3A_227 : vector<16xf32>
        %swap3A_229 = arith.index_cast %add3A_181 : i32 to index
        %swap3A_230 = arith.constant 32 : index
        %swap3A_231 = tpu.vector_load %arg14[%swap3A_229, %swap3A_230] {strides = array<i32>} : memref<120x80xf32, #tpu.memory_space<vmem>>, vector<1x16xf32>,
        %swap3A_232 = vector.shape_cast %swap3A_231 : vector<1x16xf32> to vector<16xf32>
        %swap3A_233 = vector.shape_cast %mul3A_228 : vector<16xf32> to vector<1x16xf32>
        tpu.vector_store %arg14[%swap3A_229, %swap3A_230], %swap3A_233 {strides = array<i32>} : memref<120x80xf32, #tpu.memory_space<vmem>>, vector<1x16xf32>,
        %get3A_234 = arith.index_cast %add3A_181 : i32 to index
        %get3A_235 = arith.constant 48 : index
        %get3A_236 = tpu.vector_load %arg10[%get3A_234, %get3A_235] {strides = array<i32>} : memref<120x80xf32, #tpu.memory_space<vmem>>, vector<1x16xf32>,
        %get3A_237 = vector.shape_cast %get3A_236 : vector<1x16xf32> to vector<16xf32>
        %slice3A_238 = vector.extract_strided_slice %exp3A {offsets = [0], sizes = [1], strides = [1]} : vector<16xf32> to vector<1xf32>
        %squeeze3A_239 = vector.extract %slice3A_238[0] : f32 from vector<1xf32>
        %mul3A_240 = vector.broadcast %squeeze3A_239 : f32 to vector<16xf32>
        %mul3A_241 = arith.mulf %get3A_237, %mul3A_240 : vector<16xf32>
        %swap3A_242 = arith.index_cast %add3A_181 : i32 to index
        %swap3A_243 = arith.constant 48 : index
        %swap3A_244 = tpu.vector_load %arg14[%swap3A_242, %swap3A_243] {strides = array<i32>} : memref<120x80xf32, #tpu.memory_space<vmem>>, vector<1x16xf32>,
        %swap3A_245 = vector.shape_cast %swap3A_244 : vector<1x16xf32> to vector<16xf32>
        %swap3A_246 = vector.shape_cast %mul3A_241 : vector<16xf32> to vector<1x16xf32>
        tpu.vector_store %arg14[%swap3A_242, %swap3A_243], %swap3A_246 {strides = array<i32>} : memref<120x80xf32, #tpu.memory_space<vmem>>, vector<1x16xf32>,
      }
      %scan3A_105 = arith.constant 120 : i32
      %dma_start3A_106 = arith.constant 0 : i32
      %dma_start3A_107 = tpu.memref_slice %arg9[%mul3A_86, %dma_start3A_106] : memref<88x120xi32, #tpu.memory_space<vmem>> -> memref<1x120xi32, #tpu.memory_space<vmem>>
      %dma_start3A_108 = tpu.memref_squeeze %dma_start3A_107 : memref<1x120xi32, #tpu.memory_space<vmem>> -> memref<120xi32, #tpu.memory_space<vmem>>
      %dma_start3A_109 = arith.constant 0 : i32
      %dma_start3A_110 = arith.constant 0 : i32
      %dma_start3A_111 = tpu.memref_slice %arg16[%dma_start3A_109, %dma_start3A_110] : memref<10240x80xf32, #tpu.memory_space<vmem_shared>> -> memref<10240x80xf32, #tpu.memory_space<vmem_shared>>
      tpu.enqueue_indirect_dma source(%arg14 : memref<120x80xf32, #tpu.memory_space<vmem>>) target(%dma_start3A_111 : memref<10240x80xf32, #tpu.memory_space<vmem_shared>>) offsets(%dma_start3A_108 : memref<120xi32, #tpu.memory_space<vmem>>) semaphore(%arg21 : memref<!tpu.dma_semaphore, #tpu.memory_space<semaphore_mem>>) {add = true}
      %add3A_112 = arith.constant 2 : i32
      %add3A_113 = arith.addi %mul3A_86, %add3A_112 : i32
      %lt3A = arith.constant 88 : i32
      %lt3A_114 = arith.cmpi slt, %add3A_113, %lt3A : i32
      %jit3A = arith.constant 0 : i32
      %select_n3A = arith.select %lt3A_114, %add3A_113, %jit3A : i32
      %dma_start3A_115 = arith.constant 0 : i32
      %dma_start3A_116 = tpu.memref_slice %arg8[%select_n3A, %dma_start3A_115] : memref<88x120xi32, #tpu.memory_space<vmem>> -> memref<1x120xi32, #tpu.memory_space<vmem>>
      %dma_start3A_117 = tpu.memref_squeeze %dma_start3A_116 : memref<1x120xi32, #tpu.memory_space<vmem>> -> memref<120xi32, #tpu.memory_space<vmem>>
      %dma_start3A_118 = arith.constant 0 : i32
      %dma_start3A_119 = arith.constant 0 : i32
      %dma_start3A_120 = tpu.memref_slice %arg2[%dma_start3A_118, %dma_start3A_119] : memref<10240x80xf32, #tpu.memory_space<hbm>> -> memref<10240x80xf32, #tpu.memory_space<hbm>>
      tpu.enqueue_indirect_dma source(%dma_start3A_120 : memref<10240x80xf32, #tpu.memory_space<hbm>>) target(%arg10 : memref<120x80xf32, #tpu.memory_space<vmem>>) offsets(%dma_start3A_117 : memref<120xi32, #tpu.memory_space<vmem>>) semaphore(%arg17 : memref<!tpu.dma_semaphore, #tpu.memory_space<semaphore_mem>>)
      %dma_start3A_121 = arith.constant 0 : i32
      %dma_start3A_122 = tpu.memref_slice %arg9[%select_n3A, %dma_start3A_121] : memref<88x120xi32, #tpu.memory_space<vmem>> -> memref<1x120xi32, #tpu.memory_space<vmem>>
      %dma_start3A_123 = tpu.memref_squeeze %dma_start3A_122 : memref<1x120xi32, #tpu.memory_space<vmem>> -> memref<120xi32, #tpu.memory_space<vmem>>
      %dma_start3A_124 = arith.constant 0 : i32
      %dma_start3A_125 = arith.constant 0 : i32
      %dma_start3A_126 = tpu.memref_slice %arg3[%dma_start3A_124, %dma_start3A_125] : memref<10240x16xf32, #tpu.memory_space<hbm>> -> memref<10240x16xf32, #tpu.memory_space<hbm>>
      tpu.enqueue_indirect_dma source(%dma_start3A_126 : memref<10240x16xf32, #tpu.memory_space<hbm>>) target(%arg12 : memref<120x16xf32, #tpu.memory_space<vmem>>) offsets(%dma_start3A_123 : memref<120xi32, #tpu.memory_space<vmem>>) semaphore(%arg19 : memref<!tpu.dma_semaphore, #tpu.memory_space<semaphore_mem>>)
      %add3A_127 = arith.constant 1 : i32
      %add3A_128 = arith.addi %mul3A_86, %add3A_127 : i32
      %dma_wait3A_129 = arith.constant 0 : i32
      %dma_wait3A_130 = tpu.memref_slice %arg8[%add3A_128, %dma_wait3A_129] : memref<88x120xi32, #tpu.memory_space<vmem>> -> memref<1x120xi32, #tpu.memory_space<vmem>>
      %dma_wait3A_131 = tpu.memref_squeeze %dma_wait3A_130 : memref<1x120xi32, #tpu.memory_space<vmem>> -> memref<120xi32, #tpu.memory_space<vmem>>
      %dma_wait3A_132 = arith.constant 0 : i32
      %dma_wait3A_133 = arith.constant 0 : i32
      %dma_wait3A_134 = tpu.memref_slice %arg2[%dma_wait3A_132, %dma_wait3A_133] : memref<10240x80xf32, #tpu.memory_space<hbm>> -> memref<10240x80xf32, #tpu.memory_space<hbm>>
      tpu.wait_indirect_dma semaphore(%arg18 : memref<!tpu.dma_semaphore, #tpu.memory_space<semaphore_mem>>) src(%dma_wait3A_134 : memref<10240x80xf32, #tpu.memory_space<hbm>>) dst(%arg11 : memref<120x80xf32, #tpu.memory_space<vmem>>)
      %dma_wait3A_135 = arith.constant 0 : i32
      %dma_wait3A_136 = tpu.memref_slice %arg9[%add3A_128, %dma_wait3A_135] : memref<88x120xi32, #tpu.memory_space<vmem>> -> memref<1x120xi32, #tpu.memory_space<vmem>>
      %dma_wait3A_137 = tpu.memref_squeeze %dma_wait3A_136 : memref<1x120xi32, #tpu.memory_space<vmem>> -> memref<120xi32, #tpu.memory_space<vmem>>
      %dma_wait3A_138 = arith.constant 0 : i32
      %dma_wait3A_139 = arith.constant 0 : i32
      %dma_wait3A_140 = tpu.memref_slice %arg3[%dma_wait3A_138, %dma_wait3A_139] : memref<10240x16xf32, #tpu.memory_space<hbm>> -> memref<10240x16xf32, #tpu.memory_space<hbm>>
      tpu.wait_indirect_dma semaphore(%arg20 : memref<!tpu.dma_semaphore, #tpu.memory_space<semaphore_mem>>) src(%dma_wait3A_140 : memref<10240x16xf32, #tpu.memory_space<hbm>>) dst(%arg13 : memref<120x16xf32, #tpu.memory_space<vmem>>)
      %gt3A_141 = arith.constant 0 : i32
      %gt3A_142 = arith.cmpi sgt, %add3A_84, %gt3A_141 : i32
      %convert_element_type3A_143 = arith.extui %gt3A_142 : i1 to i32
      %cond3A_144 = arith.constant 0 : i32
      %cond3A_145 = arith.cmpi ne, %convert_element_type3A_143, %cond3A_144 : i32
      scf.if %cond3A_145 {
        %sub3A = arith.constant 1 : i32
        %sub3A_177 = arith.subi %mul3A_86, %sub3A : i32
        %dma_wait3A_178 = arith.constant 0 : i32
        %dma_wait3A_179 = tpu.memref_slice %arg9[%sub3A_177, %dma_wait3A_178] : memref<88x120xi32, #tpu.memory_space<vmem>> -> memref<1x120xi32, #tpu.memory_space<vmem>>
        %dma_wait3A_180 = tpu.memref_squeeze %dma_wait3A_179 : memref<1x120xi32, #tpu.memory_space<vmem>> -> memref<120xi32, #tpu.memory_space<vmem>>
        %dma_wait3A_181 = arith.constant 0 : i32
        %dma_wait3A_182 = arith.constant 0 : i32
        %dma_wait3A_183 = tpu.memref_slice %arg16[%dma_wait3A_181, %dma_wait3A_182] : memref<10240x80xf32, #tpu.memory_space<vmem_shared>> -> memref<10240x80xf32, #tpu.memory_space<vmem_shared>>
        tpu.wait_indirect_dma semaphore(%arg22 : memref<!tpu.dma_semaphore, #tpu.memory_space<semaphore_mem>>) src(%arg15 : memref<120x80xf32, #tpu.memory_space<vmem>>) dst(%dma_wait3A_183 : memref<10240x80xf32, #tpu.memory_space<vmem_shared>>)
      } else {
      }
      %scan3A_146 = arith.constant 0 : i32
      %scan3A_147 = arith.constant 120 : i32
      %scan3A_148 = arith.addi %scan3A_146, %scan3A_147 : i32
      %scan3A_149 = arith.constant 1 : i32
      scf.for %scan3A_177 = %scan3A_146 to %scan3A_148 step %scan3A_149  : i32 {
        %mul3A_178 = arith.constant 1 : i32
        %mul3A_179 = arith.muli %scan3A_177, %mul3A_178 : i32
        %add3A_180 = arith.constant 0 : i32
        %add3A_181 = arith.addi %add3A_180, %mul3A_179 : i32
        %get3A = arith.index_cast %add3A_181 : i32 to index
        %get3A_182 = arith.constant 64 : index
        %get3A_183 = tpu.vector_load %arg11[%get3A, %get3A_182] {strides = array<i32>} : memref<120x80xf32, #tpu.memory_space<vmem>>, vector<1x16xf32>,
        %get3A_184 = vector.shape_cast %get3A_183 : vector<1x16xf32> to vector<16xf32>
        %get3A_185 = arith.index_cast %add3A_181 : i32 to index
        %get3A_186 = arith.constant 0 : index
        %get3A_187 = tpu.vector_load %arg13[%get3A_185, %get3A_186] {strides = array<i32>} : memref<120x16xf32, #tpu.memory_space<vmem>>, vector<1x16xf32>,
        %get3A_188 = vector.shape_cast %get3A_187 : vector<1x16xf32> to vector<16xf32>
        %add3A_189 = arith.addf %get3A_184, %get3A_188 : vector<16xf32>
        %mul3A_190 = arith.constant 2.000000e-01 : f32
        %mul3A_191 = vector.broadcast %mul3A_190 : f32 to vector<16xf32>
        %mul3A_192 = arith.mulf %add3A_189, %mul3A_191 : vector<16xf32>
        %max3A = arith.maximumf %add3A_189, %mul3A_192 : vector<16xf32>
        %exp3A = math.exp %max3A : vector<16xf32>
        %swap3A = arith.index_cast %add3A_181 : i32 to index
        %swap3A_193 = arith.constant 64 : index
        %swap3A_194 = tpu.vector_load %arg15[%swap3A, %swap3A_193] {strides = array<i32>} : memref<120x80xf32, #tpu.memory_space<vmem>>, vector<1x16xf32>,
        %swap3A_195 = vector.shape_cast %swap3A_194 : vector<1x16xf32> to vector<16xf32>
        %swap3A_196 = vector.shape_cast %exp3A : vector<16xf32> to vector<1x16xf32>
        tpu.vector_store %arg15[%swap3A, %swap3A_193], %swap3A_196 {strides = array<i32>} : memref<120x80xf32, #tpu.memory_space<vmem>>, vector<1x16xf32>,
        %get3A_197 = arith.index_cast %add3A_181 : i32 to index
        %get3A_198 = arith.constant 0 : index
        %get3A_199 = tpu.vector_load %arg11[%get3A_197, %get3A_198] {strides = array<i32>} : memref<120x80xf32, #tpu.memory_space<vmem>>, vector<1x16xf32>,
        %get3A_200 = vector.shape_cast %get3A_199 : vector<1x16xf32> to vector<16xf32>
        %slice3A = vector.extract_strided_slice %exp3A {offsets = [0], sizes = [1], strides = [1]} : vector<16xf32> to vector<1xf32>
        %squeeze3A = vector.extract %slice3A[0] : f32 from vector<1xf32>
        %mul3A_201 = vector.broadcast %squeeze3A : f32 to vector<16xf32>
        %mul3A_202 = arith.mulf %get3A_200, %mul3A_201 : vector<16xf32>
        %swap3A_203 = arith.index_cast %add3A_181 : i32 to index
        %swap3A_204 = arith.constant 0 : index
        %swap3A_205 = tpu.vector_load %arg15[%swap3A_203, %swap3A_204] {strides = array<i32>} : memref<120x80xf32, #tpu.memory_space<vmem>>, vector<1x16xf32>,
        %swap3A_206 = vector.shape_cast %swap3A_205 : vector<1x16xf32> to vector<16xf32>
        %swap3A_207 = vector.shape_cast %mul3A_202 : vector<16xf32> to vector<1x16xf32>
        tpu.vector_store %arg15[%swap3A_203, %swap3A_204], %swap3A_207 {strides = array<i32>} : memref<120x80xf32, #tpu.memory_space<vmem>>, vector<1x16xf32>,
        %get3A_208 = arith.index_cast %add3A_181 : i32 to index
        %get3A_209 = arith.constant 16 : index
        %get3A_210 = tpu.vector_load %arg11[%get3A_208, %get3A_209] {strides = array<i32>} : memref<120x80xf32, #tpu.memory_space<vmem>>, vector<1x16xf32>,
        %get3A_211 = vector.shape_cast %get3A_210 : vector<1x16xf32> to vector<16xf32>
        %slice3A_212 = vector.extract_strided_slice %exp3A {offsets = [0], sizes = [1], strides = [1]} : vector<16xf32> to vector<1xf32>
        %squeeze3A_213 = vector.extract %slice3A_212[0] : f32 from vector<1xf32>
        %mul3A_214 = vector.broadcast %squeeze3A_213 : f32 to vector<16xf32>
        %mul3A_215 = arith.mulf %get3A_211, %mul3A_214 : vector<16xf32>
        %swap3A_216 = arith.index_cast %add3A_181 : i32 to index
        %swap3A_217 = arith.constant 16 : index
        %swap3A_218 = tpu.vector_load %arg15[%swap3A_216, %swap3A_217] {strides = array<i32>} : memref<120x80xf32, #tpu.memory_space<vmem>>, vector<1x16xf32>,
        %swap3A_219 = vector.shape_cast %swap3A_218 : vector<1x16xf32> to vector<16xf32>
        %swap3A_220 = vector.shape_cast %mul3A_215 : vector<16xf32> to vector<1x16xf32>
        tpu.vector_store %arg15[%swap3A_216, %swap3A_217], %swap3A_220 {strides = array<i32>} : memref<120x80xf32, #tpu.memory_space<vmem>>, vector<1x16xf32>,
        %get3A_221 = arith.index_cast %add3A_181 : i32 to index
        %get3A_222 = arith.constant 32 : index
        %get3A_223 = tpu.vector_load %arg11[%get3A_221, %get3A_222] {strides = array<i32>} : memref<120x80xf32, #tpu.memory_space<vmem>>, vector<1x16xf32>,
        %get3A_224 = vector.shape_cast %get3A_223 : vector<1x16xf32> to vector<16xf32>
        %slice3A_225 = vector.extract_strided_slice %exp3A {offsets = [0], sizes = [1], strides = [1]} : vector<16xf32> to vector<1xf32>
        %squeeze3A_226 = vector.extract %slice3A_225[0] : f32 from vector<1xf32>
        %mul3A_227 = vector.broadcast %squeeze3A_226 : f32 to vector<16xf32>
        %mul3A_228 = arith.mulf %get3A_224, %mul3A_227 : vector<16xf32>
        %swap3A_229 = arith.index_cast %add3A_181 : i32 to index
        %swap3A_230 = arith.constant 32 : index
        %swap3A_231 = tpu.vector_load %arg15[%swap3A_229, %swap3A_230] {strides = array<i32>} : memref<120x80xf32, #tpu.memory_space<vmem>>, vector<1x16xf32>,
        %swap3A_232 = vector.shape_cast %swap3A_231 : vector<1x16xf32> to vector<16xf32>
        %swap3A_233 = vector.shape_cast %mul3A_228 : vector<16xf32> to vector<1x16xf32>
        tpu.vector_store %arg15[%swap3A_229, %swap3A_230], %swap3A_233 {strides = array<i32>} : memref<120x80xf32, #tpu.memory_space<vmem>>, vector<1x16xf32>,
        %get3A_234 = arith.index_cast %add3A_181 : i32 to index
        %get3A_235 = arith.constant 48 : index
        %get3A_236 = tpu.vector_load %arg11[%get3A_234, %get3A_235] {strides = array<i32>} : memref<120x80xf32, #tpu.memory_space<vmem>>, vector<1x16xf32>,
        %get3A_237 = vector.shape_cast %get3A_236 : vector<1x16xf32> to vector<16xf32>
        %slice3A_238 = vector.extract_strided_slice %exp3A {offsets = [0], sizes = [1], strides = [1]} : vector<16xf32> to vector<1xf32>
        %squeeze3A_239 = vector.extract %slice3A_238[0] : f32 from vector<1xf32>
        %mul3A_240 = vector.broadcast %squeeze3A_239 : f32 to vector<16xf32>
        %mul3A_241 = arith.mulf %get3A_237, %mul3A_240 : vector<16xf32>
        %swap3A_242 = arith.index_cast %add3A_181 : i32 to index
        %swap3A_243 = arith.constant 48 : index
        %swap3A_244 = tpu.vector_load %arg15[%swap3A_242, %swap3A_243] {strides = array<i32>} : memref<120x80xf32, #tpu.memory_space<vmem>>, vector<1x16xf32>,
        %swap3A_245 = vector.shape_cast %swap3A_244 : vector<1x16xf32> to vector<16xf32>
        %swap3A_246 = vector.shape_cast %mul3A_241 : vector<16xf32> to vector<1x16xf32>
        tpu.vector_store %arg15[%swap3A_242, %swap3A_243], %swap3A_246 {strides = array<i32>} : memref<120x80xf32, #tpu.memory_space<vmem>>, vector<1x16xf32>,
      }
      %scan3A_150 = arith.constant 120 : i32
      %add3A_151 = arith.constant 1 : i32
      %add3A_152 = arith.addi %mul3A_86, %add3A_151 : i32
      %dma_start3A_153 = arith.constant 0 : i32
      %dma_start3A_154 = tpu.memref_slice %arg9[%add3A_152, %dma_start3A_153] : memref<88x120xi32, #tpu.memory_space<vmem>> -> memref<1x120xi32, #tpu.memory_space<vmem>>
      %dma_start3A_155 = tpu.memref_squeeze %dma_start3A_154 : memref<1x120xi32, #tpu.memory_space<vmem>> -> memref<120xi32, #tpu.memory_space<vmem>>
      %dma_start3A_156 = arith.constant 0 : i32
      %dma_start3A_157 = arith.constant 0 : i32
      %dma_start3A_158 = tpu.memref_slice %arg16[%dma_start3A_156, %dma_start3A_157] : memref<10240x80xf32, #tpu.memory_space<vmem_shared>> -> memref<10240x80xf32, #tpu.memory_space<vmem_shared>>
      tpu.enqueue_indirect_dma source(%arg15 : memref<120x80xf32, #tpu.memory_space<vmem>>) target(%dma_start3A_158 : memref<10240x80xf32, #tpu.memory_space<vmem_shared>>) offsets(%dma_start3A_155 : memref<120xi32, #tpu.memory_space<vmem>>) semaphore(%arg22 : memref<!tpu.dma_semaphore, #tpu.memory_space<semaphore_mem>>) {add = true}
      %add3A_159 = arith.constant 3 : i32
      %add3A_160 = arith.addi %mul3A_86, %add3A_159 : i32
      %lt3A_161 = arith.constant 88 : i32
      %lt3A_162 = arith.cmpi slt, %add3A_160, %lt3A_161 : i32
      %jit3A_163 = arith.constant 0 : i32
      %select_n3A_164 = arith.select %lt3A_162, %add3A_160, %jit3A_163 : i32
      %dma_start3A_165 = arith.constant 0 : i32
      %dma_start3A_166 = tpu.memref_slice %arg8[%select_n3A_164, %dma_start3A_165] : memref<88x120xi32, #tpu.memory_space<vmem>> -> memref<1x120xi32, #tpu.memory_space<vmem>>
      %dma_start3A_167 = tpu.memref_squeeze %dma_start3A_166 : memref<1x120xi32, #tpu.memory_space<vmem>> -> memref<120xi32, #tpu.memory_space<vmem>>
      %dma_start3A_168 = arith.constant 0 : i32
      %dma_start3A_169 = arith.constant 0 : i32
      %dma_start3A_170 = tpu.memref_slice %arg2[%dma_start3A_168, %dma_start3A_169] : memref<10240x80xf32, #tpu.memory_space<hbm>> -> memref<10240x80xf32, #tpu.memory_space<hbm>>
      tpu.enqueue_indirect_dma source(%dma_start3A_170 : memref<10240x80xf32, #tpu.memory_space<hbm>>) target(%arg11 : memref<120x80xf32, #tpu.memory_space<vmem>>) offsets(%dma_start3A_167 : memref<120xi32, #tpu.memory_space<vmem>>) semaphore(%arg18 : memref<!tpu.dma_semaphore, #tpu.memory_space<semaphore_mem>>)
      %dma_start3A_171 = arith.constant 0 : i32
      %dma_start3A_172 = tpu.memref_slice %arg9[%select_n3A_164, %dma_start3A_171] : memref<88x120xi32, #tpu.memory_space<vmem>> -> memref<1x120xi32, #tpu.memory_space<vmem>>
      %dma_start3A_173 = tpu.memref_squeeze %dma_start3A_172 : memref<1x120xi32, #tpu.memory_space<vmem>> -> memref<120xi32, #tpu.memory_space<vmem>>
      %dma_start3A_174 = arith.constant 0 : i32
      %dma_start3A_175 = arith.constant 0 : i32
      %dma_start3A_176 = tpu.memref_slice %arg3[%dma_start3A_174, %dma_start3A_175] : memref<10240x16xf32, #tpu.memory_space<hbm>> -> memref<10240x16xf32, #tpu.memory_space<hbm>>
      tpu.enqueue_indirect_dma source(%dma_start3A_176 : memref<10240x16xf32, #tpu.memory_space<hbm>>) target(%arg13 : memref<120x16xf32, #tpu.memory_space<vmem>>) offsets(%dma_start3A_173 : memref<120xi32, #tpu.memory_space<vmem>>) semaphore(%arg20 : memref<!tpu.dma_semaphore, #tpu.memory_space<semaphore_mem>>)
    }
    %scan3A_33 = arith.constant 44 : i32
    %dma_wait3A = arith.constant 0 : i32
    %dma_wait3A_34 = arith.constant 0 : i32
    %dma_wait3A_35 = tpu.memref_slice %arg8[%dma_wait3A, %dma_wait3A_34] : memref<88x120xi32, #tpu.memory_space<vmem>> -> memref<1x120xi32, #tpu.memory_space<vmem>>
    %dma_wait3A_36 = tpu.memref_squeeze %dma_wait3A_35 : memref<1x120xi32, #tpu.memory_space<vmem>> -> memref<120xi32, #tpu.memory_space<vmem>>
    %dma_wait3A_37 = arith.constant 0 : i32
    %dma_wait3A_38 = arith.constant 0 : i32
    %dma_wait3A_39 = tpu.memref_slice %arg2[%dma_wait3A_37, %dma_wait3A_38] : memref<10240x80xf32, #tpu.memory_space<hbm>> -> memref<10240x80xf32, #tpu.memory_space<hbm>>
    tpu.wait_indirect_dma semaphore(%arg17 : memref<!tpu.dma_semaphore, #tpu.memory_space<semaphore_mem>>) src(%dma_wait3A_39 : memref<10240x80xf32, #tpu.memory_space<hbm>>) dst(%arg10 : memref<120x80xf32, #tpu.memory_space<vmem>>)
    %dma_wait3A_40 = arith.constant 0 : i32
    %dma_wait3A_41 = arith.constant 0 : i32
    %dma_wait3A_42 = tpu.memref_slice %arg9[%dma_wait3A_40, %dma_wait3A_41] : memref<88x120xi32, #tpu.memory_space<vmem>> -> memref<1x120xi32, #tpu.memory_space<vmem>>
    %dma_wait3A_43 = tpu.memref_squeeze %dma_wait3A_42 : memref<1x120xi32, #tpu.memory_space<vmem>> -> memref<120xi32, #tpu.memory_space<vmem>>
    %dma_wait3A_44 = arith.constant 0 : i32
    %dma_wait3A_45 = arith.constant 0 : i32
    %dma_wait3A_46 = tpu.memref_slice %arg3[%dma_wait3A_44, %dma_wait3A_45] : memref<10240x16xf32, #tpu.memory_space<hbm>> -> memref<10240x16xf32, #tpu.memory_space<hbm>>
    tpu.wait_indirect_dma semaphore(%arg19 : memref<!tpu.dma_semaphore, #tpu.memory_space<semaphore_mem>>) src(%dma_wait3A_46 : memref<10240x16xf32, #tpu.memory_space<hbm>>) dst(%arg12 : memref<120x16xf32, #tpu.memory_space<vmem>>)
    %dma_wait3A_47 = arith.constant 0 : i32
    %dma_wait3A_48 = arith.constant 0 : i32
    %dma_wait3A_49 = tpu.memref_slice %arg8[%dma_wait3A_47, %dma_wait3A_48] : memref<88x120xi32, #tpu.memory_space<vmem>> -> memref<1x120xi32, #tpu.memory_space<vmem>>
    %dma_wait3A_50 = tpu.memref_squeeze %dma_wait3A_49 : memref<1x120xi32, #tpu.memory_space<vmem>> -> memref<120xi32, #tpu.memory_space<vmem>>
    %dma_wait3A_51 = arith.constant 0 : i32
    %dma_wait3A_52 = arith.constant 0 : i32
    %dma_wait3A_53 = tpu.memref_slice %arg2[%dma_wait3A_51, %dma_wait3A_52] : memref<10240x80xf32, #tpu.memory_space<hbm>> -> memref<10240x80xf32, #tpu.memory_space<hbm>>
    tpu.wait_indirect_dma semaphore(%arg18 : memref<!tpu.dma_semaphore, #tpu.memory_space<semaphore_mem>>) src(%dma_wait3A_53 : memref<10240x80xf32, #tpu.memory_space<hbm>>) dst(%arg11 : memref<120x80xf32, #tpu.memory_space<vmem>>)
    %dma_wait3A_54 = arith.constant 0 : i32
    %dma_wait3A_55 = arith.constant 0 : i32
    %dma_wait3A_56 = tpu.memref_slice %arg9[%dma_wait3A_54, %dma_wait3A_55] : memref<88x120xi32, #tpu.memory_space<vmem>> -> memref<1x120xi32, #tpu.memory_space<vmem>>
    %dma_wait3A_57 = tpu.memref_squeeze %dma_wait3A_56 : memref<1x120xi32, #tpu.memory_space<vmem>> -> memref<120xi32, #tpu.memory_space<vmem>>
    %dma_wait3A_58 = arith.constant 0 : i32
    %dma_wait3A_59 = arith.constant 0 : i32
    %dma_wait3A_60 = tpu.memref_slice %arg3[%dma_wait3A_58, %dma_wait3A_59] : memref<10240x16xf32, #tpu.memory_space<hbm>> -> memref<10240x16xf32, #tpu.memory_space<hbm>>
    tpu.wait_indirect_dma semaphore(%arg20 : memref<!tpu.dma_semaphore, #tpu.memory_space<semaphore_mem>>) src(%dma_wait3A_60 : memref<10240x16xf32, #tpu.memory_space<hbm>>) dst(%arg13 : memref<120x16xf32, #tpu.memory_space<vmem>>)
    %dma_wait3A_61 = arith.constant 86 : i32
    %dma_wait3A_62 = arith.constant 0 : i32
    %dma_wait3A_63 = tpu.memref_slice %arg9[%dma_wait3A_61, %dma_wait3A_62] : memref<88x120xi32, #tpu.memory_space<vmem>> -> memref<1x120xi32, #tpu.memory_space<vmem>>
    %dma_wait3A_64 = tpu.memref_squeeze %dma_wait3A_63 : memref<1x120xi32, #tpu.memory_space<vmem>> -> memref<120xi32, #tpu.memory_space<vmem>>
    %dma_wait3A_65 = arith.constant 0 : i32
    %dma_wait3A_66 = arith.constant 0 : i32
    %dma_wait3A_67 = tpu.memref_slice %arg16[%dma_wait3A_65, %dma_wait3A_66] : memref<10240x80xf32, #tpu.memory_space<vmem_shared>> -> memref<10240x80xf32, #tpu.memory_space<vmem_shared>>
    tpu.wait_indirect_dma semaphore(%arg21 : memref<!tpu.dma_semaphore, #tpu.memory_space<semaphore_mem>>) src(%arg14 : memref<120x80xf32, #tpu.memory_space<vmem>>) dst(%dma_wait3A_67 : memref<10240x80xf32, #tpu.memory_space<vmem_shared>>)
    %dma_wait3A_68 = arith.constant 87 : i32
    %dma_wait3A_69 = arith.constant 0 : i32
    %dma_wait3A_70 = tpu.memref_slice %arg9[%dma_wait3A_68, %dma_wait3A_69] : memref<88x120xi32, #tpu.memory_space<vmem>> -> memref<1x120xi32, #tpu.memory_space<vmem>>
    %dma_wait3A_71 = tpu.memref_squeeze %dma_wait3A_70 : memref<1x120xi32, #tpu.memory_space<vmem>> -> memref<120xi32, #tpu.memory_space<vmem>>
    %dma_wait3A_72 = arith.constant 0 : i32
    %dma_wait3A_73 = arith.constant 0 : i32
    %dma_wait3A_74 = tpu.memref_slice %arg16[%dma_wait3A_72, %dma_wait3A_73] : memref<10240x80xf32, #tpu.memory_space<vmem_shared>> -> memref<10240x80xf32, #tpu.memory_space<vmem_shared>>
    tpu.wait_indirect_dma semaphore(%arg22 : memref<!tpu.dma_semaphore, #tpu.memory_space<semaphore_mem>>) src(%arg15 : memref<120x80xf32, #tpu.memory_space<vmem>>) dst(%dma_wait3A_74 : memref<10240x80xf32, #tpu.memory_space<vmem_shared>>)
    %barrier3A_75 = arith.constant 0 : index
    tpu.barrier barrier_id(%barrier3A_75)
    %mul3A_76 = arith.constant 640 : i32
    %mul3A_77 = arith.muli %arg1, %mul3A_76 : i32
    %mul3A_78 = arith.constant 640 : i32
    %mul3A_79 = arith.muli %arg1, %mul3A_78 : i32
    "tpu.region"() ({
      %run_scoped3A = tpu.sem_alloc : memref<!tpu.dma_semaphore, #tpu.memory_space<semaphore_mem>>
      %dma_start3A_80 = arith.constant 0 : i32
      %dma_start3A_81 = tpu.memref_slice %arg7[%arg0, %mul3A_79, %dma_start3A_80] : memref<2x10240x80xf32, #tpu.memory_space<hbm>> -> memref<1x640x80xf32, #tpu.memory_space<hbm>>
      %dma_start3A_82 = tpu.memref_squeeze %dma_start3A_81 : memref<1x640x80xf32, #tpu.memory_space<hbm>> -> memref<640x80xf32, #tpu.memory_space<hbm>>
      %dma_start3A_83 = arith.constant 0 : i32
      %dma_start3A_84 = tpu.memref_slice %arg16[%mul3A_77, %dma_start3A_83] : memref<10240x80xf32, #tpu.memory_space<vmem_shared>> -> memref<640x80xf32, #tpu.memory_space<vmem_shared>>
      tpu.enqueue_dma source(%dma_start3A_84 : memref<640x80xf32, #tpu.memory_space<vmem_shared>>) target(%dma_start3A_82 : memref<640x80xf32, #tpu.memory_space<hbm>>) target_semaphore(%run_scoped3A : memref<!tpu.dma_semaphore, #tpu.memory_space<semaphore_mem>>)
      %dma_wait3A_85 = arith.constant 0 : i32
      %dma_wait3A_86 = tpu.memref_slice %arg7[%arg0, %mul3A_79, %dma_wait3A_85] : memref<2x10240x80xf32, #tpu.memory_space<hbm>> -> memref<1x640x80xf32, #tpu.memory_space<hbm>>
      %dma_wait3A_87 = tpu.memref_squeeze %dma_wait3A_86 : memref<1x640x80xf32, #tpu.memory_space<hbm>> -> memref<640x80xf32, #tpu.memory_space<hbm>>
      %dma_wait3A_88 = arith.constant 0 : i32
      %dma_wait3A_89 = tpu.memref_slice %arg16[%mul3A_77, %dma_wait3A_88] : memref<10240x80xf32, #tpu.memory_space<vmem_shared>> -> memref<640x80xf32, #tpu.memory_space<vmem_shared>>
      tpu.wait_dma2 semaphore(%run_scoped3A : memref<!tpu.dma_semaphore, #tpu.memory_space<semaphore_mem>>) src(%dma_wait3A_89 : memref<640x80xf32, #tpu.memory_space<vmem_shared>>) dst(%dma_wait3A_87 : memref<640x80xf32, #tpu.memory_space<hbm>>)
      tpu.yield
    }) : () -> ()
    return
  }
}

module attributes {stable_mosaic.version = 14 : i64} {
  func.func @_prep1_body(%arg0: i32, %arg1: memref<1280x128xf32, #tpu.memory_space<vmem>>, %arg2: memref<128x128xf32, #tpu.memory_space<vmem>>, %arg3: memref<128x8xf32, #tpu.memory_space<vmem>>, %arg4: memref<128x8xf32, #tpu.memory_space<vmem>>, %arg5: memref<1280x80xf32, #tpu.memory_space<vmem>>, %arg6: memref<1280x80xf32, #tpu.memory_space<vmem>>, %arg7: memref<1280x16xf32, #tpu.memory_space<vmem>>, %arg8: memref<1280x16xf32, #tpu.memory_space<vmem>>) attributes {dimension_semantics = [#tpu.dimension_semantics<arbitrary>], iteration_bounds = array<i64: 8>, scalar_prefetch = 0 : i64, scratch_operands = 0 : i64, tpu.core_type = #tpu.core_type<tc>, window_params = [{transform_indices = @transform_0, window_bounds = array<i64: 1280, 128>}, {pipeline_mode = #tpu.pipeline_mode<synchronous>, transform_indices = @transform_1, window_bounds = array<i64: 128, 128>}, {pipeline_mode = #tpu.pipeline_mode<synchronous>, transform_indices = @transform_2, window_bounds = array<i64: 128, 8>}, {pipeline_mode = #tpu.pipeline_mode<synchronous>, transform_indices = @transform_3, window_bounds = array<i64: 128, 8>}, {transform_indices = @transform_4, window_bounds = array<i64: 1280, 80>}, {transform_indices = @transform_5, window_bounds = array<i64: 1280, 80>}, {transform_indices = @transform_6, window_bounds = array<i64: 1280, 16>}, {transform_indices = @transform_7, window_bounds = array<i64: 1280, 16>}]} {
    %get3A = arith.constant 0 : index
    %get3A_0 = arith.constant 0 : index
    %get3A_1 = vector.load %arg1[%get3A, %get3A_0] : memref<1280x128xf32, #tpu.memory_space<vmem>>, vector<1280x128xf32>
    %get3A_2 = arith.constant 0 : index
    %get3A_3 = arith.constant 0 : index
    %get3A_4 = vector.load %arg2[%get3A_2, %get3A_3] : memref<128x128xf32, #tpu.memory_space<vmem>>, vector<128x128xf32>
    %dot_general3A = arith.constant dense<0.000000e+00> : vector<1280x128xf32>
    %dot_general3A_5 = tpu.matmul %get3A_1, %get3A_4, %dot_general3A {dimension_numbers = #tpu.dot_dimension_numbers<[1], [0], [0], [1], [0, 0, 1, 1], [], []>, precision = #tpu.contract_precision<fp32>, transpose_lhs_hint = false} : vector<1280x128xf32>, vector<128x128xf32>, vector<1280x128xf32> -> vector<1280x128xf32>
    %get3A_6 = arith.constant 0 : index
    %get3A_7 = arith.constant 0 : index
    %get3A_8 = vector.load %arg3[%get3A_6, %get3A_7] : memref<128x8xf32, #tpu.memory_space<vmem>>, vector<128x8xf32>
    %dot_general3A_9 = arith.constant dense<0.000000e+00> : vector<1280x8xf32>
    %dot_general3A_10 = tpu.matmul %dot_general3A_5, %get3A_8, %dot_general3A_9 {dimension_numbers = #tpu.dot_dimension_numbers<[1], [0], [0], [1], [0, 0, 1, 1], [], []>, precision = #tpu.contract_precision<fp32>, transpose_lhs_hint = false} : vector<1280x128xf32>, vector<128x8xf32>, vector<1280x8xf32> -> vector<1280x8xf32>
    %get3A_11 = arith.constant 0 : index
    %get3A_12 = arith.constant 0 : index
    %get3A_13 = vector.load %arg4[%get3A_11, %get3A_12] : memref<128x8xf32, #tpu.memory_space<vmem>>, vector<128x8xf32>
    %dot_general3A_14 = arith.constant dense<0.000000e+00> : vector<1280x8xf32>
    %dot_general3A_15 = tpu.matmul %dot_general3A_5, %get3A_13, %dot_general3A_14 {dimension_numbers = #tpu.dot_dimension_numbers<[1], [0], [0], [1], [0, 0, 1, 1], [], []>, precision = #tpu.contract_precision<fp32>, transpose_lhs_hint = false} : vector<1280x128xf32>, vector<128x8xf32>, vector<1280x8xf32> -> vector<1280x8xf32>
    %broadcast_in_dim3A = arith.constant 0.000000e+00 : f32
    %broadcast_in_dim3A_16 = vector.broadcast %broadcast_in_dim3A : f32 to vector<1280x12xf32>
    %slice3A = vector.extract_strided_slice %dot_general3A_5 {offsets = [0, 0], sizes = [1280, 64], strides = [1, 1]} : vector<1280x128xf32> to vector<1280x64xf32>
    %slice3A_17 = vector.extract_strided_slice %dot_general3A_10 {offsets = [0, 0], sizes = [1280, 4], strides = [1, 1]} : vector<1280x8xf32> to vector<1280x4xf32>
    %concatenate3A = tpu.concatenate %slice3A, %slice3A_17, %broadcast_in_dim3A_16 in 1 : vector<1280x64xf32>, vector<1280x4xf32>, vector<1280x12xf32> -> vector<1280x80xf32>
    %swap3A = arith.constant 0 : index
    %swap3A_18 = arith.constant 0 : index
    %swap3A_19 = vector.load %arg5[%swap3A, %swap3A_18] : memref<1280x80xf32, #tpu.memory_space<vmem>>, vector<1280x80xf32>
    tpu.vector_store %arg5[%swap3A, %swap3A_18], %concatenate3A {strides = array<i32>} : memref<1280x80xf32, #tpu.memory_space<vmem>>, vector<1280x80xf32>,
    %slice3A_20 = vector.extract_strided_slice %dot_general3A_5 {offsets = [0, 64], sizes = [1280, 64], strides = [1, 1]} : vector<1280x128xf32> to vector<1280x64xf32>
    %slice3A_21 = vector.extract_strided_slice %dot_general3A_10 {offsets = [0, 4], sizes = [1280, 4], strides = [1, 1]} : vector<1280x8xf32> to vector<1280x4xf32>
    %concatenate3A_22 = tpu.concatenate %slice3A_20, %slice3A_21, %broadcast_in_dim3A_16 in 1 : vector<1280x64xf32>, vector<1280x4xf32>, vector<1280x12xf32> -> vector<1280x80xf32>
    %swap3A_23 = arith.constant 0 : index
    %swap3A_24 = arith.constant 0 : index
    %swap3A_25 = vector.load %arg6[%swap3A_23, %swap3A_24] : memref<1280x80xf32, #tpu.memory_space<vmem>>, vector<1280x80xf32>
    tpu.vector_store %arg6[%swap3A_23, %swap3A_24], %concatenate3A_22 {strides = array<i32>} : memref<1280x80xf32, #tpu.memory_space<vmem>>, vector<1280x80xf32>,
    %slice3A_26 = vector.extract_strided_slice %dot_general3A_15 {offsets = [0, 0], sizes = [1280, 4], strides = [1, 1]} : vector<1280x8xf32> to vector<1280x4xf32>
    %concatenate3A_27 = tpu.concatenate %slice3A_26, %broadcast_in_dim3A_16 in 1 : vector<1280x4xf32>, vector<1280x12xf32> -> vector<1280x16xf32>
    %swap3A_28 = arith.constant 0 : index
    %swap3A_29 = arith.constant 0 : index
    %swap3A_30 = vector.load %arg7[%swap3A_28, %swap3A_29] : memref<1280x16xf32, #tpu.memory_space<vmem>>, vector<1280x16xf32>
    tpu.vector_store %arg7[%swap3A_28, %swap3A_29], %concatenate3A_27 {strides = array<i32>} : memref<1280x16xf32, #tpu.memory_space<vmem>>, vector<1280x16xf32>,
    %slice3A_31 = vector.extract_strided_slice %dot_general3A_15 {offsets = [0, 4], sizes = [1280, 4], strides = [1, 1]} : vector<1280x8xf32> to vector<1280x4xf32>
    %concatenate3A_32 = tpu.concatenate %slice3A_31, %broadcast_in_dim3A_16 in 1 : vector<1280x4xf32>, vector<1280x12xf32> -> vector<1280x16xf32>
    %swap3A_33 = arith.constant 0 : index
    %swap3A_34 = arith.constant 0 : index
    %swap3A_35 = vector.load %arg8[%swap3A_33, %swap3A_34] : memref<1280x16xf32, #tpu.memory_space<vmem>>, vector<1280x16xf32>
    tpu.vector_store %arg8[%swap3A_33, %swap3A_34], %concatenate3A_32 {strides = array<i32>} : memref<1280x16xf32, #tpu.memory_space<vmem>>, vector<1280x16xf32>,
    return
  }
  func.func @transform_0(%arg0: i32) -> (i32, i32) {
    %c0_i32 = arith.constant 0 : i32
    %c0_i32_0 = arith.constant 0 : i32
    return %arg0, %c0_i32 : i32, i32
  }
  func.func @transform_1(%arg0: i32) -> (i32, i32) {
    %c0_i32 = arith.constant 0 : i32
    %c0_i32_0 = arith.constant 0 : i32
    %c0_i32_1 = arith.constant 0 : i32
    return %c0_i32, %c0_i32_0 : i32, i32
  }
  func.func @transform_2(%arg0: i32) -> (i32, i32) {
    %c0_i32 = arith.constant 0 : i32
    %c0_i32_0 = arith.constant 0 : i32
    %c0_i32_1 = arith.constant 0 : i32
    return %c0_i32, %c0_i32_0 : i32, i32
  }
  func.func @transform_3(%arg0: i32) -> (i32, i32) {
    %c0_i32 = arith.constant 0 : i32
    %c0_i32_0 = arith.constant 0 : i32
    %c0_i32_1 = arith.constant 0 : i32
    return %c0_i32, %c0_i32_0 : i32, i32
  }
  func.func @transform_4(%arg0: i32) -> (i32, i32) {
    %c0_i32 = arith.constant 0 : i32
    %c0_i32_0 = arith.constant 0 : i32
    return %arg0, %c0_i32 : i32, i32
  }
  func.func @transform_5(%arg0: i32) -> (i32, i32) {
    %c0_i32 = arith.constant 0 : i32
    %c0_i32_0 = arith.constant 0 : i32
    return %arg0, %c0_i32 : i32, i32
  }
  func.func @transform_6(%arg0: i32) -> (i32, i32) {
    %c0_i32 = arith.constant 0 : i32
    %c0_i32_0 = arith.constant 0 : i32
    return %arg0, %c0_i32 : i32, i32
  }
  func.func @transform_7(%arg0: i32) -> (i32, i32) {
    %c0_i32 = arith.constant 0 : i32
    %c0_i32_0 = arith.constant 0 : i32
    return %arg0, %c0_i32 : i32, i32
  }
}

module attributes {stable_mosaic.version = 14 : i64} {
  func.func @_mid_body(%arg0: i32, %arg1: memref<2x1280x80xf32, #tpu.memory_space<vmem>>, %arg2: memref<2x1280x80xf32, #tpu.memory_space<vmem>>, %arg3: memref<8x128xf32, #tpu.memory_space<vmem>>, %arg4: memref<1x128xf32, #tpu.memory_space<vmem>>, %arg5: memref<128x64xf32, #tpu.memory_space<vmem>>, %arg6: memref<64x1xf32, #tpu.memory_space<vmem>>, %arg7: memref<64x1xf32, #tpu.memory_space<vmem>>, %arg8: memref<1280x80xf32, #tpu.memory_space<vmem>>, %arg9: memref<1280x16xf32, #tpu.memory_space<vmem>>) attributes {dimension_semantics = [#tpu.dimension_semantics<arbitrary>], iteration_bounds = array<i64: 8>, scalar_prefetch = 0 : i64, scratch_operands = 0 : i64, tpu.core_type = #tpu.core_type<tc>, window_params = [{transform_indices = @transform_0, window_bounds = array<i64: 2, 1280, 80>}, {transform_indices = @transform_1, window_bounds = array<i64: 2, 1280, 80>}, {pipeline_mode = #tpu.pipeline_mode<synchronous>, transform_indices = @transform_2, window_bounds = array<i64: 8, 128>}, {pipeline_mode = #tpu.pipeline_mode<synchronous>, transform_indices = @transform_3, window_bounds = array<i64: 1, 128>}, {pipeline_mode = #tpu.pipeline_mode<synchronous>, transform_indices = @transform_4, window_bounds = array<i64: 128, 64>}, {pipeline_mode = #tpu.pipeline_mode<synchronous>, transform_indices = @transform_5, window_bounds = array<i64: 64, 1>}, {pipeline_mode = #tpu.pipeline_mode<synchronous>, transform_indices = @transform_6, window_bounds = array<i64: 64, 1>}, {transform_indices = @transform_7, window_bounds = array<i64: 1280, 80>}, {transform_indices = @transform_8, window_bounds = array<i64: 1280, 16>}]} {
    %get3A = arith.constant 0 : index
    %get3A_0 = arith.constant 0 : index
    %get3A_1 = arith.constant 0 : index
    %get3A_2 = vector.load %arg1[%get3A, %get3A_0, %get3A_1] : memref<2x1280x80xf32, #tpu.memory_space<vmem>>, vector<1x1280x80xf32>
    %get3A_3 = vector.shape_cast %get3A_2 : vector<1x1280x80xf32> to vector<1280x80xf32>
    %get3A_4 = arith.constant 1 : index
    %get3A_5 = arith.constant 0 : index
    %get3A_6 = arith.constant 0 : index
    %get3A_7 = vector.load %arg1[%get3A_4, %get3A_5, %get3A_6] : memref<2x1280x80xf32, #tpu.memory_space<vmem>>, vector<1x1280x80xf32>
    %get3A_8 = vector.shape_cast %get3A_7 : vector<1x1280x80xf32> to vector<1280x80xf32>
    %add3A = arith.addf %get3A_3, %get3A_8 : vector<1280x80xf32>
    %get3A_9 = arith.constant 0 : index
    %get3A_10 = arith.constant 0 : index
    %get3A_11 = arith.constant 0 : index
    %get3A_12 = vector.load %arg2[%get3A_9, %get3A_10, %get3A_11] : memref<2x1280x80xf32, #tpu.memory_space<vmem>>, vector<1x1280x80xf32>
    %get3A_13 = vector.shape_cast %get3A_12 : vector<1x1280x80xf32> to vector<1280x80xf32>
    %get3A_14 = arith.constant 1 : index
    %get3A_15 = arith.constant 0 : index
    %get3A_16 = arith.constant 0 : index
    %get3A_17 = vector.load %arg2[%get3A_14, %get3A_15, %get3A_16] : memref<2x1280x80xf32, #tpu.memory_space<vmem>>, vector<1x1280x80xf32>
    %get3A_18 = vector.shape_cast %get3A_17 : vector<1x1280x80xf32> to vector<1280x80xf32>
    %add3A_19 = arith.addf %get3A_13, %get3A_18 : vector<1280x80xf32>
    %slice3A = vector.extract_strided_slice %add3A {offsets = [0, 0], sizes = [1280, 64], strides = [1, 1]} : vector<1280x80xf32> to vector<1280x64xf32>
    %slice3A_20 = vector.extract_strided_slice %add3A_19 {offsets = [0, 0], sizes = [1280, 64], strides = [1, 1]} : vector<1280x80xf32> to vector<1280x64xf32>
    %concatenate3A = tpu.concatenate %slice3A, %slice3A_20 in 1 : vector<1280x64xf32>, vector<1280x64xf32> -> vector<1280x128xf32>
    %slice3A_21 = vector.extract_strided_slice %add3A {offsets = [0, 64], sizes = [1280, 4], strides = [1, 1]} : vector<1280x80xf32> to vector<1280x4xf32>
    %slice3A_22 = vector.extract_strided_slice %add3A_19 {offsets = [0, 64], sizes = [1280, 4], strides = [1, 1]} : vector<1280x80xf32> to vector<1280x4xf32>
    %concatenate3A_23 = tpu.concatenate %slice3A_21, %slice3A_22 in 1 : vector<1280x4xf32>, vector<1280x4xf32> -> vector<1280x8xf32>
    %add3A_24 = arith.constant 1.000000e-16 : f32
    %add3A_25 = vector.broadcast %add3A_24 : f32 to vector<1280x8xf32>
    %add3A_26 = arith.addf %concatenate3A_23, %add3A_25 : vector<1280x8xf32>
    %div3A = arith.constant 1.000000e+00 : f32
    %div3A_27 = vector.broadcast %div3A : f32 to vector<1280x8xf32>
    %div3A_28 = arith.divf %div3A_27, %add3A_26 : vector<1280x8xf32>
    %get3A_29 = arith.constant 0 : index
    %get3A_30 = arith.constant 0 : index
    %get3A_31 = vector.load %arg3[%get3A_29, %get3A_30] : memref<8x128xf32, #tpu.memory_space<vmem>>, vector<8x128xf32>
    %dot_general3A = arith.constant dense<0.000000e+00> : vector<1280x128xf32>
    %dot_general3A_32 = tpu.matmul %div3A_28, %get3A_31, %dot_general3A {dimension_numbers = #tpu.dot_dimension_numbers<[1], [0], [0], [1], [0, 0, 1, 1], [], []>, precision = #tpu.contract_precision<fp32>, transpose_lhs_hint = false} : vector<1280x8xf32>, vector<8x128xf32>, vector<1280x128xf32> -> vector<1280x128xf32>
    %mul3A = arith.mulf %concatenate3A, %dot_general3A_32 : vector<1280x128xf32>
    %get3A_33 = arith.constant 0 : index
    %get3A_34 = arith.constant 0 : index
    %get3A_35 = vector.load %arg4[%get3A_33, %get3A_34] : memref<1x128xf32, #tpu.memory_space<vmem>>, vector<1x128xf32>
    %add3A_36 = vector.broadcast %get3A_35 : vector<1x128xf32> to vector<1280x128xf32>
    %add3A_37 = arith.addf %mul3A, %add3A_36 : vector<1280x128xf32>
    %gt3A = arith.constant 0.000000e+00 : f32
    %gt3A_38 = vector.broadcast %gt3A : f32 to vector<1280x128xf32>
    %gt3A_39 = arith.cmpf ogt, %add3A_37, %gt3A_38 : vector<1280x128xf32>
    %min3A = arith.constant 0.000000e+00 : f32
    %min3A_40 = vector.broadcast %min3A : f32 to vector<1280x128xf32>
    %min3A_41 = arith.minimumf %add3A_37, %min3A_40 : vector<1280x128xf32>
    %exp3A = math.exp %min3A_41 : vector<1280x128xf32>
    %sub3A = arith.constant 1.000000e+00 : f32
    %sub3A_42 = vector.broadcast %sub3A : f32 to vector<1280x128xf32>
    %sub3A_43 = arith.subf %exp3A, %sub3A_42 : vector<1280x128xf32>
    %select_n3A = arith.select %gt3A_39, %add3A_37, %sub3A_43 : vector<1280x128xi1>, vector<1280x128xf32>
    %get3A_44 = arith.constant 0 : index
    %get3A_45 = arith.constant 0 : index
    %get3A_46 = vector.load %arg5[%get3A_44, %get3A_45] : memref<128x64xf32, #tpu.memory_space<vmem>>, vector<128x64xf32>
    %dot_general3A_47 = arith.constant dense<0.000000e+00> : vector<1280x64xf32>
    %dot_general3A_48 = tpu.matmul %select_n3A, %get3A_46, %dot_general3A_47 {dimension_numbers = #tpu.dot_dimension_numbers<[1], [0], [0], [1], [0, 0, 1, 1], [], []>, precision = #tpu.contract_precision<fp32>, transpose_lhs_hint = false} : vector<1280x128xf32>, vector<128x64xf32>, vector<1280x64xf32> -> vector<1280x64xf32>
    %get3A_49 = arith.constant 0 : index
    %get3A_50 = arith.constant 0 : index
    %get3A_51 = vector.load %arg6[%get3A_49, %get3A_50] : memref<64x1xf32, #tpu.memory_space<vmem>>, vector<64x1xf32>
    %dot_general3A_52 = arith.constant dense<0.000000e+00> : vector<1280x1xf32>
    %dot_general3A_53 = tpu.matmul %dot_general3A_48, %get3A_51, %dot_general3A_52 {dimension_numbers = #tpu.dot_dimension_numbers<[1], [0], [0], [1], [0, 0, 1, 1], [], []>, precision = #tpu.contract_precision<fp32>, transpose_lhs_hint = false} : vector<1280x64xf32>, vector<64x1xf32>, vector<1280x1xf32> -> vector<1280x1xf32>
    %get3A_54 = arith.constant 0 : index
    %get3A_55 = arith.constant 0 : index
    %get3A_56 = vector.load %arg7[%get3A_54, %get3A_55] : memref<64x1xf32, #tpu.memory_space<vmem>>, vector<64x1xf32>
    %dot_general3A_57 = arith.constant dense<0.000000e+00> : vector<1280x1xf32>
    %dot_general3A_58 = tpu.matmul %dot_general3A_48, %get3A_56, %dot_general3A_57 {dimension_numbers = #tpu.dot_dimension_numbers<[1], [0], [0], [1], [0, 0, 1, 1], [], []>, precision = #tpu.contract_precision<fp32>, transpose_lhs_hint = false} : vector<1280x64xf32>, vector<64x1xf32>, vector<1280x1xf32> -> vector<1280x1xf32>
    %broadcast_in_dim3A = arith.constant 0.000000e+00 : f32
    %broadcast_in_dim3A_59 = vector.broadcast %broadcast_in_dim3A : f32 to vector<1280x15xf32>
    %concatenate3A_60 = tpu.concatenate %dot_general3A_48, %dot_general3A_53, %broadcast_in_dim3A_59 in 1 : vector<1280x64xf32>, vector<1280x1xf32>, vector<1280x15xf32> -> vector<1280x80xf32>
    %swap3A = arith.constant 0 : index
    %swap3A_61 = arith.constant 0 : index
    %swap3A_62 = vector.load %arg8[%swap3A, %swap3A_61] : memref<1280x80xf32, #tpu.memory_space<vmem>>, vector<1280x80xf32>
    tpu.vector_store %arg8[%swap3A, %swap3A_61], %concatenate3A_60 {strides = array<i32>} : memref<1280x80xf32, #tpu.memory_space<vmem>>, vector<1280x80xf32>,
    %concatenate3A_63 = tpu.concatenate %dot_general3A_58, %broadcast_in_dim3A_59 in 1 : vector<1280x1xf32>, vector<1280x15xf32> -> vector<1280x16xf32>
    %swap3A_64 = arith.constant 0 : index
    %swap3A_65 = arith.constant 0 : index
    %swap3A_66 = vector.load %arg9[%swap3A_64, %swap3A_65] : memref<1280x16xf32, #tpu.memory_space<vmem>>, vector<1280x16xf32>
    tpu.vector_store %arg9[%swap3A_64, %swap3A_65], %concatenate3A_63 {strides = array<i32>} : memref<1280x16xf32, #tpu.memory_space<vmem>>, vector<1280x16xf32>,
    return
  }
  func.func @transform_0(%arg0: i32) -> (i32, i32, i32) {
    %c0_i32 = arith.constant 0 : i32
    %c0_i32_0 = arith.constant 0 : i32
    %c0_i32_1 = arith.constant 0 : i32
    return %c0_i32, %arg0, %c0_i32_0 : i32, i32, i32
  }
  func.func @transform_1(%arg0: i32) -> (i32, i32, i32) {
    %c0_i32 = arith.constant 0 : i32
    %c0_i32_0 = arith.constant 0 : i32
    %c0_i32_1 = arith.constant 0 : i32
    return %c0_i32, %arg0, %c0_i32_0 : i32, i32, i32
  }
  func.func @transform_2(%arg0: i32) -> (i32, i32) {
    %c0_i32 = arith.constant 0 : i32
    %c0_i32_0 = arith.constant 0 : i32
    %c0_i32_1 = arith.constant 0 : i32
    return %c0_i32, %c0_i32_0 : i32, i32
  }
  func.func @transform_3(%arg0: i32) -> (i32, i32) {
    %c0_i32 = arith.constant 0 : i32
    %c0_i32_0 = arith.constant 0 : i32
    %c0_i32_1 = arith.constant 0 : i32
    return %c0_i32, %c0_i32_0 : i32, i32
  }
  func.func @transform_4(%arg0: i32) -> (i32, i32) {
    %c0_i32 = arith.constant 0 : i32
    %c0_i32_0 = arith.constant 0 : i32
    %c0_i32_1 = arith.constant 0 : i32
    return %c0_i32, %c0_i32_0 : i32, i32
  }
  func.func @transform_5(%arg0: i32) -> (i32, i32) {
    %c0_i32 = arith.constant 0 : i32
    %c0_i32_0 = arith.constant 0 : i32
    %c0_i32_1 = arith.constant 0 : i32
    return %c0_i32, %c0_i32_0 : i32, i32
  }
  func.func @transform_6(%arg0: i32) -> (i32, i32) {
    %c0_i32 = arith.constant 0 : i32
    %c0_i32_0 = arith.constant 0 : i32
    %c0_i32_1 = arith.constant 0 : i32
    return %c0_i32, %c0_i32_0 : i32, i32
  }
  func.func @transform_7(%arg0: i32) -> (i32, i32) {
    %c0_i32 = arith.constant 0 : i32
    %c0_i32_0 = arith.constant 0 : i32
    return %arg0, %c0_i32 : i32, i32
  }
  func.func @transform_8(%arg0: i32) -> (i32, i32) {
    %c0_i32 = arith.constant 0 : i32
    %c0_i32_0 = arith.constant 0 : i32
    return %arg0, %c0_i32 : i32, i32
  }
}

module attributes {stable_mosaic.version = 14 : i64} {
  func.func @_final_body(%arg0: i32, %arg1: memref<2x2000x80xf32, #tpu.memory_space<vmem>>, %arg2: memref<1x64xf32, #tpu.memory_space<vmem>>, %arg3: memref<2000x64xf32, #tpu.memory_space<vmem>>) attributes {dimension_semantics = [#tpu.dimension_semantics<arbitrary>], iteration_bounds = array<i64: 5>, scalar_prefetch = 0 : i64, scratch_operands = 0 : i64, tpu.core_type = #tpu.core_type<tc>, window_params = [{transform_indices = @transform_0, window_bounds = array<i64: 2, 2000, 80>}, {pipeline_mode = #tpu.pipeline_mode<synchronous>, transform_indices = @transform_1, window_bounds = array<i64: 1, 64>}, {transform_indices = @transform_2, window_bounds = array<i64: 2000, 64>}]} {
    %get3A = arith.constant 0 : index
    %get3A_0 = arith.constant 0 : index
    %get3A_1 = arith.constant 0 : index
    %get3A_2 = vector.load %arg1[%get3A, %get3A_0, %get3A_1] : memref<2x2000x80xf32, #tpu.memory_space<vmem>>, vector<1x2000x80xf32>
    %get3A_3 = vector.shape_cast %get3A_2 : vector<1x2000x80xf32> to vector<2000x80xf32>
    %get3A_4 = arith.constant 1 : index
    %get3A_5 = arith.constant 0 : index
    %get3A_6 = arith.constant 0 : index
    %get3A_7 = vector.load %arg1[%get3A_4, %get3A_5, %get3A_6] : memref<2x2000x80xf32, #tpu.memory_space<vmem>>, vector<1x2000x80xf32>
    %get3A_8 = vector.shape_cast %get3A_7 : vector<1x2000x80xf32> to vector<2000x80xf32>
    %add3A = arith.addf %get3A_3, %get3A_8 : vector<2000x80xf32>
    %slice3A = vector.extract_strided_slice %add3A {offsets = [0, 0], sizes = [2000, 64], strides = [1, 1]} : vector<2000x80xf32> to vector<2000x64xf32>
    %slice3A_9 = vector.extract_strided_slice %add3A {offsets = [0, 64], sizes = [2000, 1], strides = [1, 1]} : vector<2000x80xf32> to vector<2000x1xf32>
    %add3A_10 = arith.constant 1.000000e-16 : f32
    %add3A_11 = vector.broadcast %add3A_10 : f32 to vector<2000x1xf32>
    %add3A_12 = arith.addf %slice3A_9, %add3A_11 : vector<2000x1xf32>
    %div3A = vector.broadcast %add3A_12 : vector<2000x1xf32> to vector<2000x64xf32>
    %div3A_13 = arith.divf %slice3A, %div3A : vector<2000x64xf32>
    %get3A_14 = arith.constant 0 : index
    %get3A_15 = arith.constant 0 : index
    %get3A_16 = vector.load %arg2[%get3A_14, %get3A_15] : memref<1x64xf32, #tpu.memory_space<vmem>>, vector<1x64xf32>
    %add3A_17 = vector.broadcast %get3A_16 : vector<1x64xf32> to vector<2000x64xf32>
    %add3A_18 = arith.addf %div3A_13, %add3A_17 : vector<2000x64xf32>
    %reduce_max3A = arith.constant dense<0xFF800000> : vector<2000xf32>
    %reduce_max3A_19 = vector.multi_reduction <maximumf>, %add3A_18, %reduce_max3A [1] : vector<2000x64xf32> to vector<2000xf32>
    %broadcast_in_dim3A = vector.shape_cast %reduce_max3A_19 : vector<2000xf32> to vector<2000x1xf32>
    %sub3A = vector.broadcast %broadcast_in_dim3A : vector<2000x1xf32> to vector<2000x64xf32>
    %sub3A_20 = arith.subf %add3A_18, %sub3A : vector<2000x64xf32>
    %exp3A = math.exp %sub3A_20 : vector<2000x64xf32>
    %reduce_sum3A = arith.constant dense<0.000000e+00> : vector<2000xf32>
    %reduce_sum3A_21 = vector.multi_reduction <add>, %exp3A, %reduce_sum3A [1] : vector<2000x64xf32> to vector<2000xf32>
    %broadcast_in_dim3A_22 = vector.shape_cast %reduce_sum3A_21 : vector<2000xf32> to vector<2000x1xf32>
    %log3A = math.log %broadcast_in_dim3A_22 : vector<2000x1xf32>
    %sub3A_23 = vector.broadcast %log3A : vector<2000x1xf32> to vector<2000x64xf32>
    %sub3A_24 = arith.subf %sub3A_20, %sub3A_23 : vector<2000x64xf32>
    %swap3A = arith.constant 0 : index
    %swap3A_25 = arith.constant 0 : index
    %swap3A_26 = vector.load %arg3[%swap3A, %swap3A_25] : memref<2000x64xf32, #tpu.memory_space<vmem>>, vector<2000x64xf32>
    tpu.vector_store %arg3[%swap3A, %swap3A_25], %sub3A_24 {strides = array<i32>} : memref<2000x64xf32, #tpu.memory_space<vmem>>, vector<2000x64xf32>,
    return
  }
  func.func @transform_0(%arg0: i32) -> (i32, i32, i32) {
    %c0_i32 = arith.constant 0 : i32
    %c0_i32_0 = arith.constant 0 : i32
    %c0_i32_1 = arith.constant 0 : i32
    return %c0_i32, %arg0, %c0_i32_0 : i32, i32, i32
  }
  func.func @transform_1(%arg0: i32) -> (i32, i32) {
    %c0_i32 = arith.constant 0 : i32
    %c0_i32_0 = arith.constant 0 : i32
    %c0_i32_1 = arith.constant 0 : i32
    return %c0_i32, %c0_i32_0 : i32, i32
  }
  func.func @transform_2(%arg0: i32) -> (i32, i32) {
    %c0_i32 = arith.constant 0 : i32
    %c0_i32_0 = arith.constant 0 : i32
    return %arg0, %c0_i32 : i32, i32
  }
}

</mosaic_0001>

<sc_bundles>
// kernel: kernel.11.cloned.1.call-start
scs
__scs_entry_jumppad:
0x0: {  	(pc) =	sbr.rel $0x88, $3  }
0x1: {  	(tag) =	ssettag $0x0;
	lr =	simm.s32 $0x1  }
0x2: {  	[smem:$0x3F97] =	sst lr;
	_ =	strace $0xD0000000  }
0x3: {  	_ = 	snop  }
0x4: {  	_ = 	snop  }
0x5: {  	_ = 	snop  }
0x6: {  	_ = 	snop  }
0x7: {  	_ = 	snop  }
__scs_overlays_trampoline_lowered:
0x8: {  	[smem:$0x3FA6] =	sst s0  }
0x9: {  	[smem:$0x3FA7] =	sst s1  }
0xa: {  	[smem:$0x3FA8] =	sst s2  }
0xb: {  	[smem:$0x3FA9] =	sst s3  }
0xc: {  	[smem:$0x3FAA] =	sst s4  }
0xd: {  	[smem:$0x3FAB] =	sst s5  }
0xe: {  	[smem:$0x3FAC] =	sst s6  }
0xf: {  	[smem:$0x3FAD] =	sst s7  }
0x10: {  	[smem:$0x3FAE] =	sst s8  }
0x11: {  	[smem:$0x3FAF] =	sst s9;
	s0 =	simm.s32 @!p0 $0x0  }
0x12: {  	s1 =	sld [smem:$0x3F95];
	s0 =	simm.s32 @p0 $0x1  }
0x13: {  	[smem:$0x3FB0] =	sst s0;
	s0 =	simm.s32 @!p1 $0x0  }
0x14: {  	s2 =	sld [smem:$0x3F94];
	s0 =	simm.s32 @p1 $0x1  }
0x15: {  	[smem:$0x3FB1] =	sst s0;
	s0 =	simm.s32 @!p2 $0x0  }
0x16: {  	s3 =	sld [smem:$0x3FDB];
	s0 =	simm.s32 @p2 $0x1  }
0x17: {  	s4 =	simm.s32 $0x1BF5;
	[smem:$0x3FB3] =	sst s0  }
0x18: {  	s0 =	sld [smem:$0x3F96];
	_ =	swait.ge [sflag:s4], $0x0  }
0x19: {  	s7 =	sld [smem:$0x3F97]  }
0x1a: {  	s8 =	sadd.s32 $0xFFFFE003, lr  }
0x1b: {  	s9 =	sadd.s32 $0xFFFFFEF7, lr;
	s5 =	simm.s32 $0xFFFFFFFF;
	p2 =	slt.u32 s8, $0xFFFFF086  }
0x1c: {  	p1 =	slt.u32 s9, $0xF7A;
	s5 =	simm.s32 @!p2 $0x0  }
0x1d: {  	s5 =	simm.s32 @p1 $0x1;
	p0 =	seq.s32 s7, s2  }
0x1e: {  	s7 =	smul.u32 @!p0 $0xF7A, s2;
	p2 =	seq.s32 @!p0 s5, $0x0  }
0x1f: {  	s9 =	smul.u32 $0xF7A, s1;
	s8 =	simm.s32 @!p0 $0x1BF5;
	p2 =	por !p2, p0  }
0x20: {  	[sflag:s8] =	ssyncset.s32 @!p0 $0xFFFFF086;
	s6 =	sadd.s32 @!p0 s3, s7;
	s7 =	simm.s32 @!p0 $0x108  }
0x21: {  	s3 =	sadd.s32 s3, s9;
	s6 =	sadd.s32 @!p0 $0x88, s6;
	s7 =	simm.s32 @p2 $0x1082  }
0x22: {  	[simem:s7], [sflag:s8] =	dma.local @!p0 [hbm:s6], $0xF7A  }
0x23: {  	s9 =	sor.u32 $0xD0000000, s2;
	s6 =	simm.s32 $0x108;
	_ =	swait.ge @!p0 [sflag:s8], $0x0  }
0x24: {  	s3 =	sadd.s32 $0x88, s3;
	s6 =	simm.s32 @!p1 $0x1082;
	[sflag:s4] =	ssyncset.s32 $0xFFFFF086  }
0x25: {  	[simem:s6], [sflag:s4] =	dma.local [hbm:s3], $0xF7A  }
0x26: {  	[smem:$0x3F97] =	sst s1;
	(tag) =	ssettag s2;
	_ =	strace s9  }
0x27: {  	s1 =	sld [smem:$0x3FA7]  }
0x28: {  	s2 =	sld [smem:$0x3FA8]  }
0x29: {  	s4 =	sld [smem:$0x3FAA]  }
0x2a: {  	p0 =	seq.s32 s5, $0x0;
	s5 =	sld [smem:$0x3FAB]  }
0x2b: {  	s6 =	sld [smem:$0x3FAC]  }
0x2c: {  	s7 =	sld [smem:$0x3FAD]  }
0x2d: {  	s3 =	simm.s32 $0x108;
	s8 =	sld [smem:$0x3FAE]  }
0x2e: {  	s3 =	simm.s32 @!p0 $0x1082;
	s9 =	sld [smem:$0x3FAF]  }
0x2f: {  	lr =	sadd.s32 s0, s3;
	s0 =	sld [smem:$0x3FA6]  }
0x30: {  	s3 =	sld [smem:$0x3FA9]  }
0x31: {  	[smem:$0x3FB2] =	sst s10  }
0x32: {  	s10 =	sld [smem:$0x3FB0];
	_ =	sdelay $0x3  }
0x33: {  	p0 =	seq.s32 s10, $0x1;
	s10 =	sld [smem:$0x3FB2];
	_ =	sdelay $0x3  }
0x34: {  	[smem:$0x3FB2] =	sst s10  }
0x35: {  	s10 =	sld [smem:$0x3FB1];
	_ =	sdelay $0x3  }
0x36: {  	p1 =	seq.s32 s10, $0x1;
	s10 =	sld [smem:$0x3FB2];
	_ =	sdelay $0x3  }
0x37: {  	[smem:$0x3FB2] =	sst s10  }
0x38: {  	s10 =	sld [smem:$0x3FB3]  }
0x39: {  	_ = 	snop;
	(pc) =	sbr.ind lr, $3  }
0x3a: {  	_ = 	snop  }
0x3b: {  	_ = 	snop  }
0x3c: {  	p2 =	seq.s32 s10, $0x1;
	s10 =	sld [smem:$0x3FB2]  }
0x3d: {  	_ =	shalt  }
0x3e: {  	_ =	shalt  }
0x3f: {  	_ =	shalt  }
0x40: {  	_ =	shalt  }
0x41: {  	_ =	shalt  }
0x42: {  	_ =	shalt  }
0x43: {  	_ =	shalt  }
0x44: {  	_ =	shalt  }
0x45: {  	_ =	shalt  }
0x46: {  	_ =	shalt  }
0x47: {  	_ =	shalt  }
0x48: {  	_ =	shalt  }
0x49: {  	_ =	shalt  }
0x4a: {  	_ =	shalt  }
0x4b: {  	_ =	shalt  }
0x4c: {  	_ =	shalt  }
0x4d: {  	_ =	shalt  }
0x4e: {  	_ =	shalt  }
0x4f: {  	_ =	shalt  }
0x50: {  	_ =	shalt  }
0x51: {  	_ =	shalt  }
0x52: {  	_ =	shalt  }
0x53: {  	_ =	shalt  }
0x54: {  	_ =	shalt  }
0x55: {  	_ =	shalt  }
0x56: {  	_ =	shalt  }
0x57: {  	_ =	shalt  }
0x58: {  	_ =	shalt  }
0x59: {  	_ =	shalt  }
0x5a: {  	_ =	shalt  }
0x5b: {  	_ =	shalt  }
0x5c: {  	_ =	shalt  }
0x5d: {  	_ =	shalt  }
0x5e: {  	_ =	shalt  }
0x5f: {  	_ =	shalt  }
0x60: {  	_ =	shalt  }
0x61: {  	_ =	shalt  }
0x62: {  	_ =	shalt  }
0x63: {  	_ =	shalt  }
0x64: {  	_ =	shalt  }
0x65: {  	_ =	shalt  }
0x66: {  	_ =	shalt  }
0x67: {  	_ =	shalt  }
0x68: {  	_ =	shalt  }
0x69: {  	_ =	shalt  }
0x6a: {  	_ =	shalt  }
0x6b: {  	_ =	shalt  }
0x6c: {  	_ =	shalt  }
0x6d: {  	_ =	shalt  }
0x6e: {  	_ =	shalt  }
0x6f: {  	_ =	shalt  }
0x70: {  	_ =	shalt  }
0x71: {  	_ =	shalt  }
0x72: {  	_ =	shalt  }
0x73: {  	_ =	shalt  }
0x74: {  	_ =	shalt  }
0x75: {  	_ =	shalt  }
0x76: {  	_ =	shalt  }
0x77: {  	_ =	shalt  }
0x78: {  	_ =	shalt  }
0x79: {  	_ =	shalt  }
0x7a: {  	_ =	shalt  }
0x7b: {  	_ =	shalt  }
0x7c: {  	_ =	shalt  }
0x7d: {  	_ =	shalt  }
0x7e: {  	_ =	shalt  }
0x7f: {  	_ =	shalt  }
0x80: {  	_ =	shalt  }
0x81: {  	_ =	shalt  }
0x82: {  	_ =	shalt  }
0x83: {  	_ =	shalt  }
0x84: {  	_ =	shalt  }
0x85: {  	_ =	shalt  }
0x86: {  	_ =	shalt  }
0x87: {  	_ =	shalt  }
.Lfunc_end0:
.L_simem_size_0:
called_computation.1_lowered:
.L_overlay_start_0:
0x88: {  	s2 =	sld [smem:$0x3FD9]  }
0x89: {  	s3 =	sld [smem:$0x3FFE];
	_ =	sdelay $0x1  }
0x8a: {  	s1 =	srdreg.scid  }
0x8b: {  	s0 =	sand.u32 $0x1, s1  }
0x8c: {  	s17 =	sshll.u32 s0, $0xA;
	s2 =	sadd.s32 s3, s2  }
0x8d: {  	s2 =	sadd.s32 s2, s17  }
0x8e: {  	[smem:$0x3FBE] =	sst s2  }
0x8f: {  	_ = 	snop  }
0x90: {  	s2 =	sld [smem:$0x3FD0];
	(tm) =	ssettm $0x1  }
0x91: {  	s18 =	sld [smem:$0x3FFB];
	_ =	sdelay $0x3  }
0x92: {  	_ =	strace s18  }
0x93: {  	s3 =	sld [smem:$0x3FFC];
	_ =	sdelay $0x3  }
0x94: {  	_ =	strace s3  }
0x95: {  	s3 =	sld [smem:$0x3FFD];
	_ =	sdelay $0x3  }
0x96: {  	_ =	strace s3  }
0x97: {  	_ =	strace $0x8FFFFFFF  }
0x98: {  	s19 =	sld [smem:$0x3FDB];
	_ =	sdelay $0x1  }
0x99: {  	s4 =	simm.s32 $_scs_section_size  }
0x9a: {  	s5 =	simm.s32 $_size__tile_overlayer_lowered;
	s6 =	simm.s32 $_tile_overlayer_lowered  }
0x9b: {  	s22 =	simm.s32 $0x1BFF;
	s21 =	sshll.u32 s6, $0x1;
	s3 =	sadd.s32 s4, s19  }
0x9c: {  	s7 =	simm.s32 $0x0;
	s20 =	sshll.u32 s5, $0x1;
	s5 =	sadd.s32 s21, s3  }
0x9d: {  	[timem:s7], [sflag:s22] =	dma.local [hbm:s5], s20  }
0x9e: {  	_ =	swait.ge [sflag:s22], s20  }
0x9f: {  	s4 =	ssub.s32 $0x0, s20;
	[sflag:s22] =	ssyncset.done $0x0  }
0xa0: {  	[sflag:s22] =	ssyncadd.s32 s4;
	_ =	sdelay $0x1  }
0xa1: {  	s23 =	simm.s32 $0x1B8B  }
0xa2: {  	_ =	swait.ge [sflag:s23], $0x1  }
0xa3: {  	[sflag:s23] =	ssyncset.done $0x0  }
0xa4: {  	s25 =	simm.s32 $0x1B8E;
	s24 =	sld [smem:$0x3FFE];
	[sflag:s23] =	ssyncadd.s32 $0xFFFFFFFF  }
0xa5: {  	s26 =	simm.s32 $execute0_lowered;
	[smem:$0x3FD2] =	sst s25  }
0xa6: {  	s5 =	sshll.u32 s26, $0x1;
	_ =	strace $0x80000046;
	[dreg:$0x1] =	wrdreg $0xFFFFFFFF  }
0xa7: {  	s28 =	simm.s32 $_size_execute0_lowered;
	s3 =	sadd.s32 s3, s5;
	[dreg:$0x0] =	wrdreg $0x0  }
0xa8: {  	s5 =	sshll.u32 s28, $0x1;
	[dreg:$0x2] =	wrdreg s3  }
0xa9: {  	[dreg:$0x3] =	wrdreg s5  }
0xaa: {  	[dreg:$0x4] =	wrdreg $0xC0  }
0xab: {  	_ =	task [dreg:s7], $0x5FFFF  }
0xac: {  	[dreg:$0x1] =	wrdreg $0xFFFFFFFF  }
0xad: {  	[dreg:$0x0] =	wrdreg $0x60  }
0xae: {  	[dreg:$0x2] =	wrdreg s24  }
0xaf: {  	[dreg:$0x3] =	wrdreg s2  }
0xb0: {  	[dreg:$0x4] =	wrdreg $0xF7800  }
0xb1: {  	[dreg:$0x5] =	wrdreg $0xA  }
0xb2: {  	_ =	task.clear_ibuf [dreg:s7], $0x6FFFF;
	_ =	strace $0x90000046  }
0xb3: {  	s29 =	simm.s32 $0xA;
	_ =	strace $0x80000048  }
0xb4: {  	_ =	swait.ge [sflag:s29], $0x1  }
0xb5: {  	[sflag:s29] =	ssyncadd.s32 $0xFFFFFFFF  }
0xb6: {  	_ =	strace $0x90000048  }
0xb7: {  	_ =	sfence  }
0xb8: {  	s30 =	sld [smem:$0x0];
	_ =	sdelay $0x2  }
0xb9: {  	s31 =	sshll.u32 s1, $0xD;
	s1 =	sshrl.u32 s1, $0x2  }
0xba: {  	s3 =	sand.u32 $0x4000, s31;
	s1 =	sadd.s32 s1, s30  }
0xbb: {  	s0 =	sor.u32 s3, s0;
	s1 =	sshll.u32 s1, $0x11  }
0xbc: {  	s0 =	sor.u32 s1, s0  }
0xbd: {  	s0 =	sadd.s32 $0x8F2B, s0  }
0xbe: {  	[sflag:s0] =	ssyncadd.remote.s32 $0x1  }
0xbf: {  	_ =	sfence.sel $0xFFFF  }
0xc0: {  	[dreg:$0x0] =	wrdreg $0xFFFFFFFF;
	(pc) =	sbr.abs _section_cstart, $3  }
0xc1: {  	[dreg:$0x1] =	wrdreg $0xFFFFFFFF  }
0xc2: {  	_ =	task.clear_ibuf [dreg:s7], $0x2FFFF;
	_ =	strace $0x9FFFFFFF  }
0xc3: {  	(tm) =	ssettm $0x7FFFFFFF  }
tec
execute0_lowered:
.L_overlay_start_1:
0x0: {  	(tag) =	ssettag $0x1  }
0x1: {  	s0 =	srdreg.scid  }
0x2: {  	s12 =	stileid.u32;
	s1 =	rddreg [dreg:$0x0]  }
0x3: {  	s6 =	rddreg [dreg:$0x1];
	s13 =	simm.s32 $0x7;
	s14 =	simm.s32 $0x2940  }
0x4: {  	s15 =	simm.s32 $0x78;
	s16 =	simm.s32 $0x5280;
	s17 =	simm.s32 $0x9D80  }
0x5: {  	s18 =	simm.s32 $0x7800;
	s20 =	simm.s32 $0xA500;
	s21 =	simm.s32 $0x1  }
0x6: {  	s22 =	simm.s32 $0x3;
	s23 =	simm.s32 $0xAC80;
	s28 =	simm.s32 $0x5  }
0x7: {  	s29 =	simm.s32 $0x6;
	s30 =	simm.s32 $0x0;
	s0 =	sand.u32 $0x1, s0  }
0x8: {  	s2 =	sshll.u32 s12, $0x1;
	s7 =	smul.u32 $0xC800, s12;
	s4 =	sadd.s32 $0x11400, s1  }
0x9: {  	s5 =	sadd.s32 $0xC400, s1;
	s11 =	sadd.s32 $0x2A400, s1;
	s25 =	sshll.u32 s12, $0x6  }
0xa: {  	s3 =	sor.u32 s0, s2;
	s2 =	rddreg [dreg:$0x2];
	s9 =	smul.u32 $0xC8000, s0  }
0xb: {  	s0 =	ssub.s32 $0x2, s0;
	s8 =	smul.u32 $0x528, s3;
	s3 =	simm.s32 $0x0  }
0xc: {  	s24 =	sshrl.u32 s0, $0x1;
	s26 =	sadd.s32 s7, s2;
	[smem:$0x7FF] =	sst s3  }
0xd: {  	s9 =	sadd.s32 s7, s9;
	s0 =	ssub.s32 s0, s24;
	s7 =	sor.u32 $0x1C07, s25  }
0xe: {  	s12 =	sshrl.u32 s26, $0x3;
	s24 =	simm.s32 $0x2;
	s25 =	simm.s32 $0x4  }
0xf: {  	s26 =	simm.s32 $0xD200;
	_ =	strace $0x80000047;
	s10 =	sadd.s32 s8, s1  }
0x10: {  	[dreg:$0x4] =	wrdreg s11;
	s9 =	sshrl.u32 s9, $0x3;
	s6 =	sadd.s32 s6, s8  }
0x11: {  	s1 =	sadd.s32 s9, s1;
	[dreg:$0x5] =	wrdreg s6;
	s31 =	sadd.s32 $0x1E00, s10  }
0x12: {  	s11 =	smax.u32 s0, $0x1;
	[dreg:$0x6] =	wrdreg s31;
	s10 =	sadd.s32 $0x2BE00, s1  }
.LBB2_1:
0x13: {  	s0 =	rddreg [dreg:$0x4]  }
0x14: {  	[spmem:s12], [sflag:s7] =	dma.local [hbm:s0], $0x1900  }
0x15: {  	_ =	swait.ge [sflag:s13], $0x1900  }
0x16: {  	[sflag:s13] =	ssyncset.done $0x0  }
0x17: {  	s8 =	rddreg [dreg:$0x5];
	[sflag:s13] =	ssyncadd.s32 $0xFFFFE700  }
0x18: {  	[tilespmem:s3], [sflag:$0x7] =	stream.linear.gather [hbm4b:s8+s3], $0x2940, $0x38;
	[tilespmem:$0x1BF80] =	vst v63  }
0x19: {  	_ =	swait.ge [sflag:s13], $0x2940  }
0x1a: {  	[sflag:s13] =	ssyncset.done $0x0  }
0x1b: {  	s9 =	rddreg [dreg:$0x6];
	[sflag:s13] =	ssyncadd.s32 $0xFFFFD6C0  }
0x1c: {  	[tilespmem:s14], [sflag:$0x7] =	stream.linear.gather [hbm4b:s9+s3], $0x2940, $0x38;
	[tilespmem:$0x1BF80] =	vst v63  }
0x1d: {  	_ =	swait.ge [sflag:s13], $0x2940  }
0x1e: {  	[sflag:s13] =	ssyncset.done $0x0  }
0x1f: {  	[sflag:s13] =	ssyncadd.s32 $0xFFFFD6C0  }
0x20: {  	[bflag:$0x0] =	sbarrier.arrive $0xFFFF  }
0x21: {  	[tilespmem:s16], [sflag:$0x1] =	stream.indirect.gather [hbm4b:s4+s15], $0x50, s3, s15, $0xb8;
	[tilespmem:$0x1BF80] =	vst v63  }
0x22: {  	_ = 	snop  }
0x23: {  	[tilespmem:s17], [sflag:$0x3] =	stream.indirect.gather [hbm4b:s5+s15], $0x10, s14, s15, $0xb8;
	[tilespmem:$0x1BF80] =	vst v63  }
0x24: {  	_ = 	snop  }
0x25: {  	[tilespmem:s18], [sflag:$0x2] =	stream.indirect.gather [hbm4b:s4+s15], $0x50, s15, s15, $0xb8;
	[tilespmem:$0x1BF80] =	vst v63  }
0x26: {  	s19 =	simm.s32 $0x29B8;
	s31 =	simm.s32 $0x0  }
0x27: {  	[tilespmem:s20], [sflag:$0x4] =	stream.indirect.gather [hbm4b:s5+s15], $0x10, s19, s15, $0xb8;
	[tilespmem:$0x1BF80] =	vst v63  }
.LBB2_2:
0x28: {  	_ =	swait.ge [sflag:s21], $0x2580  }
0x29: {  	[sflag:s21] =	ssyncset.done $0x0  }
0x2a: {  	[sflag:s21] =	ssyncadd.s32 $0xFFFFDA80  }
0x2b: {  	_ =	swait.ge [sflag:s22], $0x780  }
0x2c: {  	p0 =	seq.s32 s31, $0x0;
	[sflag:s22] =	ssyncset.done $0x0  }
0x2d: {  	s0 =	simm.s32 @!p0 $0x5;
	[sflag:s22] =	ssyncadd.s32 $0xFFFFF880  }
0x2e: {  	_ =	swait.ge @!p0 [sflag:s0], $0x2580  }
0x2f: {  	[sflag:s0] =	ssyncset.done @!p0 $0x0  }
0x30: {  	[sflag:s0] =	ssyncadd.s32 @!p0 $0xFFFFDA80;
	s0 =	simm.s32 $0x0  }
0x31: {  	s1 =	simm.s32 $0x9D80;
	s6 =	simm.s32 $0x140;
	v0 =	vld [tilespmem:s0+$0x52C0]  }
.LBB2_3:
0x32: {  	p1 =	sne.s32 s6, $0x94C0;
	v1 =	vld [tilespmem:s1+$0x0];
	_ =	sdelay $0x4  }
0x33: {  	v0 =	vadd.f32 v1, v0;
	_ =	sdelay $0x1  }
0x34: {  	v1 =	vmul.f32 $2.000000030e-01, v0;
	_ =	sdelay $0x1  }
0x35: {  	v0 =	vmax.f32 v0, v1  }
0x36: {  	v0 =	vmul.f32 $1.442695020e+00, v0;
	_ =	sdelay $0x1  }
0x37: {  	(erf) = vpow2.f32 v0;
	_ =	sdelay $0x4  }
0x38: {  	v0 =	vld [tilespmem:s0+$0x5280]  }
0x39: {  	v1 =	vld [tilespmem:s0+$0x5290]  }
0x3a: {  	v2 =	vld [tilespmem:s0+$0x52A0]  }
0x3b: {  	v3 =	vld [tilespmem:s0+$0x52B0]  }
0x3c: {  	v4 =	vpop (erf)  }
0x3d: {  	[tilespmem:s0+$0xACC0] =	vst v4;
	v5 =	vbroadcast v4, $0x0;
	v6 =	vbroadcast v4, $0x1  }
0x3e: {  	v7 =	vbroadcast v4, $0x2;
	v4 =	vbroadcast v4, $0x3  }
0x3f: {  	v0 =	vmul.f32 v5, v0;
	v1 =	vmul.f32 v6, v1  }
.Ltmp0:
0x40: {  	v2 =	vmul.f32 v7, v2;
	v3 =	vmul.f32 v3, v4;
	(pc) =	sbr.rel @p1 .LBB2_3-.Ltmp0, $4  }
0x41: {  	[tilespmem:s0+$0xAC80] =	vst v0  }
0x42: {  	[tilespmem:s0+$0xAC90] =	vst v1  }
0x43: {  	s8 =	sshra.s32 s6, $0x2;
	[tilespmem:s0+$0xACA0] =	vst v2  }
0x44: {  	s6 =	sadd.s32 $0x140, s6;
	s1 =	sadd.s32 $0x10, s1;
	v0 =	vld [tilespmem:s8+$0x52C0];
	[tilespmem:s0+$0xACB0] =	vst v3;
	s0 =	smov.u32 s8  }
0x45: {  	v1 =	vld [tilespmem:s1+$0x0];
	_ =	sdelay $0x4  }
0x46: {  	v0 =	vadd.f32 v1, v0;
	_ =	sdelay $0x1  }
0x47: {  	v1 =	vmul.f32 $2.000000030e-01, v0;
	_ =	sdelay $0x1  }
0x48: {  	v0 =	vmax.f32 v0, v1  }
0x49: {  	v0 =	vmul.f32 $1.442695020e+00, v0;
	_ =	sdelay $0x1  }
0x4a: {  	(erf) = vpow2.f32 v0;
	_ =	sdelay $0x6  }
0x4b: {  	v0 =	vld [tilespmem:s0+$0x5280]  }
0x4c: {  	v1 =	vld [tilespmem:s0+$0x5290]  }
0x4d: {  	v2 =	vld [tilespmem:s0+$0x52A0];
	v3 =	vpop (erf)  }
0x4e: {  	v4 =	vld [tilespmem:s0+$0x52B0];
	v5 =	vbroadcast v3, $0x0  }
0x4f: {  	v6 =	vbroadcast v3, $0x1  }
0x50: {  	v7 =	vbroadcast v3, $0x2;
	v0 =	vmul.f32 v5, v0  }
0x51: {  	[tilespmem:s0+$0xACC0] =	vst v3;
	v3 =	vbroadcast v3, $0x3;
	v1 =	vmul.f32 v6, v1  }
0x52: {  	s19 =	smul.u32 $0x3C0, s31;
	v2 =	vmul.f32 v7, v2;
	[tilespmem:s0+$0xAC80] =	vst v0  }
0x53: {  	v0 =	vmul.f32 v4, v3;
	[tilespmem:s0+$0xAC90] =	vst v1  }
0x54: {  	s1 =	sshra.s32 s19, $0x2;
	[tilespmem:s0+$0xACA0] =	vst v2  }
0x55: {  	s6 =	sadd.s32 $0x2940, s1;
	[tilespmem:s0+$0xACB0] =	vst v0;
	s0 =	smul.u32 $0xF0, s31  }
0x56: {  	[spmem:s2] =	stream.indirect.scatter.add.f32 [tilespmem:s23], [sflag:$0x5], $0x50, s6, s15, $0xb8;
	[tilespmem:$0x1BF80] =	vst v63  }
0x57: {  	p1 =	seq.s32 s31, $0x2B;
	s6 =	sadd.s32 $0xF0, s0  }
0x58: {  	s6 =	simm.s32 @p1 $0x0  }
0x59: {  	[tilespmem:s16], [sflag:$0x1] =	stream.indirect.gather [hbm4b:s4+s15], $0x50, s6, s15, $0xb8;
	[tilespmem:$0x1BF80] =	vst v63  }
0x5a: {  	s6 =	sadd.s32 $0x2940, s6  }
0x5b: {  	[tilespmem:s17], [sflag:$0x3] =	stream.indirect.gather [hbm4b:s5+s15], $0x10, s6, s15, $0xb8;
	[tilespmem:$0x1BF80] =	vst v63  }
0x5c: {  	_ =	swait.ge [sflag:s24], $0x2580  }
0x5d: {  	[sflag:s24] =	ssyncset.done $0x0  }
0x5e: {  	[sflag:s24] =	ssyncadd.s32 $0xFFFFDA80  }
0x5f: {  	_ =	swait.ge [sflag:s25], $0x780  }
0x60: {  	[sflag:s25] =	ssyncset.done $0x0  }
0x61: {  	s6 =	simm.s32 @!p0 $0x6;
	[sflag:s25] =	ssyncadd.s32 $0xFFFFF880  }
0x62: {  	_ =	swait.ge @!p0 [sflag:s6], $0x2580  }
0x63: {  	[sflag:s6] =	ssyncset.done @!p0 $0x0  }
0x64: {  	s19 =	simm.s32 $0x0;
	[sflag:s6] =	ssyncadd.s32 @!p0 $0xFFFFDA80  }
0x65: {  	s8 =	simm.s32 $0x140;
	s6 =	simm.s32 $0xA500;
	v0 =	vld [tilespmem:s19+$0x7840]  }
.LBB2_5:
0x66: {  	p0 =	sne.s32 s8, $0x94C0;
	v1 =	vld [tilespmem:s6+$0x0];
	_ =	sdelay $0x4  }
0x67: {  	v0 =	vadd.f32 v1, v0;
	_ =	sdelay $0x1  }
0x68: {  	v1 =	vmul.f32 $2.000000030e-01, v0;
	_ =	sdelay $0x1  }
0x69: {  	v0 =	vmax.f32 v0, v1  }
0x6a: {  	v0 =	vmul.f32 $1.442695020e+00, v0;
	_ =	sdelay $0x1  }
0x6b: {  	(erf) = vpow2.f32 v0;
	_ =	sdelay $0x4  }
0x6c: {  	v0 =	vld [tilespmem:s19+$0x7800]  }
0x6d: {  	v1 =	vld [tilespmem:s19+$0x7810]  }
0x6e: {  	v2 =	vld [tilespmem:s19+$0x7820]  }
0x6f: {  	v3 =	vld [tilespmem:s19+$0x7830]  }
0x70: {  	v4 =	vpop (erf)  }
0x71: {  	[tilespmem:s19+$0xD240] =	vst v4;
	v5 =	vbroadcast v4, $0x0;
	v6 =	vbroadcast v4, $0x1  }
0x72: {  	v7 =	vbroadcast v4, $0x2;
	v4 =	vbroadcast v4, $0x3  }
0x73: {  	v0 =	vmul.f32 v5, v0;
	v1 =	vmul.f32 v6, v1  }
.Ltmp1:
0x74: {  	v2 =	vmul.f32 v7, v2;
	v3 =	vmul.f32 v3, v4;
	(pc) =	sbr.rel @p0 .LBB2_5-.Ltmp1, $4  }
0x75: {  	[tilespmem:s19+$0xD200] =	vst v0  }
0x76: {  	[tilespmem:s19+$0xD210] =	vst v1  }
0x77: {  	s9 =	sshra.s32 s8, $0x2;
	[tilespmem:s19+$0xD220] =	vst v2  }
0x78: {  	s8 =	sadd.s32 $0x140, s8;
	s6 =	sadd.s32 $0x10, s6;
	v0 =	vld [tilespmem:s9+$0x7840];
	[tilespmem:s19+$0xD230] =	vst v3;
	s19 =	smov.u32 s9  }
0x79: {  	v1 =	vld [tilespmem:s6+$0x0];
	_ =	sdelay $0x4  }
0x7a: {  	v0 =	vadd.f32 v1, v0;
	_ =	sdelay $0x1  }
0x7b: {  	v1 =	vmul.f32 $2.000000030e-01, v0;
	_ =	sdelay $0x1  }
0x7c: {  	v0 =	vmax.f32 v0, v1  }
0x7d: {  	v0 =	vmul.f32 $1.442695020e+00, v0;
	_ =	sdelay $0x1  }
0x7e: {  	(erf) = vpow2.f32 v0;
	_ =	sdelay $0x6  }
0x7f: {  	v61 =	vld [tilespmem:s19+$0x7800]  }
0x80: {  	v62 =	vld [tilespmem:s19+$0x7810]  }
0x81: {  	v2 =	vld [tilespmem:s19+$0x7820];
	v3 =	vpop (erf)  }
0x82: {  	v4 =	vld [tilespmem:s19+$0x7830];
	v5 =	vbroadcast v3, $0x0  }
0x83: {  	v6 =	vbroadcast v3, $0x1  }
0x84: {  	v7 =	vbroadcast v3, $0x2;
	v0 =	vmul.f32 v5, v61  }
0x85: {  	[tilespmem:s19+$0xD240] =	vst v3;
	v3 =	vbroadcast v3, $0x3;
	v1 =	vmul.f32 v6, v62  }
0x86: {  	v2 =	vmul.f32 v7, v2;
	[tilespmem:s19+$0xD200] =	vst v0  }
0x87: {  	v63 =	vmul.f32 v4, v3;
	[tilespmem:s19+$0xD210] =	vst v1  }
0x88: {  	s31 =	sadd.s32 $0x1, s31;
	[tilespmem:s19+$0xD220] =	vst v2  }
0x89: {  	s1 =	sadd.s32 $0x29B8, s1;
	p0 =	sne.s32 s31, $0x2C;
	[tilespmem:s19+$0xD230] =	vst v63  }
0x8a: {  	[spmem:s2] =	stream.indirect.scatter.add.f32 [tilespmem:s26], [sflag:$0x6], $0x50, s1, s15, $0xb8;
	[tilespmem:$0x1BF80] =	vst v63  }
.Ltmp2:
0x8b: {  	s0 =	sadd.s32 $0x168, s0;
	(pc) =	sbr.rel @p0 .LBB2_2-.Ltmp2, $4  }
0x8c: {  	s0 =	simm.s32 @p1 $0x0  }
0x8d: {  	[tilespmem:s18], [sflag:$0x2] =	stream.indirect.gather [hbm4b:s4+s15], $0x50, s0, s15, $0xb8;
	[tilespmem:$0x1BF80] =	vst v63  }
0x8e: {  	s0 =	sadd.s32 $0x2940, s0  }
0x8f: {  	[tilespmem:s20], [sflag:$0x4] =	stream.indirect.gather [hbm4b:s5+s15], $0x10, s0, s15, $0xb8;
	[tilespmem:$0x1BF80] =	vst v63  }
0x90: {  	_ =	swait.ge [sflag:s21], $0x2580  }
0x91: {  	[sflag:s21] =	ssyncset.done $0x0  }
0x92: {  	[sflag:s21] =	ssyncadd.s32 $0xFFFFDA80  }
0x93: {  	_ =	swait.ge [sflag:s22], $0x780  }
0x94: {  	[sflag:s22] =	ssyncset.done $0x0  }
0x95: {  	[sflag:s22] =	ssyncadd.s32 $0xFFFFF880  }
0x96: {  	_ =	swait.ge [sflag:s24], $0x2580  }
0x97: {  	[sflag:s24] =	ssyncset.done $0x0  }
0x98: {  	[sflag:s24] =	ssyncadd.s32 $0xFFFFDA80  }
0x99: {  	_ =	swait.ge [sflag:s25], $0x780  }
0x9a: {  	[sflag:s25] =	ssyncset.done $0x0  }
0x9b: {  	[sflag:s25] =	ssyncadd.s32 $0xFFFFF880  }
0x9c: {  	_ =	swait.ge [sflag:s28], $0x2580  }
0x9d: {  	[sflag:s28] =	ssyncset.done $0x0  }
0x9e: {  	[sflag:s28] =	ssyncadd.s32 $0xFFFFDA80  }
0x9f: {  	_ =	swait.ge [sflag:s29], $0x2580  }
0xa0: {  	s30 =	sadd.s32 $0x1, s30;
	[sflag:s29] =	ssyncset.done $0x0  }
0xa1: {  	p0 =	sne.s32 s30, s11;
	[sflag:s29] =	ssyncadd.s32 $0xFFFFDA80  }
.Ltmp3:
0xa2: {  	[bflag:$0x0] =	sbarrier.arrive $0xFFFF;
	(pc) =	sbr.rel @p0 .LBB2_1-.Ltmp3, $4  }
0xa3: {  	[hbm:s10], [sflag:s7] =	dma.local [spmem:s12], $0x1900  }
0xa4: {  	_ =	swait.ge [sflag:s13], $0x1900  }
0xa5: {  	[sflag:s13] =	ssyncset.done $0x0  }
0xa6: {  	[sflag:s13] =	ssyncadd.s32 $0xFFFFE700  }
0xa7: {  	_ =	sfence.sel $0x180000  }
0xa8: {  	[bflag:$0x0] =	sbarrier.arrive $0xFFFF  }
0xa9: {  	_ =	strace $0x90000047  }
0xaa: {  	s0 =	stileid.u32;
	[bflag:$0x2] =	sbarrier.arrive $0xFFFF  }
0xab: {  	p0 =	sne.s32 s0, $0x0;
	s0 =	rddreg [dreg:$0x3]  }
0xac: {  	s0 =	sadd.s32 @!p0 $0x100000, s0  }
0xad: {  	[sflag:s0] =	ssyncadd.tile.s32 @!p0 $0x1;
	_ =	shalt  }
.Lfunc_end2:
_tile_overlayer_lowered:
.L_overlay_start_2:
0xae: {  	(tag) =	ssettag $0x2  }
0xaf: {  	s0 =	rddreg [dreg:$0x0];
	s2 =	stileid.u32  }
0xb0: {  	s1 =	rddreg [dreg:$0x1];
	p0 =	sne.s32 s2, $0x0  }
0xb1: {  	s3 =	rddreg [dreg:$0x2];
	[bflag:$0x3] =	sbarrier.arrive $0xFFFF;
	s2 =	simm.s32 @!p0 $0x1C07  }
0xb2: {  	[timem:s3], [sflag:s2] =	dma.local @!p0 [hbm:s0], s1  }
0xb3: {  	s0 =	simm.s32 @!p0 $0x7  }
0xb4: {  	_ =	swait.ge @!p0 [sflag:s0], s1  }
0xb5: {  	s1 =	ssub.s32 @!p0 $0x0, s1;
	[sflag:s0] =	ssyncset.done @!p0 $0x0  }
0xb6: {  	[sflag:s0] =	ssyncadd.s32 @!p0 s1  }
0xb7: {  	[bflag:$0x3] =	sbarrier.arrive $0xFFFF  }
0xb8: {  	_ =	shalt  }

// kernel: kernel.14.cloned.1.call-start
scs
__scs_entry_jumppad:
0x0: {  	(pc) =	sbr.rel $0x88, $3  }
0x1: {  	(tag) =	ssettag $0x0;
	lr =	simm.s32 $0x1  }
0x2: {  	[smem:$0x3F97] =	sst lr;
	_ =	strace $0xD0000000  }
0x3: {  	_ = 	snop  }
0x4: {  	_ = 	snop  }
0x5: {  	_ = 	snop  }
0x6: {  	_ = 	snop  }
0x7: {  	_ = 	snop  }
__scs_overlays_trampoline_lowered:
0x8: {  	[smem:$0x3FA6] =	sst s0  }
0x9: {  	[smem:$0x3FA7] =	sst s1  }
0xa: {  	[smem:$0x3FA8] =	sst s2  }
0xb: {  	[smem:$0x3FA9] =	sst s3  }
0xc: {  	[smem:$0x3FAA] =	sst s4  }
0xd: {  	[smem:$0x3FAB] =	sst s5  }
0xe: {  	[smem:$0x3FAC] =	sst s6  }
0xf: {  	[smem:$0x3FAD] =	sst s7  }
0x10: {  	[smem:$0x3FAE] =	sst s8  }
0x11: {  	[smem:$0x3FAF] =	sst s9;
	s0 =	simm.s32 @!p0 $0x0  }
0x12: {  	s1 =	sld [smem:$0x3F95];
	s0 =	simm.s32 @p0 $0x1  }
0x13: {  	[smem:$0x3FB0] =	sst s0;
	s0 =	simm.s32 @!p1 $0x0  }
0x14: {  	s2 =	sld [smem:$0x3F94];
	s0 =	simm.s32 @p1 $0x1  }
0x15: {  	[smem:$0x3FB1] =	sst s0;
	s0 =	simm.s32 @!p2 $0x0  }
0x16: {  	s3 =	sld [smem:$0x3FDB];
	s0 =	simm.s32 @p2 $0x1  }
0x17: {  	s4 =	simm.s32 $0x1BF5;
	[smem:$0x3FB3] =	sst s0  }
0x18: {  	s0 =	sld [smem:$0x3F96];
	_ =	swait.ge [sflag:s4], $0x0  }
0x19: {  	s7 =	sld [smem:$0x3F97]  }
0x1a: {  	s8 =	sadd.s32 $0xFFFFE003, lr  }
0x1b: {  	s9 =	sadd.s32 $0xFFFFFEF7, lr;
	s5 =	simm.s32 $0xFFFFFFFF;
	p2 =	slt.u32 s8, $0xFFFFF086  }
0x1c: {  	p1 =	slt.u32 s9, $0xF7A;
	s5 =	simm.s32 @!p2 $0x0  }
0x1d: {  	s5 =	simm.s32 @p1 $0x1;
	p0 =	seq.s32 s7, s2  }
0x1e: {  	s7 =	smul.u32 @!p0 $0xF7A, s2;
	p2 =	seq.s32 @!p0 s5, $0x0  }
0x1f: {  	s9 =	smul.u32 $0xF7A, s1;
	s8 =	simm.s32 @!p0 $0x1BF5;
	p2 =	por !p2, p0  }
0x20: {  	[sflag:s8] =	ssyncset.s32 @!p0 $0xFFFFF086;
	s6 =	sadd.s32 @!p0 s3, s7;
	s7 =	simm.s32 @!p0 $0x108  }
0x21: {  	s3 =	sadd.s32 s3, s9;
	s6 =	sadd.s32 @!p0 $0x88, s6;
	s7 =	simm.s32 @p2 $0x1082  }
0x22: {  	[simem:s7], [sflag:s8] =	dma.local @!p0 [hbm:s6], $0xF7A  }
0x23: {  	s9 =	sor.u32 $0xD0000000, s2;
	s6 =	simm.s32 $0x108;
	_ =	swait.ge @!p0 [sflag:s8], $0x0  }
0x24: {  	s3 =	sadd.s32 $0x88, s3;
	s6 =	simm.s32 @!p1 $0x1082;
	[sflag:s4] =	ssyncset.s32 $0xFFFFF086  }
0x25: {  	[simem:s6], [sflag:s4] =	dma.local [hbm:s3], $0xF7A  }
0x26: {  	[smem:$0x3F97] =	sst s1;
	(tag) =	ssettag s2;
	_ =	strace s9  }
0x27: {  	s1 =	sld [smem:$0x3FA7]  }
0x28: {  	s2 =	sld [smem:$0x3FA8]  }
0x29: {  	s4 =	sld [smem:$0x3FAA]  }
0x2a: {  	p0 =	seq.s32 s5, $0x0;
	s5 =	sld [smem:$0x3FAB]  }
0x2b: {  	s6 =	sld [smem:$0x3FAC]  }
0x2c: {  	s7 =	sld [smem:$0x3FAD]  }
0x2d: {  	s3 =	simm.s32 $0x108;
	s8 =	sld [smem:$0x3FAE]  }
0x2e: {  	s3 =	simm.s32 @!p0 $0x1082;
	s9 =	sld [smem:$0x3FAF]  }
0x2f: {  	lr =	sadd.s32 s0, s3;
	s0 =	sld [smem:$0x3FA6]  }
0x30: {  	s3 =	sld [smem:$0x3FA9]  }
0x31: {  	[smem:$0x3FB2] =	sst s10  }
0x32: {  	s10 =	sld [smem:$0x3FB0];
	_ =	sdelay $0x3  }
0x33: {  	p0 =	seq.s32 s10, $0x1;
	s10 =	sld [smem:$0x3FB2];
	_ =	sdelay $0x3  }
0x34: {  	[smem:$0x3FB2] =	sst s10  }
0x35: {  	s10 =	sld [smem:$0x3FB1];
	_ =	sdelay $0x3  }
0x36: {  	p1 =	seq.s32 s10, $0x1;
	s10 =	sld [smem:$0x3FB2];
	_ =	sdelay $0x3  }
0x37: {  	[smem:$0x3FB2] =	sst s10  }
0x38: {  	s10 =	sld [smem:$0x3FB3]  }
0x39: {  	_ = 	snop;
	(pc) =	sbr.ind lr, $3  }
0x3a: {  	_ = 	snop  }
0x3b: {  	_ = 	snop  }
0x3c: {  	p2 =	seq.s32 s10, $0x1;
	s10 =	sld [smem:$0x3FB2]  }
0x3d: {  	_ =	shalt  }
0x3e: {  	_ =	shalt  }
0x3f: {  	_ =	shalt  }
0x40: {  	_ =	shalt  }
0x41: {  	_ =	shalt  }
0x42: {  	_ =	shalt  }
0x43: {  	_ =	shalt  }
0x44: {  	_ =	shalt  }
0x45: {  	_ =	shalt  }
0x46: {  	_ =	shalt  }
0x47: {  	_ =	shalt  }
0x48: {  	_ =	shalt  }
0x49: {  	_ =	shalt  }
0x4a: {  	_ =	shalt  }
0x4b: {  	_ =	shalt  }
0x4c: {  	_ =	shalt  }
0x4d: {  	_ =	shalt  }
0x4e: {  	_ =	shalt  }
0x4f: {  	_ =	shalt  }
0x50: {  	_ =	shalt  }
0x51: {  	_ =	shalt  }
0x52: {  	_ =	shalt  }
0x53: {  	_ =	shalt  }
0x54: {  	_ =	shalt  }
0x55: {  	_ =	shalt  }
0x56: {  	_ =	shalt  }
0x57: {  	_ =	shalt  }
0x58: {  	_ =	shalt  }
0x59: {  	_ =	shalt  }
0x5a: {  	_ =	shalt  }
0x5b: {  	_ =	shalt  }
0x5c: {  	_ =	shalt  }
0x5d: {  	_ =	shalt  }
0x5e: {  	_ =	shalt  }
0x5f: {  	_ =	shalt  }
0x60: {  	_ =	shalt  }
0x61: {  	_ =	shalt  }
0x62: {  	_ =	shalt  }
0x63: {  	_ =	shalt  }
0x64: {  	_ =	shalt  }
0x65: {  	_ =	shalt  }
0x66: {  	_ =	shalt  }
0x67: {  	_ =	shalt  }
0x68: {  	_ =	shalt  }
0x69: {  	_ =	shalt  }
0x6a: {  	_ =	shalt  }
0x6b: {  	_ =	shalt  }
0x6c: {  	_ =	shalt  }
0x6d: {  	_ =	shalt  }
0x6e: {  	_ =	shalt  }
0x6f: {  	_ =	shalt  }
0x70: {  	_ =	shalt  }
0x71: {  	_ =	shalt  }
0x72: {  	_ =	shalt  }
0x73: {  	_ =	shalt  }
0x74: {  	_ =	shalt  }
0x75: {  	_ =	shalt  }
0x76: {  	_ =	shalt  }
0x77: {  	_ =	shalt  }
0x78: {  	_ =	shalt  }
0x79: {  	_ =	shalt  }
0x7a: {  	_ =	shalt  }
0x7b: {  	_ =	shalt  }
0x7c: {  	_ =	shalt  }
0x7d: {  	_ =	shalt  }
0x7e: {  	_ =	shalt  }
0x7f: {  	_ =	shalt  }
0x80: {  	_ =	shalt  }
0x81: {  	_ =	shalt  }
0x82: {  	_ =	shalt  }
0x83: {  	_ =	shalt  }
0x84: {  	_ =	shalt  }
0x85: {  	_ =	shalt  }
0x86: {  	_ =	shalt  }
0x87: {  	_ =	shalt  }
.Lfunc_end0:
.L_simem_size_0:
called_computation.2_lowered:
.L_overlay_start_0:
0x88: {  	s2 =	sld [smem:$0x3FD9]  }
0x89: {  	s3 =	sld [smem:$0x3FFE];
	_ =	sdelay $0x1  }
0x8a: {  	s1 =	srdreg.scid  }
0x8b: {  	s0 =	sand.u32 $0x1, s1  }
0x8c: {  	s17 =	sshll.u32 s0, $0xA;
	s2 =	sadd.s32 s3, s2  }
0x8d: {  	s2 =	sadd.s32 s2, s17  }
0x8e: {  	[smem:$0x3FBE] =	sst s2  }
0x8f: {  	_ = 	snop  }
0x90: {  	s2 =	sld [smem:$0x3FD0];
	(tm) =	ssettm $0x1  }
0x91: {  	s18 =	sld [smem:$0x3FFB];
	_ =	sdelay $0x3  }
0x92: {  	_ =	strace s18  }
0x93: {  	s3 =	sld [smem:$0x3FFC];
	_ =	sdelay $0x3  }
0x94: {  	_ =	strace s3  }
0x95: {  	s3 =	sld [smem:$0x3FFD];
	_ =	sdelay $0x3  }
0x96: {  	_ =	strace s3  }
0x97: {  	_ =	strace $0x8FFFFFFF  }
0x98: {  	s19 =	sld [smem:$0x3FDB];
	_ =	sdelay $0x1  }
0x99: {  	s4 =	simm.s32 $_scs_section_size  }
0x9a: {  	s5 =	simm.s32 $_size__tile_overlayer_lowered;
	s6 =	simm.s32 $_tile_overlayer_lowered  }
0x9b: {  	s22 =	simm.s32 $0x1BFF;
	s21 =	sshll.u32 s6, $0x1;
	s3 =	sadd.s32 s4, s19  }
0x9c: {  	s7 =	simm.s32 $0x0;
	s20 =	sshll.u32 s5, $0x1;
	s5 =	sadd.s32 s21, s3  }
0x9d: {  	[timem:s7], [sflag:s22] =	dma.local [hbm:s5], s20  }
0x9e: {  	_ =	swait.ge [sflag:s22], s20  }
0x9f: {  	s4 =	ssub.s32 $0x0, s20;
	[sflag:s22] =	ssyncset.done $0x0  }
0xa0: {  	[sflag:s22] =	ssyncadd.s32 s4;
	_ =	sdelay $0x1  }
0xa1: {  	s23 =	simm.s32 $0x1B8B  }
0xa2: {  	_ =	swait.ge [sflag:s23], $0x1  }
0xa3: {  	[sflag:s23] =	ssyncset.done $0x0  }
0xa4: {  	s25 =	simm.s32 $0x1B8E;
	s24 =	sld [smem:$0x3FFE];
	[sflag:s23] =	ssyncadd.s32 $0xFFFFFFFF  }
0xa5: {  	s26 =	simm.s32 $execute0_lowered;
	[smem:$0x3FD2] =	sst s25  }
0xa6: {  	s5 =	sshll.u32 s26, $0x1;
	_ =	strace $0x8000004C;
	[dreg:$0x1] =	wrdreg $0xFFFFFFFF  }
0xa7: {  	s28 =	simm.s32 $_size_execute0_lowered;
	s3 =	sadd.s32 s3, s5;
	[dreg:$0x0] =	wrdreg $0x0  }
0xa8: {  	s5 =	sshll.u32 s28, $0x1;
	[dreg:$0x2] =	wrdreg s3  }
0xa9: {  	[dreg:$0x3] =	wrdreg s5  }
0xaa: {  	[dreg:$0x4] =	wrdreg $0xC0  }
0xab: {  	_ =	task [dreg:s7], $0x5FFFF  }
0xac: {  	[dreg:$0x1] =	wrdreg $0xFFFFFFFF  }
0xad: {  	[dreg:$0x0] =	wrdreg $0x60  }
0xae: {  	[dreg:$0x2] =	wrdreg s24  }
0xaf: {  	[dreg:$0x3] =	wrdreg s2  }
0xb0: {  	[dreg:$0x4] =	wrdreg $0xF7800  }
0xb1: {  	[dreg:$0x5] =	wrdreg $0x9  }
0xb2: {  	_ =	task.clear_ibuf [dreg:s7], $0x6FFFF;
	_ =	strace $0x9000004C  }
0xb3: {  	s29 =	simm.s32 $0x9;
	_ =	strace $0x8000004E  }
0xb4: {  	_ =	swait.ge [sflag:s29], $0x1  }
0xb5: {  	[sflag:s29] =	ssyncadd.s32 $0xFFFFFFFF  }
0xb6: {  	_ =	strace $0x9000004E  }
0xb7: {  	_ =	sfence  }
0xb8: {  	s30 =	sld [smem:$0x0];
	_ =	sdelay $0x2  }
0xb9: {  	s31 =	sshll.u32 s1, $0xD;
	s1 =	sshrl.u32 s1, $0x2  }
0xba: {  	s3 =	sand.u32 $0x4000, s31;
	s1 =	sadd.s32 s1, s30  }
0xbb: {  	s0 =	sor.u32 s3, s0;
	s1 =	sshll.u32 s1, $0x11  }
0xbc: {  	s0 =	sor.u32 s1, s0  }
0xbd: {  	s0 =	sadd.s32 $0x8F2B, s0  }
0xbe: {  	[sflag:s0] =	ssyncadd.remote.s32 $0x1  }
0xbf: {  	_ =	sfence.sel $0xFFFF  }
0xc0: {  	[dreg:$0x0] =	wrdreg $0xFFFFFFFF;
	(pc) =	sbr.abs _section_cstart, $3  }
0xc1: {  	[dreg:$0x1] =	wrdreg $0xFFFFFFFF  }
0xc2: {  	_ =	task.clear_ibuf [dreg:s7], $0x2FFFF;
	_ =	strace $0x9FFFFFFF  }
0xc3: {  	(tm) =	ssettm $0x7FFFFFFF  }
tec
execute0_lowered:
.L_overlay_start_1:
0x0: {  	(tag) =	ssettag $0x1  }
0x1: {  	s0 =	srdreg.scid  }
0x2: {  	s12 =	stileid.u32;
	s1 =	rddreg [dreg:$0x0]  }
0x3: {  	s6 =	rddreg [dreg:$0x1];
	s13 =	simm.s32 $0x7;
	s14 =	simm.s32 $0x2940  }
0x4: {  	s15 =	simm.s32 $0x78;
	s16 =	simm.s32 $0x5280;
	s17 =	simm.s32 $0x9D80  }
0x5: {  	s18 =	simm.s32 $0x7800;
	s20 =	simm.s32 $0xA500;
	s21 =	simm.s32 $0x1  }
0x6: {  	s22 =	simm.s32 $0x3;
	s23 =	simm.s32 $0xAC80;
	s28 =	simm.s32 $0x5  }
0x7: {  	s29 =	simm.s32 $0x6;
	s30 =	simm.s32 $0x0;
	s0 =	sand.u32 $0x1, s0  }
0x8: {  	s2 =	sshll.u32 s12, $0x1;
	s7 =	smul.u32 $0xC800, s12;
	s4 =	sadd.s32 $0xC400, s1  }
0x9: {  	s5 =	sadd.s32 $0x25400, s1;
	s11 =	sadd.s32 $0x2A400, s1;
	s25 =	sshll.u32 s12, $0x6  }
0xa: {  	s3 =	sor.u32 s0, s2;
	s2 =	rddreg [dreg:$0x2];
	s9 =	smul.u32 $0xC8000, s0  }
0xb: {  	s0 =	ssub.s32 $0x2, s0;
	s8 =	smul.u32 $0x528, s3;
	s3 =	simm.s32 $0x0  }
0xc: {  	s24 =	sshrl.u32 s0, $0x1;
	s26 =	sadd.s32 s7, s2;
	[smem:$0x7FF] =	sst s3  }
0xd: {  	s9 =	sadd.s32 s7, s9;
	s0 =	ssub.s32 s0, s24;
	s7 =	sor.u32 $0x1C07, s25  }
0xe: {  	s12 =	sshrl.u32 s26, $0x3;
	s24 =	simm.s32 $0x2;
	s25 =	simm.s32 $0x4  }
0xf: {  	s26 =	simm.s32 $0xD200;
	_ =	strace $0x8000004D;
	s10 =	sadd.s32 s8, s1  }
0x10: {  	[dreg:$0x4] =	wrdreg s11;
	s9 =	sshrl.u32 s9, $0x3;
	s6 =	sadd.s32 s6, s8  }
0x11: {  	s1 =	sadd.s32 s9, s1;
	[dreg:$0x5] =	wrdreg s6;
	s31 =	sadd.s32 $0x1E00, s10  }
0x12: {  	s11 =	smax.u32 s0, $0x1;
	[dreg:$0x6] =	wrdreg s31;
	s10 =	sadd.s32 $0x2BE00, s1  }
.LBB2_1:
0x13: {  	s0 =	rddreg [dreg:$0x4]  }
0x14: {  	[spmem:s12], [sflag:s7] =	dma.local [hbm:s0], $0x1900  }
0x15: {  	_ =	swait.ge [sflag:s13], $0x1900  }
0x16: {  	[sflag:s13] =	ssyncset.done $0x0  }
0x17: {  	s8 =	rddreg [dreg:$0x5];
	[sflag:s13] =	ssyncadd.s32 $0xFFFFE700  }
0x18: {  	[tilespmem:s3], [sflag:$0x7] =	stream.linear.gather [hbm4b:s8+s3], $0x2940, $0x38;
	[tilespmem:$0x1BF80] =	vst v63  }
0x19: {  	_ =	swait.ge [sflag:s13], $0x2940  }
0x1a: {  	[sflag:s13] =	ssyncset.done $0x0  }
0x1b: {  	s9 =	rddreg [dreg:$0x6];
	[sflag:s13] =	ssyncadd.s32 $0xFFFFD6C0  }
0x1c: {  	[tilespmem:s14], [sflag:$0x7] =	stream.linear.gather [hbm4b:s9+s3], $0x2940, $0x38;
	[tilespmem:$0x1BF80] =	vst v63  }
0x1d: {  	_ =	swait.ge [sflag:s13], $0x2940  }
0x1e: {  	[sflag:s13] =	ssyncset.done $0x0  }
0x1f: {  	[sflag:s13] =	ssyncadd.s32 $0xFFFFD6C0  }
0x20: {  	[bflag:$0x0] =	sbarrier.arrive $0xFFFF  }
0x21: {  	[tilespmem:s16], [sflag:$0x1] =	stream.indirect.gather [hbm4b:s4+s15], $0x50, s3, s15, $0xb8;
	[tilespmem:$0x1BF80] =	vst v63  }
0x22: {  	_ = 	snop  }
0x23: {  	[tilespmem:s17], [sflag:$0x3] =	stream.indirect.gather [hbm4b:s5+s15], $0x10, s14, s15, $0xb8;
	[tilespmem:$0x1BF80] =	vst v63  }
0x24: {  	_ = 	snop  }
0x25: {  	[tilespmem:s18], [sflag:$0x2] =	stream.indirect.gather [hbm4b:s4+s15], $0x50, s15, s15, $0xb8;
	[tilespmem:$0x1BF80] =	vst v63  }
0x26: {  	s19 =	simm.s32 $0x29B8;
	s31 =	simm.s32 $0x0  }
0x27: {  	[tilespmem:s20], [sflag:$0x4] =	stream.indirect.gather [hbm4b:s5+s15], $0x10, s19, s15, $0xb8;
	[tilespmem:$0x1BF80] =	vst v63  }
.LBB2_2:
0x28: {  	_ =	swait.ge [sflag:s21], $0x2580  }
0x29: {  	[sflag:s21] =	ssyncset.done $0x0  }
0x2a: {  	[sflag:s21] =	ssyncadd.s32 $0xFFFFDA80  }
0x2b: {  	_ =	swait.ge [sflag:s22], $0x780  }
0x2c: {  	p0 =	seq.s32 s31, $0x0;
	[sflag:s22] =	ssyncset.done $0x0  }
0x2d: {  	s0 =	simm.s32 @!p0 $0x5;
	[sflag:s22] =	ssyncadd.s32 $0xFFFFF880  }
0x2e: {  	_ =	swait.ge @!p0 [sflag:s0], $0x2580  }
0x2f: {  	[sflag:s0] =	ssyncset.done @!p0 $0x0  }
0x30: {  	[sflag:s0] =	ssyncadd.s32 @!p0 $0xFFFFDA80;
	s0 =	simm.s32 $0x0  }
0x31: {  	s1 =	simm.s32 $0x9D80;
	s6 =	simm.s32 $0x140;
	v0 =	vld [tilespmem:s0+$0x52C0]  }
.LBB2_3:
0x32: {  	p1 =	sne.s32 s6, $0x94C0;
	v1 =	vld [tilespmem:s1+$0x0];
	_ =	sdelay $0x4  }
0x33: {  	v0 =	vadd.f32 v1, v0;
	_ =	sdelay $0x1  }
0x34: {  	v1 =	vmul.f32 $2.000000030e-01, v0;
	_ =	sdelay $0x1  }
0x35: {  	v0 =	vmax.f32 v0, v1  }
0x36: {  	v0 =	vmul.f32 $1.442695020e+00, v0;
	_ =	sdelay $0x1  }
0x37: {  	(erf) = vpow2.f32 v0;
	_ =	sdelay $0x4  }
0x38: {  	v0 =	vld [tilespmem:s0+$0x5280]  }
0x39: {  	v1 =	vld [tilespmem:s0+$0x5290]  }
0x3a: {  	v2 =	vld [tilespmem:s0+$0x52A0]  }
0x3b: {  	v3 =	vld [tilespmem:s0+$0x52B0]  }
0x3c: {  	v4 =	vpop (erf)  }
0x3d: {  	[tilespmem:s0+$0xACC0] =	vst v4;
	v4 =	vbroadcast v4, $0x0;
	_ =	sdelay $0x1  }
0x3e: {  	v0 =	vmul.f32 v4, v0;
	v1 =	vmul.f32 v4, v1  }
.Ltmp0:
0x3f: {  	v2 =	vmul.f32 v4, v2;
	v3 =	vmul.f32 v3, v4;
	(pc) =	sbr.rel @p1 .LBB2_3-.Ltmp0, $4  }
0x40: {  	[tilespmem:s0+$0xAC80] =	vst v0  }
0x41: {  	[tilespmem:s0+$0xAC90] =	vst v1  }
0x42: {  	s8 =	sshra.s32 s6, $0x2;
	[tilespmem:s0+$0xACA0] =	vst v2  }
0x43: {  	s6 =	sadd.s32 $0x140, s6;
	s1 =	sadd.s32 $0x10, s1;
	v0 =	vld [tilespmem:s8+$0x52C0];
	[tilespmem:s0+$0xACB0] =	vst v3;
	s0 =	smov.u32 s8  }
0x44: {  	v1 =	vld [tilespmem:s1+$0x0];
	_ =	sdelay $0x4  }
0x45: {  	v0 =	vadd.f32 v1, v0;
	_ =	sdelay $0x1  }
0x46: {  	v1 =	vmul.f32 $2.000000030e-01, v0;
	_ =	sdelay $0x1  }
0x47: {  	v0 =	vmax.f32 v0, v1  }
0x48: {  	v0 =	vmul.f32 $1.442695020e+00, v0;
	_ =	sdelay $0x1  }
0x49: {  	(erf) = vpow2.f32 v0;
	_ =	sdelay $0x6  }
0x4a: {  	v0 =	vld [tilespmem:s0+$0x5280]  }
0x4b: {  	v1 =	vld [tilespmem:s0+$0x5290]  }
0x4c: {  	v2 =	vld [tilespmem:s0+$0x52A0];
	v3 =	vpop (erf)  }
0x4d: {  	v4 =	vld [tilespmem:s0+$0x52B0];
	v5 =	vbroadcast v3, $0x0;
	_ =	sdelay $0x1  }
0x4e: {  	v0 =	vmul.f32 v5, v0  }
0x4f: {  	[tilespmem:s0+$0xACC0] =	vst v3;
	v1 =	vmul.f32 v5, v1  }
0x50: {  	s19 =	smul.u32 $0x3C0, s31;
	v2 =	vmul.f32 v5, v2;
	[tilespmem:s0+$0xAC80] =	vst v0  }
0x51: {  	v0 =	vmul.f32 v4, v5;
	[tilespmem:s0+$0xAC90] =	vst v1  }
0x52: {  	s1 =	sshra.s32 s19, $0x2;
	[tilespmem:s0+$0xACA0] =	vst v2  }
0x53: {  	s6 =	sadd.s32 $0x2940, s1;
	[tilespmem:s0+$0xACB0] =	vst v0;
	s0 =	smul.u32 $0xF0, s31  }
0x54: {  	[spmem:s2] =	stream.indirect.scatter.add.f32 [tilespmem:s23], [sflag:$0x5], $0x50, s6, s15, $0xb8;
	[tilespmem:$0x1BF80] =	vst v63  }
0x55: {  	p1 =	seq.s32 s31, $0x2B;
	s6 =	sadd.s32 $0xF0, s0  }
0x56: {  	s6 =	simm.s32 @p1 $0x0  }
0x57: {  	[tilespmem:s16], [sflag:$0x1] =	stream.indirect.gather [hbm4b:s4+s15], $0x50, s6, s15, $0xb8;
	[tilespmem:$0x1BF80] =	vst v63  }
0x58: {  	s6 =	sadd.s32 $0x2940, s6  }
0x59: {  	[tilespmem:s17], [sflag:$0x3] =	stream.indirect.gather [hbm4b:s5+s15], $0x10, s6, s15, $0xb8;
	[tilespmem:$0x1BF80] =	vst v63  }
0x5a: {  	_ =	swait.ge [sflag:s24], $0x2580  }
0x5b: {  	[sflag:s24] =	ssyncset.done $0x0  }
0x5c: {  	[sflag:s24] =	ssyncadd.s32 $0xFFFFDA80  }
0x5d: {  	_ =	swait.ge [sflag:s25], $0x780  }
0x5e: {  	[sflag:s25] =	ssyncset.done $0x0  }
0x5f: {  	s6 =	simm.s32 @!p0 $0x6;
	[sflag:s25] =	ssyncadd.s32 $0xFFFFF880  }
0x60: {  	_ =	swait.ge @!p0 [sflag:s6], $0x2580  }
0x61: {  	[sflag:s6] =	ssyncset.done @!p0 $0x0  }
0x62: {  	s19 =	simm.s32 $0x0;
	[sflag:s6] =	ssyncadd.s32 @!p0 $0xFFFFDA80  }
0x63: {  	s8 =	simm.s32 $0x140;
	s6 =	simm.s32 $0xA500;
	v0 =	vld [tilespmem:s19+$0x7840]  }
.LBB2_5:
0x64: {  	p0 =	sne.s32 s8, $0x94C0;
	v1 =	vld [tilespmem:s6+$0x0];
	_ =	sdelay $0x4  }
0x65: {  	v0 =	vadd.f32 v1, v0;
	_ =	sdelay $0x1  }
0x66: {  	v1 =	vmul.f32 $2.000000030e-01, v0;
	_ =	sdelay $0x1  }
0x67: {  	v0 =	vmax.f32 v0, v1  }
0x68: {  	v0 =	vmul.f32 $1.442695020e+00, v0;
	_ =	sdelay $0x1  }
0x69: {  	(erf) = vpow2.f32 v0;
	_ =	sdelay $0x4  }
0x6a: {  	v0 =	vld [tilespmem:s19+$0x7800]  }
0x6b: {  	v1 =	vld [tilespmem:s19+$0x7810]  }
0x6c: {  	v2 =	vld [tilespmem:s19+$0x7820]  }
0x6d: {  	v3 =	vld [tilespmem:s19+$0x7830]  }
0x6e: {  	v4 =	vpop (erf)  }
0x6f: {  	[tilespmem:s19+$0xD240] =	vst v4;
	v4 =	vbroadcast v4, $0x0;
	_ =	sdelay $0x1  }
0x70: {  	v0 =	vmul.f32 v4, v0;
	v1 =	vmul.f32 v4, v1  }
.Ltmp1:
0x71: {  	v2 =	vmul.f32 v4, v2;
	v3 =	vmul.f32 v3, v4;
	(pc) =	sbr.rel @p0 .LBB2_5-.Ltmp1, $4  }
0x72: {  	[tilespmem:s19+$0xD200] =	vst v0  }
0x73: {  	[tilespmem:s19+$0xD210] =	vst v1  }
0x74: {  	s9 =	sshra.s32 s8, $0x2;
	[tilespmem:s19+$0xD220] =	vst v2  }
0x75: {  	s8 =	sadd.s32 $0x140, s8;
	s6 =	sadd.s32 $0x10, s6;
	v0 =	vld [tilespmem:s9+$0x7840];
	[tilespmem:s19+$0xD230] =	vst v3;
	s19 =	smov.u32 s9  }
0x76: {  	v1 =	vld [tilespmem:s6+$0x0];
	_ =	sdelay $0x4  }
0x77: {  	v0 =	vadd.f32 v1, v0;
	_ =	sdelay $0x1  }
0x78: {  	v1 =	vmul.f32 $2.000000030e-01, v0;
	_ =	sdelay $0x1  }
0x79: {  	v0 =	vmax.f32 v0, v1  }
0x7a: {  	v0 =	vmul.f32 $1.442695020e+00, v0;
	_ =	sdelay $0x1  }
0x7b: {  	(erf) = vpow2.f32 v0;
	_ =	sdelay $0x6  }
0x7c: {  	v61 =	vld [tilespmem:s19+$0x7800]  }
0x7d: {  	v62 =	vld [tilespmem:s19+$0x7810]  }
0x7e: {  	v2 =	vld [tilespmem:s19+$0x7820];
	v3 =	vpop (erf)  }
0x7f: {  	v4 =	vld [tilespmem:s19+$0x7830];
	v5 =	vbroadcast v3, $0x0;
	_ =	sdelay $0x1  }
0x80: {  	v0 =	vmul.f32 v5, v61  }
0x81: {  	[tilespmem:s19+$0xD240] =	vst v3;
	v1 =	vmul.f32 v5, v62  }
0x82: {  	v2 =	vmul.f32 v5, v2;
	[tilespmem:s19+$0xD200] =	vst v0  }
0x83: {  	v63 =	vmul.f32 v4, v5;
	[tilespmem:s19+$0xD210] =	vst v1  }
0x84: {  	s31 =	sadd.s32 $0x1, s31;
	[tilespmem:s19+$0xD220] =	vst v2  }
0x85: {  	s1 =	sadd.s32 $0x29B8, s1;
	p0 =	sne.s32 s31, $0x2C;
	[tilespmem:s19+$0xD230] =	vst v63  }
0x86: {  	[spmem:s2] =	stream.indirect.scatter.add.f32 [tilespmem:s26], [sflag:$0x6], $0x50, s1, s15, $0xb8;
	[tilespmem:$0x1BF80] =	vst v63  }
.Ltmp2:
0x87: {  	s0 =	sadd.s32 $0x168, s0;
	(pc) =	sbr.rel @p0 .LBB2_2-.Ltmp2, $4  }
0x88: {  	s0 =	simm.s32 @p1 $0x0  }
0x89: {  	[tilespmem:s18], [sflag:$0x2] =	stream.indirect.gather [hbm4b:s4+s15], $0x50, s0, s15, $0xb8;
	[tilespmem:$0x1BF80] =	vst v63  }
0x8a: {  	s0 =	sadd.s32 $0x2940, s0  }
0x8b: {  	[tilespmem:s20], [sflag:$0x4] =	stream.indirect.gather [hbm4b:s5+s15], $0x10, s0, s15, $0xb8;
	[tilespmem:$0x1BF80] =	vst v63  }
0x8c: {  	_ =	swait.ge [sflag:s21], $0x2580  }
0x8d: {  	[sflag:s21] =	ssyncset.done $0x0  }
0x8e: {  	[sflag:s21] =	ssyncadd.s32 $0xFFFFDA80  }
0x8f: {  	_ =	swait.ge [sflag:s22], $0x780  }
0x90: {  	[sflag:s22] =	ssyncset.done $0x0  }
0x91: {  	[sflag:s22] =	ssyncadd.s32 $0xFFFFF880  }
0x92: {  	_ =	swait.ge [sflag:s24], $0x2580  }
0x93: {  	[sflag:s24] =	ssyncset.done $0x0  }
0x94: {  	[sflag:s24] =	ssyncadd.s32 $0xFFFFDA80  }
0x95: {  	_ =	swait.ge [sflag:s25], $0x780  }
0x96: {  	[sflag:s25] =	ssyncset.done $0x0  }
0x97: {  	[sflag:s25] =	ssyncadd.s32 $0xFFFFF880  }
0x98: {  	_ =	swait.ge [sflag:s28], $0x2580  }
0x99: {  	[sflag:s28] =	ssyncset.done $0x0  }
0x9a: {  	[sflag:s28] =	ssyncadd.s32 $0xFFFFDA80  }
0x9b: {  	_ =	swait.ge [sflag:s29], $0x2580  }
0x9c: {  	s30 =	sadd.s32 $0x1, s30;
	[sflag:s29] =	ssyncset.done $0x0  }
0x9d: {  	p0 =	sne.s32 s30, s11;
	[sflag:s29] =	ssyncadd.s32 $0xFFFFDA80  }
.Ltmp3:
0x9e: {  	[bflag:$0x0] =	sbarrier.arrive $0xFFFF;
	(pc) =	sbr.rel @p0 .LBB2_1-.Ltmp3, $4  }
0x9f: {  	[hbm:s10], [sflag:s7] =	dma.local [spmem:s12], $0x1900  }
0xa0: {  	_ =	swait.ge [sflag:s13], $0x1900  }
0xa1: {  	[sflag:s13] =	ssyncset.done $0x0  }
0xa2: {  	[sflag:s13] =	ssyncadd.s32 $0xFFFFE700  }
0xa3: {  	_ =	sfence.sel $0x180000  }
0xa4: {  	[bflag:$0x0] =	sbarrier.arrive $0xFFFF  }
0xa5: {  	_ =	strace $0x9000004D  }
0xa6: {  	s0 =	stileid.u32;
	[bflag:$0x2] =	sbarrier.arrive $0xFFFF  }
0xa7: {  	p0 =	sne.s32 s0, $0x0;
	s0 =	rddreg [dreg:$0x3]  }
0xa8: {  	s0 =	sadd.s32 @!p0 $0x100000, s0  }
0xa9: {  	[sflag:s0] =	ssyncadd.tile.s32 @!p0 $0x1;
	_ =	shalt  }
.Lfunc_end2:
_tile_overlayer_lowered:
.L_overlay_start_2:
0xaa: {  	(tag) =	ssettag $0x2  }
0xab: {  	s0 =	rddreg [dreg:$0x0];
	s2 =	stileid.u32  }
0xac: {  	s1 =	rddreg [dreg:$0x1];
	p0 =	sne.s32 s2, $0x0  }
0xad: {  	s3 =	rddreg [dreg:$0x2];
	[bflag:$0x3] =	sbarrier.arrive $0xFFFF;
	s2 =	simm.s32 @!p0 $0x1C07  }
0xae: {  	[timem:s3], [sflag:s2] =	dma.local @!p0 [hbm:s0], s1  }
0xaf: {  	s0 =	simm.s32 @!p0 $0x7  }
0xb0: {  	_ =	swait.ge @!p0 [sflag:s0], s1  }
0xb1: {  	s1 =	ssub.s32 @!p0 $0x0, s1;
	[sflag:s0] =	ssyncset.done @!p0 $0x0  }
0xb2: {  	[sflag:s0] =	ssyncadd.s32 @!p0 s1  }
0xb3: {  	[bflag:$0x3] =	sbarrier.arrive $0xFFFF  }
0xb4: {  	_ =	shalt  }

// kernel: kernel.8.cloned.1.call-start
scs
__scs_entry_jumppad:
0x0: {  	(pc) =	sbr.rel $0x88, $3  }
0x1: {  	(tag) =	ssettag $0x0;
	lr =	simm.s32 $0x1  }
0x2: {  	[smem:$0x3F97] =	sst lr;
	_ =	strace $0xD0000000  }
0x3: {  	_ = 	snop  }
0x4: {  	_ = 	snop  }
0x5: {  	_ = 	snop  }
0x6: {  	_ = 	snop  }
0x7: {  	_ = 	snop  }
__scs_overlays_trampoline_lowered:
0x8: {  	[smem:$0x3FA6] =	sst s0  }
0x9: {  	[smem:$0x3FA7] =	sst s1  }
0xa: {  	[smem:$0x3FA8] =	sst s2  }
0xb: {  	[smem:$0x3FA9] =	sst s3  }
0xc: {  	[smem:$0x3FAA] =	sst s4  }
0xd: {  	[smem:$0x3FAB] =	sst s5  }
0xe: {  	[smem:$0x3FAC] =	sst s6  }
0xf: {  	[smem:$0x3FAD] =	sst s7  }
0x10: {  	[smem:$0x3FAE] =	sst s8  }
0x11: {  	[smem:$0x3FAF] =	sst s9;
	s0 =	simm.s32 @!p0 $0x0  }
0x12: {  	s1 =	sld [smem:$0x3F95];
	s0 =	simm.s32 @p0 $0x1  }
0x13: {  	[smem:$0x3FB0] =	sst s0;
	s0 =	simm.s32 @!p1 $0x0  }
0x14: {  	s2 =	sld [smem:$0x3F94];
	s0 =	simm.s32 @p1 $0x1  }
0x15: {  	[smem:$0x3FB1] =	sst s0;
	s0 =	simm.s32 @!p2 $0x0  }
0x16: {  	s3 =	sld [smem:$0x3FDB];
	s0 =	simm.s32 @p2 $0x1  }
0x17: {  	s4 =	simm.s32 $0x1BF5;
	[smem:$0x3FB3] =	sst s0  }
0x18: {  	s0 =	sld [smem:$0x3F96];
	_ =	swait.ge [sflag:s4], $0x0  }
0x19: {  	s7 =	sld [smem:$0x3F97]  }
0x1a: {  	s8 =	sadd.s32 $0xFFFFE003, lr  }
0x1b: {  	s9 =	sadd.s32 $0xFFFFFEF7, lr;
	s5 =	simm.s32 $0xFFFFFFFF;
	p2 =	slt.u32 s8, $0xFFFFF086  }
0x1c: {  	p1 =	slt.u32 s9, $0xF7A;
	s5 =	simm.s32 @!p2 $0x0  }
0x1d: {  	s5 =	simm.s32 @p1 $0x1;
	p0 =	seq.s32 s7, s2  }
0x1e: {  	s7 =	smul.u32 @!p0 $0xF7A, s2;
	p2 =	seq.s32 @!p0 s5, $0x0  }
0x1f: {  	s9 =	smul.u32 $0xF7A, s1;
	s8 =	simm.s32 @!p0 $0x1BF5;
	p2 =	por !p2, p0  }
0x20: {  	[sflag:s8] =	ssyncset.s32 @!p0 $0xFFFFF086;
	s6 =	sadd.s32 @!p0 s3, s7;
	s7 =	simm.s32 @!p0 $0x108  }
0x21: {  	s3 =	sadd.s32 s3, s9;
	s6 =	sadd.s32 @!p0 $0x88, s6;
	s7 =	simm.s32 @p2 $0x1082  }
0x22: {  	[simem:s7], [sflag:s8] =	dma.local @!p0 [hbm:s6], $0xF7A  }
0x23: {  	s9 =	sor.u32 $0xD0000000, s2;
	s6 =	simm.s32 $0x108;
	_ =	swait.ge @!p0 [sflag:s8], $0x0  }
0x24: {  	s3 =	sadd.s32 $0x88, s3;
	s6 =	simm.s32 @!p1 $0x1082;
	[sflag:s4] =	ssyncset.s32 $0xFFFFF086  }
0x25: {  	[simem:s6], [sflag:s4] =	dma.local [hbm:s3], $0xF7A  }
0x26: {  	[smem:$0x3F97] =	sst s1;
	(tag) =	ssettag s2;
	_ =	strace s9  }
0x27: {  	s1 =	sld [smem:$0x3FA7]  }
0x28: {  	s2 =	sld [smem:$0x3FA8]  }
0x29: {  	s4 =	sld [smem:$0x3FAA]  }
0x2a: {  	p0 =	seq.s32 s5, $0x0;
	s5 =	sld [smem:$0x3FAB]  }
0x2b: {  	s6 =	sld [smem:$0x3FAC]  }
0x2c: {  	s7 =	sld [smem:$0x3FAD]  }
0x2d: {  	s3 =	simm.s32 $0x108;
	s8 =	sld [smem:$0x3FAE]  }
0x2e: {  	s3 =	simm.s32 @!p0 $0x1082;
	s9 =	sld [smem:$0x3FAF]  }
0x2f: {  	lr =	sadd.s32 s0, s3;
	s0 =	sld [smem:$0x3FA6]  }
0x30: {  	s3 =	sld [smem:$0x3FA9]  }
0x31: {  	[smem:$0x3FB2] =	sst s10  }
0x32: {  	s10 =	sld [smem:$0x3FB0];
	_ =	sdelay $0x3  }
0x33: {  	p0 =	seq.s32 s10, $0x1;
	s10 =	sld [smem:$0x3FB2];
	_ =	sdelay $0x3  }
0x34: {  	[smem:$0x3FB2] =	sst s10  }
0x35: {  	s10 =	sld [smem:$0x3FB1];
	_ =	sdelay $0x3  }
0x36: {  	p1 =	seq.s32 s10, $0x1;
	s10 =	sld [smem:$0x3FB2];
	_ =	sdelay $0x3  }
0x37: {  	[smem:$0x3FB2] =	sst s10  }
0x38: {  	s10 =	sld [smem:$0x3FB3]  }
0x39: {  	_ = 	snop;
	(pc) =	sbr.ind lr, $3  }
0x3a: {  	_ = 	snop  }
0x3b: {  	_ = 	snop  }
0x3c: {  	p2 =	seq.s32 s10, $0x1;
	s10 =	sld [smem:$0x3FB2]  }
0x3d: {  	_ =	shalt  }
0x3e: {  	_ =	shalt  }
0x3f: {  	_ =	shalt  }
0x40: {  	_ =	shalt  }
0x41: {  	_ =	shalt  }
0x42: {  	_ =	shalt  }
0x43: {  	_ =	shalt  }
0x44: {  	_ =	shalt  }
0x45: {  	_ =	shalt  }
0x46: {  	_ =	shalt  }
0x47: {  	_ =	shalt  }
0x48: {  	_ =	shalt  }
0x49: {  	_ =	shalt  }
0x4a: {  	_ =	shalt  }
0x4b: {  	_ =	shalt  }
0x4c: {  	_ =	shalt  }
0x4d: {  	_ =	shalt  }
0x4e: {  	_ =	shalt  }
0x4f: {  	_ =	shalt  }
0x50: {  	_ =	shalt  }
0x51: {  	_ =	shalt  }
0x52: {  	_ =	shalt  }
0x53: {  	_ =	shalt  }
0x54: {  	_ =	shalt  }
0x55: {  	_ =	shalt  }
0x56: {  	_ =	shalt  }
0x57: {  	_ =	shalt  }
0x58: {  	_ =	shalt  }
0x59: {  	_ =	shalt  }
0x5a: {  	_ =	shalt  }
0x5b: {  	_ =	shalt  }
0x5c: {  	_ =	shalt  }
0x5d: {  	_ =	shalt  }
0x5e: {  	_ =	shalt  }
0x5f: {  	_ =	shalt  }
0x60: {  	_ =	shalt  }
0x61: {  	_ =	shalt  }
0x62: {  	_ =	shalt  }
0x63: {  	_ =	shalt  }
0x64: {  	_ =	shalt  }
0x65: {  	_ =	shalt  }
0x66: {  	_ =	shalt  }
0x67: {  	_ =	shalt  }
0x68: {  	_ =	shalt  }
0x69: {  	_ =	shalt  }
0x6a: {  	_ =	shalt  }
0x6b: {  	_ =	shalt  }
0x6c: {  	_ =	shalt  }
0x6d: {  	_ =	shalt  }
0x6e: {  	_ =	shalt  }
0x6f: {  	_ =	shalt  }
0x70: {  	_ =	shalt  }
0x71: {  	_ =	shalt  }
0x72: {  	_ =	shalt  }
0x73: {  	_ =	shalt  }
0x74: {  	_ =	shalt  }
0x75: {  	_ =	shalt  }
0x76: {  	_ =	shalt  }
0x77: {  	_ =	shalt  }
0x78: {  	_ =	shalt  }
0x79: {  	_ =	shalt  }
0x7a: {  	_ =	shalt  }
0x7b: {  	_ =	shalt  }
0x7c: {  	_ =	shalt  }
0x7d: {  	_ =	shalt  }
0x7e: {  	_ =	shalt  }
0x7f: {  	_ =	shalt  }
0x80: {  	_ =	shalt  }
0x81: {  	_ =	shalt  }
0x82: {  	_ =	shalt  }
0x83: {  	_ =	shalt  }
0x84: {  	_ =	shalt  }
0x85: {  	_ =	shalt  }
0x86: {  	_ =	shalt  }
0x87: {  	_ =	shalt  }
.Lfunc_end0:
.L_simem_size_0:
called_computation_lowered:
.L_overlay_start_0:
0x88: {  	s2 =	sld [smem:$0x3FD9]  }
0x89: {  	s3 =	sld [smem:$0x3FFE];
	_ =	sdelay $0x1  }
0x8a: {  	s1 =	srdreg.scid  }
0x8b: {  	s0 =	sand.u32 $0x1, s1  }
0x8c: {  	s17 =	sshll.u32 s0, $0xA;
	s2 =	sadd.s32 s3, s2  }
0x8d: {  	s2 =	sadd.s32 s2, s17  }
0x8e: {  	[smem:$0x3FBE] =	sst s2  }
0x8f: {  	_ = 	snop  }
0x90: {  	s18 =	sld [smem:$0x3FD0];
	(tm) =	ssettm $0x1  }
0x91: {  	s19 =	sld [smem:$0x3FFB];
	_ =	sdelay $0x3  }
0x92: {  	_ =	strace s19  }
0x93: {  	s2 =	sld [smem:$0x3FFC];
	_ =	sdelay $0x3  }
0x94: {  	_ =	strace s2  }
0x95: {  	s2 =	sld [smem:$0x3FFD];
	_ =	sdelay $0x3  }
0x96: {  	_ =	strace s2  }
0x97: {  	_ =	strace $0x8FFFFFFF  }
0x98: {  	s20 =	sld [smem:$0x3FDB];
	_ =	sdelay $0x1  }
0x99: {  	s4 =	simm.s32 $_scs_section_size  }
0x9a: {  	s5 =	simm.s32 $_size__tile_overlayer_lowered;
	s6 =	simm.s32 $_tile_overlayer_lowered  }
0x9b: {  	s7 =	simm.s32 $0x1BFF;
	s21 =	sshll.u32 s6, $0x1;
	s4 =	sadd.s32 s4, s20  }
0x9c: {  	s22 =	simm.s32 $0x0;
	s5 =	sshll.u32 s5, $0x1;
	s6 =	sadd.s32 s21, s4  }
0x9d: {  	[timem:s22], [sflag:s7] =	dma.local [hbm:s6], s5  }
0x9e: {  	_ =	swait.ge [sflag:s7], s5  }
0x9f: {  	s5 =	ssub.s32 $0x0, s5;
	[sflag:s7] =	ssyncset.done $0x0  }
0xa0: {  	[sflag:s7] =	ssyncadd.s32 s5;
	_ =	sdelay $0x1  }
0xa1: {  	s23 =	simm.s32 $0x1B8B  }
0xa2: {  	_ =	swait.ge [sflag:s23], $0x1  }
0xa3: {  	[sflag:s23] =	ssyncset.done $0x0  }
0xa4: {  	[sflag:s23] =	ssyncadd.s32 $0xFFFFFFFF  }
0xa5: {  	s5 =	sld [smem:$0x0]  }
0xa6: {  	s6 =	sand.u32 $0xFFFFFFFE, s1  }
0xa7: {  	p0 =	sne.s32 s1, s6  }
0xa8: {  	s6 =	sshll.u32 @p0 s6, $0xE  }
0xa9: {  	s6 =	sadd.s32 @p0 $0x11B8D, s6;
	s7 =	sshll.u32 @p0 s5, $0x11  }
0xaa: {  	s6 =	sor.u32 @p0 s7, s6  }
0xab: {  	[sflag:s6] =	ssyncadd.remote.s32 @p0 $0x1;
	_ =	sdelay $0x1  }
0xac: {  	s6 =	simm.s32 @p0 $0x1B8D  }
0xad: {  	_ =	swait.eq @p0 [sflag:s6], $0x1  }
0xae: {  	[sflag:s6] =	ssyncadd.s32 @p0 $0xFFFFFFFF  }
0xaf: {  	s7 =	sshll.u32 @!p0 s1, $0xE  }
0xb0: {  	s7 =	sor.u32 @!p0 $0x4000, s7;
	s6 =	simm.s32 @!p0 $0x1B8D  }
0xb1: {  	s5 =	sshll.u32 @!p0 s5, $0x11;
	s7 =	sadd.s32 @!p0 $0x11B8D, s7;
	_ =	swait.eq @!p0 [sflag:s6], $0x1  }
0xb2: {  	s5 =	sor.u32 @!p0 s5, s7;
	[sflag:s6] =	ssyncadd.s32 @!p0 $0xFFFFFFFF  }
0xb3: {  	s25 =	simm.s32 $0x1B8E;
	s24 =	sld [smem:$0x3FFE];
	[sflag:s5] =	ssyncadd.remote.s32 @!p0 $0x1  }
0xb4: {  	s26 =	simm.s32 $execute0_lowered;
	[smem:$0x3FD2] =	sst s25  }
0xb5: {  	s6 =	sshll.u32 s26, $0x1;
	_ =	strace $0x80000049;
	[dreg:$0x1] =	wrdreg $0xFFFFFFFF  }
0xb6: {  	s28 =	simm.s32 $_size_execute0_lowered;
	s4 =	sadd.s32 s4, s6;
	[dreg:$0x0] =	wrdreg $0x0  }
0xb7: {  	s6 =	sshll.u32 s28, $0x1;
	[dreg:$0x2] =	wrdreg s4  }
0xb8: {  	[dreg:$0x3] =	wrdreg s6  }
0xb9: {  	[dreg:$0x4] =	wrdreg $0xC0  }
0xba: {  	_ =	task [dreg:s22], $0x5FFFF  }
0xbb: {  	[dreg:$0x1] =	wrdreg $0xFFFFFFFF  }
0xbc: {  	[dreg:$0x0] =	wrdreg $0x60  }
0xbd: {  	[dreg:$0x2] =	wrdreg s24  }
0xbe: {  	[dreg:$0x3] =	wrdreg s18  }
0xbf: {  	[dreg:$0x4] =	wrdreg $0xF7800  }
0xc0: {  	[dreg:$0x5] =	wrdreg $0x9  }
0xc1: {  	_ =	task.clear_ibuf [dreg:s22], $0x6FFFF;
	_ =	strace $0x90000049  }
0xc2: {  	s29 =	simm.s32 $0x9;
	_ =	strace $0x8000004B  }
0xc3: {  	_ =	swait.ge [sflag:s29], $0x1  }
0xc4: {  	[sflag:s29] =	ssyncadd.s32 $0xFFFFFFFF  }
0xc5: {  	_ =	strace $0x9000004B  }
0xc6: {  	_ =	sfence  }
0xc7: {  	s30 =	sld [smem:$0x0];
	_ =	sdelay $0x2  }
0xc8: {  	s31 =	sshll.u32 s1, $0xD;
	s1 =	sshrl.u32 s1, $0x2  }
0xc9: {  	s4 =	sand.u32 $0x4000, s31;
	s1 =	sadd.s32 s1, s30  }
0xca: {  	s0 =	sor.u32 s4, s0;
	s1 =	sshll.u32 s1, $0x11  }
0xcb: {  	s0 =	sor.u32 s1, s0  }
0xcc: {  	s0 =	sadd.s32 $0x8F2B, s0  }
0xcd: {  	[sflag:s0] =	ssyncadd.remote.s32 $0x1  }
0xce: {  	_ =	sfence.sel $0xFFFF  }
0xcf: {  	[dreg:$0x0] =	wrdreg $0xFFFFFFFF;
	(pc) =	sbr.abs _section_cstart, $3  }
0xd0: {  	[dreg:$0x1] =	wrdreg $0xFFFFFFFF  }
0xd1: {  	_ =	task.clear_ibuf [dreg:s22], $0x2FFFF;
	_ =	strace $0x9FFFFFFF  }
0xd2: {  	(tm) =	ssettm $0x7FFFFFFF  }
0xd3: {  	_ =	shalt  }
tec
execute0_lowered:
.L_overlay_start_1:
0x0: {  	(tag) =	ssettag $0x1  }
0x1: {  	s0 =	srdreg.scid  }
0x2: {  	s12 =	stileid.u32;
	s1 =	rddreg [dreg:$0x0]  }
0x3: {  	s6 =	rddreg [dreg:$0x1];
	s13 =	simm.s32 $0x7;
	s14 =	simm.s32 $0x2940  }
0x4: {  	s15 =	simm.s32 $0x78;
	s16 =	simm.s32 $0x5280;
	s17 =	simm.s32 $0x9D80  }
0x5: {  	s18 =	simm.s32 $0x7800;
	s20 =	simm.s32 $0xA500;
	s21 =	simm.s32 $0x1  }
0x6: {  	s22 =	simm.s32 $0x3;
	s23 =	simm.s32 $0xAC80;
	s28 =	simm.s32 $0x5  }
0x7: {  	s29 =	simm.s32 $0x6;
	s30 =	simm.s32 $0x0;
	s0 =	sand.u32 $0x1, s0  }
0x8: {  	s2 =	sshll.u32 s12, $0x1;
	s7 =	smul.u32 $0xC800, s12;
	s4 =	sadd.s32 $0x5DE00, s1  }
0x9: {  	s5 =	sadd.s32 $0x76E00, s1;
	s11 =	sadd.s32 $0x2A400, s1;
	s25 =	sshll.u32 s12, $0x6  }
0xa: {  	s3 =	sor.u32 s0, s2;
	s2 =	rddreg [dreg:$0x2];
	s9 =	smul.u32 $0xC8000, s0  }
0xb: {  	s0 =	ssub.s32 $0x2, s0;
	s8 =	smul.u32 $0x528, s3;
	s3 =	simm.s32 $0x0  }
0xc: {  	s24 =	sshrl.u32 s0, $0x1;
	s26 =	sadd.s32 s7, s2;
	[smem:$0x7FF] =	sst s3  }
0xd: {  	s9 =	sadd.s32 s7, s9;
	s0 =	ssub.s32 s0, s24;
	s7 =	sor.u32 $0x1C07, s25  }
0xe: {  	s12 =	sshrl.u32 s26, $0x3;
	s24 =	simm.s32 $0x2;
	s25 =	simm.s32 $0x4  }
0xf: {  	s26 =	simm.s32 $0xD200;
	_ =	strace $0x8000004A;
	s10 =	sadd.s32 s8, s1  }
0x10: {  	[dreg:$0x4] =	wrdreg s11;
	s9 =	sshrl.u32 s9, $0x3;
	s6 =	sadd.s32 s6, s8  }
0x11: {  	s1 =	sadd.s32 s9, s1;
	[dreg:$0x5] =	wrdreg s6;
	s31 =	sadd.s32 $0x1E00, s10  }
0x12: {  	s11 =	smax.u32 s0, $0x1;
	[dreg:$0x6] =	wrdreg s31;
	s10 =	sadd.s32 $0x7BE00, s1  }
.LBB2_1:
0x13: {  	s0 =	rddreg [dreg:$0x4]  }
0x14: {  	[spmem:s12], [sflag:s7] =	dma.local [hbm:s0], $0x1900  }
0x15: {  	_ =	swait.ge [sflag:s13], $0x1900  }
0x16: {  	[sflag:s13] =	ssyncset.done $0x0  }
0x17: {  	s8 =	rddreg [dreg:$0x5];
	[sflag:s13] =	ssyncadd.s32 $0xFFFFE700  }
0x18: {  	[tilespmem:s3], [sflag:$0x7] =	stream.linear.gather [hbm4b:s8+s3], $0x2940, $0x38;
	[tilespmem:$0x1BF80] =	vst v63  }
0x19: {  	_ =	swait.ge [sflag:s13], $0x2940  }
0x1a: {  	[sflag:s13] =	ssyncset.done $0x0  }
0x1b: {  	s9 =	rddreg [dreg:$0x6];
	[sflag:s13] =	ssyncadd.s32 $0xFFFFD6C0  }
0x1c: {  	[tilespmem:s14], [sflag:$0x7] =	stream.linear.gather [hbm4b:s9+s3], $0x2940, $0x38;
	[tilespmem:$0x1BF80] =	vst v63  }
0x1d: {  	_ =	swait.ge [sflag:s13], $0x2940  }
0x1e: {  	[sflag:s13] =	ssyncset.done $0x0  }
0x1f: {  	[sflag:s13] =	ssyncadd.s32 $0xFFFFD6C0  }
0x20: {  	[bflag:$0x0] =	sbarrier.arrive $0xFFFF  }
0x21: {  	[tilespmem:s16], [sflag:$0x1] =	stream.indirect.gather [hbm4b:s4+s15], $0x50, s3, s15, $0xb8;
	[tilespmem:$0x1BF80] =	vst v63  }
0x22: {  	_ = 	snop  }
0x23: {  	[tilespmem:s17], [sflag:$0x3] =	stream.indirect.gather [hbm4b:s5+s15], $0x10, s14, s15, $0xb8;
	[tilespmem:$0x1BF80] =	vst v63  }
0x24: {  	_ = 	snop  }
0x25: {  	[tilespmem:s18], [sflag:$0x2] =	stream.indirect.gather [hbm4b:s4+s15], $0x50, s15, s15, $0xb8;
	[tilespmem:$0x1BF80] =	vst v63  }
0x26: {  	s19 =	simm.s32 $0x29B8;
	s31 =	simm.s32 $0x0  }
0x27: {  	[tilespmem:s20], [sflag:$0x4] =	stream.indirect.gather [hbm4b:s5+s15], $0x10, s19, s15, $0xb8;
	[tilespmem:$0x1BF80] =	vst v63  }
.LBB2_2:
0x28: {  	_ =	swait.ge [sflag:s21], $0x2580  }
0x29: {  	[sflag:s21] =	ssyncset.done $0x0  }
0x2a: {  	[sflag:s21] =	ssyncadd.s32 $0xFFFFDA80  }
0x2b: {  	_ =	swait.ge [sflag:s22], $0x780  }
0x2c: {  	p0 =	seq.s32 s31, $0x0;
	[sflag:s22] =	ssyncset.done $0x0  }
0x2d: {  	s0 =	simm.s32 @!p0 $0x5;
	[sflag:s22] =	ssyncadd.s32 $0xFFFFF880  }
0x2e: {  	_ =	swait.ge @!p0 [sflag:s0], $0x2580  }
0x2f: {  	[sflag:s0] =	ssyncset.done @!p0 $0x0  }
0x30: {  	[sflag:s0] =	ssyncadd.s32 @!p0 $0xFFFFDA80;
	s0 =	simm.s32 $0x0  }
0x31: {  	s1 =	simm.s32 $0x9D80;
	s6 =	simm.s32 $0x140;
	v0 =	vld [tilespmem:s0+$0x52C0]  }
.LBB2_3:
0x32: {  	p1 =	sne.s32 s6, $0x94C0;
	v1 =	vld [tilespmem:s1+$0x0];
	_ =	sdelay $0x4  }
0x33: {  	v0 =	vadd.f32 v1, v0;
	_ =	sdelay $0x1  }
0x34: {  	v1 =	vmul.f32 $2.000000030e-01, v0;
	_ =	sdelay $0x1  }
0x35: {  	v0 =	vmax.f32 v0, v1  }
0x36: {  	v0 =	vmul.f32 $1.442695020e+00, v0;
	_ =	sdelay $0x1  }
0x37: {  	(erf) = vpow2.f32 v0;
	_ =	sdelay $0x4  }
0x38: {  	v0 =	vld [tilespmem:s0+$0x5280]  }
0x39: {  	v1 =	vld [tilespmem:s0+$0x5290]  }
0x3a: {  	v2 =	vld [tilespmem:s0+$0x52A0]  }
0x3b: {  	v3 =	vld [tilespmem:s0+$0x52B0]  }
0x3c: {  	v4 =	vpop (erf)  }
0x3d: {  	[tilespmem:s0+$0xACC0] =	vst v4;
	v5 =	vbroadcast v4, $0x0;
	v6 =	vbroadcast v4, $0x1  }
0x3e: {  	v7 =	vbroadcast v4, $0x2;
	v4 =	vbroadcast v4, $0x3  }
0x3f: {  	v0 =	vmul.f32 v5, v0;
	v1 =	vmul.f32 v6, v1  }
.Ltmp0:
0x40: {  	v2 =	vmul.f32 v7, v2;
	v3 =	vmul.f32 v3, v4;
	(pc) =	sbr.rel @p1 .LBB2_3-.Ltmp0, $4  }
0x41: {  	[tilespmem:s0+$0xAC80] =	vst v0  }
0x42: {  	[tilespmem:s0+$0xAC90] =	vst v1  }
0x43: {  	s8 =	sshra.s32 s6, $0x2;
	[tilespmem:s0+$0xACA0] =	vst v2  }
0x44: {  	s6 =	sadd.s32 $0x140, s6;
	s1 =	sadd.s32 $0x10, s1;
	v0 =	vld [tilespmem:s8+$0x52C0];
	[tilespmem:s0+$0xACB0] =	vst v3;
	s0 =	smov.u32 s8  }
0x45: {  	v1 =	vld [tilespmem:s1+$0x0];
	_ =	sdelay $0x4  }
0x46: {  	v0 =	vadd.f32 v1, v0;
	_ =	sdelay $0x1  }
0x47: {  	v1 =	vmul.f32 $2.000000030e-01, v0;
	_ =	sdelay $0x1  }
0x48: {  	v0 =	vmax.f32 v0, v1  }
0x49: {  	v0 =	vmul.f32 $1.442695020e+00, v0;
	_ =	sdelay $0x1  }
0x4a: {  	(erf) = vpow2.f32 v0;
	_ =	sdelay $0x6  }
0x4b: {  	v0 =	vld [tilespmem:s0+$0x5280]  }
0x4c: {  	v1 =	vld [tilespmem:s0+$0x5290]  }
0x4d: {  	v2 =	vld [tilespmem:s0+$0x52A0];
	v3 =	vpop (erf)  }
0x4e: {  	v4 =	vld [tilespmem:s0+$0x52B0];
	v5 =	vbroadcast v3, $0x0  }
0x4f: {  	v6 =	vbroadcast v3, $0x1  }
0x50: {  	v7 =	vbroadcast v3, $0x2;
	v0 =	vmul.f32 v5, v0  }
0x51: {  	[tilespmem:s0+$0xACC0] =	vst v3;
	v3 =	vbroadcast v3, $0x3;
	v1 =	vmul.f32 v6, v1  }
0x52: {  	s19 =	smul.u32 $0x3C0, s31;
	v2 =	vmul.f32 v7, v2;
	[tilespmem:s0+$0xAC80] =	vst v0  }
0x53: {  	v0 =	vmul.f32 v4, v3;
	[tilespmem:s0+$0xAC90] =	vst v1  }
0x54: {  	s1 =	sshra.s32 s19, $0x2;
	[tilespmem:s0+$0xACA0] =	vst v2  }
0x55: {  	s6 =	sadd.s32 $0x2940, s1;
	[tilespmem:s0+$0xACB0] =	vst v0;
	s0 =	smul.u32 $0xF0, s31  }
0x56: {  	[spmem:s2] =	stream.indirect.scatter.add.f32 [tilespmem:s23], [sflag:$0x5], $0x50, s6, s15, $0xb8;
	[tilespmem:$0x1BF80] =	vst v63  }
0x57: {  	p1 =	seq.s32 s31, $0x2B;
	s6 =	sadd.s32 $0xF0, s0  }
0x58: {  	s6 =	simm.s32 @p1 $0x0  }
0x59: {  	[tilespmem:s16], [sflag:$0x1] =	stream.indirect.gather [hbm4b:s4+s15], $0x50, s6, s15, $0xb8;
	[tilespmem:$0x1BF80] =	vst v63  }
0x5a: {  	s6 =	sadd.s32 $0x2940, s6  }
0x5b: {  	[tilespmem:s17], [sflag:$0x3] =	stream.indirect.gather [hbm4b:s5+s15], $0x10, s6, s15, $0xb8;
	[tilespmem:$0x1BF80] =	vst v63  }
0x5c: {  	_ =	swait.ge [sflag:s24], $0x2580  }
0x5d: {  	[sflag:s24] =	ssyncset.done $0x0  }
0x5e: {  	[sflag:s24] =	ssyncadd.s32 $0xFFFFDA80  }
0x5f: {  	_ =	swait.ge [sflag:s25], $0x780  }
0x60: {  	[sflag:s25] =	ssyncset.done $0x0  }
0x61: {  	s6 =	simm.s32 @!p0 $0x6;
	[sflag:s25] =	ssyncadd.s32 $0xFFFFF880  }
0x62: {  	_ =	swait.ge @!p0 [sflag:s6], $0x2580  }
0x63: {  	[sflag:s6] =	ssyncset.done @!p0 $0x0  }
0x64: {  	s19 =	simm.s32 $0x0;
	[sflag:s6] =	ssyncadd.s32 @!p0 $0xFFFFDA80  }
0x65: {  	s8 =	simm.s32 $0x140;
	s6 =	simm.s32 $0xA500;
	v0 =	vld [tilespmem:s19+$0x7840]  }
.LBB2_5:
0x66: {  	p0 =	sne.s32 s8, $0x94C0;
	v1 =	vld [tilespmem:s6+$0x0];
	_ =	sdelay $0x4  }
0x67: {  	v0 =	vadd.f32 v1, v0;
	_ =	sdelay $0x1  }
0x68: {  	v1 =	vmul.f32 $2.000000030e-01, v0;
	_ =	sdelay $0x1  }
0x69: {  	v0 =	vmax.f32 v0, v1  }
0x6a: {  	v0 =	vmul.f32 $1.442695020e+00, v0;
	_ =	sdelay $0x1  }
0x6b: {  	(erf) = vpow2.f32 v0;
	_ =	sdelay $0x4  }
0x6c: {  	v0 =	vld [tilespmem:s19+$0x7800]  }
0x6d: {  	v1 =	vld [tilespmem:s19+$0x7810]  }
0x6e: {  	v2 =	vld [tilespmem:s19+$0x7820]  }
0x6f: {  	v3 =	vld [tilespmem:s19+$0x7830]  }
0x70: {  	v4 =	vpop (erf)  }
0x71: {  	[tilespmem:s19+$0xD240] =	vst v4;
	v5 =	vbroadcast v4, $0x0;
	v6 =	vbroadcast v4, $0x1  }
0x72: {  	v7 =	vbroadcast v4, $0x2;
	v4 =	vbroadcast v4, $0x3  }
0x73: {  	v0 =	vmul.f32 v5, v0;
	v1 =	vmul.f32 v6, v1  }
.Ltmp1:
0x74: {  	v2 =	vmul.f32 v7, v2;
	v3 =	vmul.f32 v3, v4;
	(pc) =	sbr.rel @p0 .LBB2_5-.Ltmp1, $4  }
0x75: {  	[tilespmem:s19+$0xD200] =	vst v0  }
0x76: {  	[tilespmem:s19+$0xD210] =	vst v1  }
0x77: {  	s9 =	sshra.s32 s8, $0x2;
	[tilespmem:s19+$0xD220] =	vst v2  }
0x78: {  	s8 =	sadd.s32 $0x140, s8;
	s6 =	sadd.s32 $0x10, s6;
	v0 =	vld [tilespmem:s9+$0x7840];
	[tilespmem:s19+$0xD230] =	vst v3;
	s19 =	smov.u32 s9  }
0x79: {  	v1 =	vld [tilespmem:s6+$0x0];
	_ =	sdelay $0x4  }
0x7a: {  	v0 =	vadd.f32 v1, v0;
	_ =	sdelay $0x1  }
0x7b: {  	v1 =	vmul.f32 $2.000000030e-01, v0;
	_ =	sdelay $0x1  }
0x7c: {  	v0 =	vmax.f32 v0, v1  }
0x7d: {  	v0 =	vmul.f32 $1.442695020e+00, v0;
	_ =	sdelay $0x1  }
0x7e: {  	(erf) = vpow2.f32 v0;
	_ =	sdelay $0x6  }
0x7f: {  	v61 =	vld [tilespmem:s19+$0x7800]  }
0x80: {  	v62 =	vld [tilespmem:s19+$0x7810]  }
0x81: {  	v2 =	vld [tilespmem:s19+$0x7820];
	v3 =	vpop (erf)  }
0x82: {  	v4 =	vld [tilespmem:s19+$0x7830];
	v5 =	vbroadcast v3, $0x0  }
0x83: {  	v6 =	vbroadcast v3, $0x1  }
0x84: {  	v7 =	vbroadcast v3, $0x2;
	v0 =	vmul.f32 v5, v61  }
0x85: {  	[tilespmem:s19+$0xD240] =	vst v3;
	v3 =	vbroadcast v3, $0x3;
	v1 =	vmul.f32 v6, v62  }
0x86: {  	v2 =	vmul.f32 v7, v2;
	[tilespmem:s19+$0xD200] =	vst v0  }
0x87: {  	v63 =	vmul.f32 v4, v3;
	[tilespmem:s19+$0xD210] =	vst v1  }
0x88: {  	s31 =	sadd.s32 $0x1, s31;
	[tilespmem:s19+$0xD220] =	vst v2  }
0x89: {  	s1 =	sadd.s32 $0x29B8, s1;
	p0 =	sne.s32 s31, $0x2C;
	[tilespmem:s19+$0xD230] =	vst v63  }
0x8a: {  	[spmem:s2] =	stream.indirect.scatter.add.f32 [tilespmem:s26], [sflag:$0x6], $0x50, s1, s15, $0xb8;
	[tilespmem:$0x1BF80] =	vst v63  }
.Ltmp2:
0x8b: {  	s0 =	sadd.s32 $0x168, s0;
	(pc) =	sbr.rel @p0 .LBB2_2-.Ltmp2, $4  }
0x8c: {  	s0 =	simm.s32 @p1 $0x0  }
0x8d: {  	[tilespmem:s18], [sflag:$0x2] =	stream.indirect.gather [hbm4b:s4+s15], $0x50, s0, s15, $0xb8;
	[tilespmem:$0x1BF80] =	vst v63  }
0x8e: {  	s0 =	sadd.s32 $0x2940, s0  }
0x8f: {  	[tilespmem:s20], [sflag:$0x4] =	stream.indirect.gather [hbm4b:s5+s15], $0x10, s0, s15, $0xb8;
	[tilespmem:$0x1BF80] =	vst v63  }
0x90: {  	_ =	swait.ge [sflag:s21], $0x2580  }
0x91: {  	[sflag:s21] =	ssyncset.done $0x0  }
0x92: {  	[sflag:s21] =	ssyncadd.s32 $0xFFFFDA80  }
0x93: {  	_ =	swait.ge [sflag:s22], $0x780  }
0x94: {  	[sflag:s22] =	ssyncset.done $0x0  }
0x95: {  	[sflag:s22] =	ssyncadd.s32 $0xFFFFF880  }
0x96: {  	_ =	swait.ge [sflag:s24], $0x2580  }
0x97: {  	[sflag:s24] =	ssyncset.done $0x0  }
0x98: {  	[sflag:s24] =	ssyncadd.s32 $0xFFFFDA80  }
0x99: {  	_ =	swait.ge [sflag:s25], $0x780  }
0x9a: {  	[sflag:s25] =	ssyncset.done $0x0  }
0x9b: {  	[sflag:s25] =	ssyncadd.s32 $0xFFFFF880  }
0x9c: {  	_ =	swait.ge [sflag:s28], $0x2580  }
0x9d: {  	[sflag:s28] =	ssyncset.done $0x0  }
0x9e: {  	[sflag:s28] =	ssyncadd.s32 $0xFFFFDA80  }
0x9f: {  	_ =	swait.ge [sflag:s29], $0x2580  }
0xa0: {  	s30 =	sadd.s32 $0x1, s30;
	[sflag:s29] =	ssyncset.done $0x0  }
0xa1: {  	p0 =	sne.s32 s30, s11;
	[sflag:s29] =	ssyncadd.s32 $0xFFFFDA80  }
.Ltmp3:
0xa2: {  	[bflag:$0x0] =	sbarrier.arrive $0xFFFF;
	(pc) =	sbr.rel @p0 .LBB2_1-.Ltmp3, $4  }
0xa3: {  	[hbm:s10], [sflag:s7] =	dma.local [spmem:s12], $0x1900  }
0xa4: {  	_ =	swait.ge [sflag:s13], $0x1900  }
0xa5: {  	[sflag:s13] =	ssyncset.done $0x0  }
0xa6: {  	[sflag:s13] =	ssyncadd.s32 $0xFFFFE700  }
0xa7: {  	_ =	sfence.sel $0x180000  }
0xa8: {  	[bflag:$0x0] =	sbarrier.arrive $0xFFFF  }
0xa9: {  	_ =	strace $0x9000004A  }
0xaa: {  	s0 =	stileid.u32;
	[bflag:$0x2] =	sbarrier.arrive $0xFFFF  }
0xab: {  	p0 =	sne.s32 s0, $0x0;
	s0 =	rddreg [dreg:$0x3]  }
0xac: {  	s0 =	sadd.s32 @!p0 $0x100000, s0  }
0xad: {  	[sflag:s0] =	ssyncadd.tile.s32 @!p0 $0x1;
	_ =	shalt  }
.Lfunc_end2:
_tile_overlayer_lowered:
.L_overlay_start_2:
0xae: {  	(tag) =	ssettag $0x2  }
0xaf: {  	s0 =	rddreg [dreg:$0x0];
	s2 =	stileid.u32  }
0xb0: {  	s1 =	rddreg [dreg:$0x1];
	p0 =	sne.s32 s2, $0x0  }
0xb1: {  	s3 =	rddreg [dreg:$0x2];
	[bflag:$0x3] =	sbarrier.arrive $0xFFFF;
	s2 =	simm.s32 @!p0 $0x1C07  }
0xb2: {  	[timem:s3], [sflag:s2] =	dma.local @!p0 [hbm:s0], s1  }
0xb3: {  	s0 =	simm.s32 @!p0 $0x7  }
0xb4: {  	_ =	swait.ge @!p0 [sflag:s0], s1  }
0xb5: {  	s1 =	ssub.s32 @!p0 $0x0, s1;
	[sflag:s0] =	ssyncset.done @!p0 $0x0  }
0xb6: {  	[sflag:s0] =	ssyncadd.s32 @!p0 s1  }
0xb7: {  	[bflag:$0x3] =	sbarrier.arrive $0xFFFF  }
0xb8: {  	_ =	shalt  }

</sc_bundles>
